<compile_context>
chip_gen: v7x
topology: tpu7x:2x2x1
jax: 0.10.2.dev20260603
libtpu: 0.0.44.dev20260713+nightly
codegen_flags: <defaults>
</compile_context>

<pallas_src>
import functools

import jax
import jax.numpy as jnp
from jax import lax
from jax.experimental import pallas as pl
from jax.experimental.pallas import tpu as pltpu
from jax.experimental.pallas import tpu_sc as plsc

NC = 2
NS = 16
CHUNK = 128
NBUF = 2


def _sc_mesh():
    return plsc.VectorSubcoreMesh(
        core_axis_name="c", subcore_axis_name="s", num_cores=NC,
        num_subcores=NS)


def _deg_kernel(n, e_pad, n_acc, z_rows):
    per_tile = e_pad // (NC * NS)
    n_ch = per_tile // CHUNK
    n_z = z_rows // CHUNK

    @functools.partial(
        pl.kernel,
        out_type=jax.ShapeDtypeStruct((NC, n_acc, 128), jnp.float32),
        mesh=_sc_mesh(),
        scratch_types=[
            pltpu.VMEM_SHARED((n_acc, 128), jnp.float32),
            pltpu.VMEM((CHUNK, 128), jnp.float32),
            pltpu.VMEM((CHUNK,), jnp.int32),
        ],
    )
    def k(dst_hbm, ones_hbm, zeros_hbm, out_hbm, acc, ones_v, idx_v):
        c = lax.axis_index("c")
        s = lax.axis_index("s")
        tid = c * NS + s
        pltpu.sync_copy(zeros_hbm, ones_v)
        for q in range(n_z):
            pltpu.sync_copy(ones_v,
                            acc.at[pl.ds(s * z_rows + q * CHUNK, CHUNK)])
        pltpu.sync_copy(ones_hbm, ones_v)
        plsc.subcore_barrier()
        base = tid * per_tile

        def step(i, carry):
            pltpu.sync_copy(dst_hbm.at[pl.ds(base + i * CHUNK, CHUNK)], idx_v)
            pltpu.sync_copy(ones_v, acc.at[idx_v], add=True)
            return carry

        lax.fori_loop(0, n_ch, step, 0)
        plsc.subcore_barrier()
        for q in range(n_z):
            row0 = s * z_rows + q * CHUNK
            pltpu.sync_copy(acc.at[pl.ds(row0, CHUNK)], ones_v)
            pltpu.sync_copy(ones_v, out_hbm.at[c, pl.ds(row0, CHUNK)])

    return k


def _scatter_kernel(n, e_pad, n_acc, z_rows):
    ept = e_pad // NS
    n_ch = ept // CHUNK
    n_rounds = n_ch // NBUF
    n_z = z_rows // CHUNK

    @functools.partial(
        pl.kernel,
        out_type=jax.ShapeDtypeStruct((NC, n_acc, 128), jnp.float32),
        mesh=_sc_mesh(),
        scratch_types=[
            pltpu.VMEM_SHARED((n_acc, 128), jnp.float32),
            pltpu.VMEM((CHUNK,), jnp.int32),
            pltpu.VMEM((CHUNK,), jnp.int32),
            pltpu.VMEM((CHUNK,), jnp.int32),
            pltpu.VMEM((CHUNK,), jnp.int32),
            pltpu.VMEM((CHUNK, 128), jnp.float32),
            pltpu.VMEM((CHUNK, 128), jnp.float32),
            pltpu.SemaphoreType.DMA,
            pltpu.SemaphoreType.DMA,
            pltpu.SemaphoreType.DMA,
            pltpu.SemaphoreType.DMA,
        ],
    )
    def k(hp_hbm, srcs_hbm, dst_hbm, zeros_hbm, out_hbm,
          acc, sidx0, sidx1, didx0, didx1, g0, g1, gs0, gs1, ss0, ss1):
        c = lax.axis_index("c")
        s = lax.axis_index("s")
        bufs = ((g0, sidx0, didx0, gs0, ss0), (g1, sidx1, didx1, gs1, ss1))
        pltpu.sync_copy(zeros_hbm, g0)
        for q in range(n_z):
            pltpu.sync_copy(g0, acc.at[pl.ds(s * z_rows + q * CHUNK, CHUNK)])
        plsc.subcore_barrier()
        base = s * ept

        def round_body(r, carry):
            for b, (gb, sb, db, gsm, ssm) in enumerate(bufs):
                off_cur = (r * NBUF + b) * CHUNK
                off_prev = off_cur - NBUF * CHUNK

                @pl.when(r > 0)
                def _():
                    pltpu.sync_copy(
                        dst_hbm.at[pl.ds(base + off_prev, CHUNK)], db)
                    pltpu.make_async_copy(hp_hbm.at[sb], gb, gsm).wait()
                    pltpu.async_copy(gb, acc.at[db], ssm, add=True)
                    pltpu.make_async_copy(gb, acc.at[db], ssm).wait()

                @pl.when(r < n_rounds)
                def _():
                    pltpu.sync_copy(
                        srcs_hbm.at[pl.ds(c * e_pad + base + off_cur, CHUNK)],
                        sb)
                    pltpu.async_copy(hp_hbm.at[sb], gb, gsm)
            return carry

        lax.fori_loop(0, n_rounds + 1, round_body, 0)
        plsc.subcore_barrier()
        for q in range(n_z):
            row0 = s * z_rows + q * CHUNK
            pltpu.sync_copy(acc.at[pl.ds(row0, CHUNK)], g0)
            pltpu.sync_copy(g0, out_hbm.at[c, pl.ds(row0, CHUNK)])

    return k


def _tc0(cnt, x, w1r, n_blk, blk):
    n = x.shape[0]

    def body(cnt_ref, x_ref, w_ref, hp_ref, dinv_ref):
        deg = cnt_ref[0, :, 0:1] + cnt_ref[1, :, 0:1] + 1.0
        dinv = lax.rsqrt(deg)
        dinv_ref[...] = dinv
        h = jnp.dot(x_ref[...], w_ref[0], preferred_element_type=jnp.float32)
        hp_ref[...] = (dinv * h)[None]

    return pl.pallas_call(
        body,
        grid=(n_blk, NC),
        in_specs=[
            pl.BlockSpec((NC, blk, 128), lambda i, j: (0, i, 0)),
            pl.BlockSpec((blk, 128), lambda i, j: (i, 0)),
            pl.BlockSpec((1, 128, 128), lambda i, j: (j, 0, 0)),
        ],
        out_specs=[
            pl.BlockSpec((1, blk, 128), lambda i, j: (j, i, 0)),
            pl.BlockSpec((blk, 1), lambda i, j: (i, 0)),
        ],
        out_shape=[
            jax.ShapeDtypeStruct((NC, n, 128), jnp.float32),
            jax.ShapeDtypeStruct((n, 1), jnp.float32),
        ],
    )(cnt, x, w1r)


def _tc_mid(acc, hp, dinv, b2, wr, n_blk, blk):
    n = hp.shape[1]

    def body(acc_ref, hp_ref, dinv_ref, b_ref, w_ref, out_ref):
        dinv = dinv_ref[...]
        z0 = jnp.maximum(dinv * (acc_ref[0] + hp_ref[0]) + b_ref[0:1, :], 0.0)
        z1 = jnp.maximum(dinv * (acc_ref[1] + hp_ref[1]) + b_ref[1:2, :], 0.0)
        h = (jnp.dot(z0, w_ref[0, 0], preferred_element_type=jnp.float32)
             + jnp.dot(z1, w_ref[1, 0], preferred_element_type=jnp.float32))
        out_ref[...] = (dinv * h)[None]

    return pl.pallas_call(
        body,
        grid=(n_blk, NC),
        in_specs=[
            pl.BlockSpec((NC, blk, 128), lambda i, j: (0, i, 0)),
            pl.BlockSpec((NC, blk, 128), lambda i, j: (0, i, 0)),
            pl.BlockSpec((blk, 1), lambda i, j: (i, 0)),
            pl.BlockSpec((NC, 128), lambda i, j: (0, 0)),
            pl.BlockSpec((NC, 1, 128, 128), lambda i, j: (0, j, 0, 0)),
        ],
        out_specs=pl.BlockSpec((1, blk, 128), lambda i, j: (j, i, 0)),
        out_shape=jax.ShapeDtypeStruct((NC, n, 128), jnp.float32),
    )(acc, hp, dinv, b2, wr)


def _tc_fin(acc, hp, dinv, b2, batch3, wlp, blp, n_blk, blk, g):

    def body(acc_ref, hp_ref, dinv_ref, b_ref, bt_ref, wl_ref, bl_ref,
             out_ref, pooled, cnts):
        i = pl.program_id(0)

        @pl.when(i == 0)
        def _():
            pooled[...] = jnp.zeros_like(pooled)
            cnts[...] = jnp.zeros_like(cnts)

        dinv = dinv_ref[...]
        z0 = dinv * (acc_ref[0] + hp_ref[0]) + b_ref[0:1, :]
        z1 = dinv * (acc_ref[1] + hp_ref[1]) + b_ref[1:2, :]
        bt = bt_ref[0]
        gid = lax.broadcasted_iota(jnp.int32, (g, blk), 0)
        oh = (jnp.broadcast_to(bt, (g, blk)) == gid).astype(jnp.float32)
        pooled[:, 0:128] += jnp.dot(oh, z0, preferred_element_type=jnp.float32)
        pooled[:, 128:256] += jnp.dot(oh, z1,
                                      preferred_element_type=jnp.float32)
        cnts[...] += jnp.broadcast_to(jnp.sum(oh, axis=1, keepdims=True),
                                      cnts.shape)

        @pl.when(i == n_blk - 1)
        def _():
            cnt = jnp.maximum(cnts[:, 0:1], 1.0)
            pk = pooled[...] / cnt
            out_ref[...] = (jnp.dot(pk, wl_ref[...],
                                    preferred_element_type=jnp.float32)
                            + bl_ref[...])

    return pl.pallas_call(
        body,
        grid=(n_blk,),
        in_specs=[
            pl.BlockSpec((NC, blk, 128), lambda i: (0, i, 0)),
            pl.BlockSpec((NC, blk, 128), lambda i: (0, i, 0)),
            pl.BlockSpec((blk, 1), lambda i: (i, 0)),
            pl.BlockSpec((NC, 128), lambda i: (0, 0)),
            pl.BlockSpec((1, 1, blk), lambda i: (i, 0, 0)),
            pl.BlockSpec((256, 128), lambda i: (0, 0)),
            pl.BlockSpec((1, 128), lambda i: (0, 0)),
        ],
        out_specs=pl.BlockSpec((g, 128), lambda i: (0, 0)),
        out_shape=jax.ShapeDtypeStruct((g, 128), jnp.float32),
        scratch_shapes=[
            pltpu.VMEM((g, 256), jnp.float32),
            pltpu.VMEM((g, 128), jnp.float32),
        ],
    )(acc, hp, dinv, b2, batch3, wlp, blp)


def kernel(x, edge_index, batch, W1, b1, W2, b2, W3, b3, Wl, bl):
    n, f_in = x.shape
    e = edge_index.shape[1]
    h = W2.shape[0]
    c_out = Wl.shape[1]
    g = 64

    unit = NS * CHUNK * NBUF
    e_pad = ((e + unit - 1) // unit) * unit
    z_rows = ((n // NS) // CHUNK + 1) * CHUNK
    np_ = NS * z_rows
    dummy = n

    src = edge_index[0]
    dst = edge_index[1]
    pad = e_pad - e
    srcp = jnp.concatenate([src, jnp.zeros((pad,), jnp.int32)])
    dstp = jnp.concatenate([dst, jnp.full((pad,), dummy, jnp.int32)])
    srcs2 = jnp.concatenate([srcp, srcp + np_])

    ones128 = jnp.ones((CHUNK, 128), jnp.float32)
    zeros128 = jnp.zeros((CHUNK, 128), jnp.float32)

    xp = jnp.pad(x, ((0, np_ - n), (0, 0)))
    batchp = jnp.concatenate([batch, jnp.full((np_ - n,), g, jnp.int32)])

    w1r = W1.reshape(f_in, NC, 128).transpose(1, 0, 2)
    w2r = W2.reshape(NC, 128, NC, 128).transpose(0, 2, 1, 3)
    w3r = W3.reshape(NC, 128, NC, 128).transpose(0, 2, 1, 3)
    b1_2 = b1.reshape(NC, 128)
    b2_2 = b2.reshape(NC, 128)
    b3_2 = b3.reshape(NC, 128)
    wlp = jnp.pad(Wl, ((0, 0), (0, 128 - c_out)))
    blp = jnp.pad(bl, (0, 128 - c_out))[None, :]

    blk = 2 * z_rows
    n_blk = np_ // blk
    batch3 = batchp.reshape(n_blk, 1, blk)

    cnt = _deg_kernel(n, e_pad, np_, z_rows)(dstp, ones128, zeros128)
    hp1, dinv = _tc0(cnt, xp, w1r, n_blk, blk)

    scat = _scatter_kernel(n, e_pad, np_, z_rows)
    acc1 = scat(hp1.reshape(NC * np_, 128), srcs2, dstp, zeros128)
    hp2 = _tc_mid(acc1, hp1, dinv, b1_2, w2r, n_blk, blk)
    acc2 = scat(hp2.reshape(NC * np_, 128), srcs2, dstp, zeros128)
    hp3 = _tc_mid(acc2, hp2, dinv, b2_2, w3r, n_blk, blk)
    acc3 = scat(hp3.reshape(NC * np_, 128), srcs2, dstp, zeros128)

    outp = _tc_fin(acc3, hp3, dinv, b3_2, batch3, wlp, blp, n_blk, blk, g)
    return outp[:, :c_out]

# --- scband reference (transcript-rebuilt; emitter-appended) ---
"""Pipeline reference for scband-gcn-84559316123887 (READ-ONLY COPY).

The authoritative reference and input builder live on the scoring server;
editing this copy changes nothing except your own understanding.
"""

import jax, jax.numpy as jnp
import numpy as np

N = 10000
E = 320000
F_IN = 128
H = 256
C = 4
G = 64


def setup_inputs(seed: int = 0) -> dict:
    key = jax.random.key(seed)
    ks = jax.random.split(key, 12)
    x = jax.random.normal(ks[0], (N, F_IN), dtype=jnp.float32)
    edge_index = jax.random.randint(ks[1], (2, E), 0, N, dtype=jnp.int32)
    batch = jnp.sort(jax.random.randint(ks[2], (N,), 0, G, dtype=jnp.int32))
    s = 0.05
    W1 = jax.random.normal(ks[3], (F_IN, H), dtype=jnp.float32) * s
    b1 = jnp.zeros((H,), dtype=jnp.float32)
    W2 = jax.random.normal(ks[4], (H, H), dtype=jnp.float32) * s
    b2 = jnp.zeros((H,), dtype=jnp.float32)
    W3 = jax.random.normal(ks[5], (H, H), dtype=jnp.float32) * s
    b3 = jnp.zeros((H,), dtype=jnp.float32)
    Wl = jax.random.normal(ks[6], (H, C), dtype=jnp.float32) * s
    bl = jnp.zeros((C,), dtype=jnp.float32)
    return {"x": x, "edge_index": edge_index, "batch": batch,
            "W1": W1, "b1": b1, "W2": W2, "b2": b2, "W3": W3, "b3": b3,
            "Wl": Wl, "bl": bl}


def _gcn_conv(x, src, dst, norm, W, b, n):
    # GCNConv: symmetric-normalized aggregation of linearly transformed features
    h = x @ W
    msg = h[src] * norm[:, None]
    out = jax.ops.segment_sum(msg, dst, num_segments=n)
    return out + b


def reference(x, edge_index, batch, W1, b1, W2, b2, W3, b3, Wl, bl):
    n = x.shape[0]
    loop = jnp.arange(n, dtype=edge_index.dtype)
    src = jnp.concatenate([edge_index[0], loop])
    dst = jnp.concatenate([edge_index[1], loop])
    ones = jnp.ones(src.shape[0], dtype=x.dtype)
    deg = jax.ops.segment_sum(ones, dst, num_segments=n)
    dinv = jnp.where(deg > 0, jax.lax.rsqrt(deg), 0.0)
    norm = dinv[src] * dinv[dst]

    h = jax.nn.relu(_gcn_conv(x, src, dst, norm, W1, b1, n))
    h = jax.nn.relu(_gcn_conv(h, src, dst, norm, W2, b2, n))
    h = _gcn_conv(h, src, dst, norm, W3, b3, n)

    # global_mean_pool over `batch`
    counts = jax.ops.segment_sum(jnp.ones(n, dtype=h.dtype), batch, num_segments=G)
    pooled = jax.ops.segment_sum(h, batch, num_segments=G)
    pooled = pooled / jnp.maximum(counts, 1.0)[:, None]

    # dropout is identity in eval mode
    out = pooled @ Wl + bl
    return out

if __name__ == "__main__":
    import jax
    _d = setup_inputs()
    print(jax.jit(kernel)(*tuple(_d.values())))

</pallas_src>

<mosaic_0001>
#map = affine_map<(d0, d1) -> (0, 0)>
#map1 = affine_map<(d0, d1) -> (0)>
#map2 = affine_map<(d0, d1) -> (0, 0, 0)>
module attributes {stable_mosaic.version = 14 : i64} {
  func.func @k(%arg0: i32, %arg1: i32, %arg2: memref<20480x128xf32, #tpu.memory_space<hbm>>, %arg3: memref<647168xi32, #tpu.memory_space<hbm>>, %arg4: memref<323584xi32, #tpu.memory_space<hbm>>, %arg5: memref<128x128xf32, #tpu.memory_space<hbm>>, %arg6: memref<2x10240x128xf32, #tpu.memory_space<hbm>>, %arg7: memref<10240x128xf32, #tpu.memory_space<vmem_shared>>, %arg8: memref<128xi32, #tpu.memory_space<vmem>>, %arg9: memref<128xi32, #tpu.memory_space<vmem>>, %arg10: memref<128xi32, #tpu.memory_space<vmem>>, %arg11: memref<128xi32, #tpu.memory_space<vmem>>, %arg12: memref<128x128xf32, #tpu.memory_space<vmem>>, %arg13: memref<128x128xf32, #tpu.memory_space<vmem>>, %arg14: memref<!tpu.dma_semaphore, #tpu.memory_space<semaphore_mem>>, %arg15: memref<!tpu.dma_semaphore, #tpu.memory_space<semaphore_mem>>, %arg16: memref<!tpu.dma_semaphore, #tpu.memory_space<semaphore_mem>>, %arg17: memref<!tpu.dma_semaphore, #tpu.memory_space<semaphore_mem>>) attributes {dimension_semantics = [#tpu.dimension_semantics<core_parallel>, #tpu.dimension_semantics<subcore_parallel>], iteration_bounds = array<i64: 2, 16>, scalar_prefetch = 0 : i64, scratch_operands = 11 : i64, tpu.core_type = #tpu.core_type<sc_vector_subcore>, window_params = [{transform_indices = #map}, {transform_indices = #map1}, {transform_indices = #map1}, {transform_indices = #map}, {transform_indices = #map2}]} {
    "tpu.region"() ({
      %run_scoped3A = tpu.sem_alloc : memref<!tpu.dma_semaphore, #tpu.memory_space<semaphore_mem>>
      tpu.enqueue_dma source(%arg5 : memref<128x128xf32, #tpu.memory_space<hbm>>) target(%arg12 : memref<128x128xf32, #tpu.memory_space<vmem>>) target_semaphore(%run_scoped3A : memref<!tpu.dma_semaphore, #tpu.memory_space<semaphore_mem>>)
      tpu.wait_dma2 semaphore(%run_scoped3A : memref<!tpu.dma_semaphore, #tpu.memory_space<semaphore_mem>>) src(%arg5 : memref<128x128xf32, #tpu.memory_space<hbm>>) dst(%arg12 : memref<128x128xf32, #tpu.memory_space<vmem>>)
      tpu.yield
    }) : () -> ()
    %mul3A = arith.constant 640 : i32
    %mul3A_0 = arith.muli %arg1, %mul3A : i32
    %add3A = arith.constant 0 : i32
    %add3A_1 = arith.addi %mul3A_0, %add3A : i32
    "tpu.region"() ({
      %run_scoped3A = tpu.sem_alloc : memref<!tpu.dma_semaphore, #tpu.memory_space<semaphore_mem>>
      %dma_start3A = arith.constant 0 : i32
      %dma_start3A_46 = tpu.memref_slice %arg7[%add3A_1, %dma_start3A] : memref<10240x128xf32, #tpu.memory_space<vmem_shared>> -> memref<128x128xf32, #tpu.memory_space<vmem_shared>>
      %dma_start3A_47 = arith.constant 0 : i32
      %dma_start3A_48 = tpu.memref_slice %arg7[%add3A_1, %dma_start3A_47] : memref<10240x128xf32, #tpu.memory_space<vmem_shared>> -> memref<128x128xf32, #tpu.memory_space<vmem_shared>>
      tpu.enqueue_dma source(%arg12 : memref<128x128xf32, #tpu.memory_space<vmem>>) target(%dma_start3A_48 : memref<128x128xf32, #tpu.memory_space<vmem_shared>>) target_semaphore(%run_scoped3A : memref<!tpu.dma_semaphore, #tpu.memory_space<semaphore_mem>>)
      %dma_wait3A = arith.constant 0 : i32
      %dma_wait3A_49 = tpu.memref_slice %arg7[%add3A_1, %dma_wait3A] : memref<10240x128xf32, #tpu.memory_space<vmem_shared>> -> memref<128x128xf32, #tpu.memory_space<vmem_shared>>
      %dma_wait3A_50 = arith.constant 0 : i32
      %dma_wait3A_51 = tpu.memref_slice %arg7[%add3A_1, %dma_wait3A_50] : memref<10240x128xf32, #tpu.memory_space<vmem_shared>> -> memref<128x128xf32, #tpu.memory_space<vmem_shared>>
      tpu.wait_dma2 semaphore(%run_scoped3A : memref<!tpu.dma_semaphore, #tpu.memory_space<semaphore_mem>>) src(%arg12 : memref<128x128xf32, #tpu.memory_space<vmem>>) dst(%dma_wait3A_51 : memref<128x128xf32, #tpu.memory_space<vmem_shared>>)
      tpu.yield
    }) : () -> ()
    %mul3A_2 = arith.constant 640 : i32
    %mul3A_3 = arith.muli %arg1, %mul3A_2 : i32
    %add3A_4 = arith.constant 128 : i32
    %add3A_5 = arith.addi %mul3A_3, %add3A_4 : i32
    "tpu.region"() ({
      %run_scoped3A = tpu.sem_alloc : memref<!tpu.dma_semaphore, #tpu.memory_space<semaphore_mem>>
      %dma_start3A = arith.constant 0 : i32
      %dma_start3A_46 = tpu.memref_slice %arg7[%add3A_5, %dma_start3A] : memref<10240x128xf32, #tpu.memory_space<vmem_shared>> -> memref<128x128xf32, #tpu.memory_space<vmem_shared>>
      %dma_start3A_47 = arith.constant 0 : i32
      %dma_start3A_48 = tpu.memref_slice %arg7[%add3A_5, %dma_start3A_47] : memref<10240x128xf32, #tpu.memory_space<vmem_shared>> -> memref<128x128xf32, #tpu.memory_space<vmem_shared>>
      tpu.enqueue_dma source(%arg12 : memref<128x128xf32, #tpu.memory_space<vmem>>) target(%dma_start3A_48 : memref<128x128xf32, #tpu.memory_space<vmem_shared>>) target_semaphore(%run_scoped3A : memref<!tpu.dma_semaphore, #tpu.memory_space<semaphore_mem>>)
      %dma_wait3A = arith.constant 0 : i32
      %dma_wait3A_49 = tpu.memref_slice %arg7[%add3A_5, %dma_wait3A] : memref<10240x128xf32, #tpu.memory_space<vmem_shared>> -> memref<128x128xf32, #tpu.memory_space<vmem_shared>>
      %dma_wait3A_50 = arith.constant 0 : i32
      %dma_wait3A_51 = tpu.memref_slice %arg7[%add3A_5, %dma_wait3A_50] : memref<10240x128xf32, #tpu.memory_space<vmem_shared>> -> memref<128x128xf32, #tpu.memory_space<vmem_shared>>
      tpu.wait_dma2 semaphore(%run_scoped3A : memref<!tpu.dma_semaphore, #tpu.memory_space<semaphore_mem>>) src(%arg12 : memref<128x128xf32, #tpu.memory_space<vmem>>) dst(%dma_wait3A_51 : memref<128x128xf32, #tpu.memory_space<vmem_shared>>)
      tpu.yield
    }) : () -> ()
    %mul3A_6 = arith.constant 640 : i32
    %mul3A_7 = arith.muli %arg1, %mul3A_6 : i32
    %add3A_8 = arith.constant 256 : i32
    %add3A_9 = arith.addi %mul3A_7, %add3A_8 : i32
    "tpu.region"() ({
      %run_scoped3A = tpu.sem_alloc : memref<!tpu.dma_semaphore, #tpu.memory_space<semaphore_mem>>
      %dma_start3A = arith.constant 0 : i32
      %dma_start3A_46 = tpu.memref_slice %arg7[%add3A_9, %dma_start3A] : memref<10240x128xf32, #tpu.memory_space<vmem_shared>> -> memref<128x128xf32, #tpu.memory_space<vmem_shared>>
      %dma_start3A_47 = arith.constant 0 : i32
      %dma_start3A_48 = tpu.memref_slice %arg7[%add3A_9, %dma_start3A_47] : memref<10240x128xf32, #tpu.memory_space<vmem_shared>> -> memref<128x128xf32, #tpu.memory_space<vmem_shared>>
      tpu.enqueue_dma source(%arg12 : memref<128x128xf32, #tpu.memory_space<vmem>>) target(%dma_start3A_48 : memref<128x128xf32, #tpu.memory_space<vmem_shared>>) target_semaphore(%run_scoped3A : memref<!tpu.dma_semaphore, #tpu.memory_space<semaphore_mem>>)
      %dma_wait3A = arith.constant 0 : i32
      %dma_wait3A_49 = tpu.memref_slice %arg7[%add3A_9, %dma_wait3A] : memref<10240x128xf32, #tpu.memory_space<vmem_shared>> -> memref<128x128xf32, #tpu.memory_space<vmem_shared>>
      %dma_wait3A_50 = arith.constant 0 : i32
      %dma_wait3A_51 = tpu.memref_slice %arg7[%add3A_9, %dma_wait3A_50] : memref<10240x128xf32, #tpu.memory_space<vmem_shared>> -> memref<128x128xf32, #tpu.memory_space<vmem_shared>>
      tpu.wait_dma2 semaphore(%run_scoped3A : memref<!tpu.dma_semaphore, #tpu.memory_space<semaphore_mem>>) src(%arg12 : memref<128x128xf32, #tpu.memory_space<vmem>>) dst(%dma_wait3A_51 : memref<128x128xf32, #tpu.memory_space<vmem_shared>>)
      tpu.yield
    }) : () -> ()
    %mul3A_10 = arith.constant 640 : i32
    %mul3A_11 = arith.muli %arg1, %mul3A_10 : i32
    %add3A_12 = arith.constant 384 : i32
    %add3A_13 = arith.addi %mul3A_11, %add3A_12 : i32
    "tpu.region"() ({
      %run_scoped3A = tpu.sem_alloc : memref<!tpu.dma_semaphore, #tpu.memory_space<semaphore_mem>>
      %dma_start3A = arith.constant 0 : i32
      %dma_start3A_46 = tpu.memref_slice %arg7[%add3A_13, %dma_start3A] : memref<10240x128xf32, #tpu.memory_space<vmem_shared>> -> memref<128x128xf32, #tpu.memory_space<vmem_shared>>
      %dma_start3A_47 = arith.constant 0 : i32
      %dma_start3A_48 = tpu.memref_slice %arg7[%add3A_13, %dma_start3A_47] : memref<10240x128xf32, #tpu.memory_space<vmem_shared>> -> memref<128x128xf32, #tpu.memory_space<vmem_shared>>
      tpu.enqueue_dma source(%arg12 : memref<128x128xf32, #tpu.memory_space<vmem>>) target(%dma_start3A_48 : memref<128x128xf32, #tpu.memory_space<vmem_shared>>) target_semaphore(%run_scoped3A : memref<!tpu.dma_semaphore, #tpu.memory_space<semaphore_mem>>)
      %dma_wait3A = arith.constant 0 : i32
      %dma_wait3A_49 = tpu.memref_slice %arg7[%add3A_13, %dma_wait3A] : memref<10240x128xf32, #tpu.memory_space<vmem_shared>> -> memref<128x128xf32, #tpu.memory_space<vmem_shared>>
      %dma_wait3A_50 = arith.constant 0 : i32
      %dma_wait3A_51 = tpu.memref_slice %arg7[%add3A_13, %dma_wait3A_50] : memref<10240x128xf32, #tpu.memory_space<vmem_shared>> -> memref<128x128xf32, #tpu.memory_space<vmem_shared>>
      tpu.wait_dma2 semaphore(%run_scoped3A : memref<!tpu.dma_semaphore, #tpu.memory_space<semaphore_mem>>) src(%arg12 : memref<128x128xf32, #tpu.memory_space<vmem>>) dst(%dma_wait3A_51 : memref<128x128xf32, #tpu.memory_space<vmem_shared>>)
      tpu.yield
    }) : () -> ()
    %mul3A_14 = arith.constant 640 : i32
    %mul3A_15 = arith.muli %arg1, %mul3A_14 : i32
    %add3A_16 = arith.constant 512 : i32
    %add3A_17 = arith.addi %mul3A_15, %add3A_16 : i32
    "tpu.region"() ({
      %run_scoped3A = tpu.sem_alloc : memref<!tpu.dma_semaphore, #tpu.memory_space<semaphore_mem>>
      %dma_start3A = arith.constant 0 : i32
      %dma_start3A_46 = tpu.memref_slice %arg7[%add3A_17, %dma_start3A] : memref<10240x128xf32, #tpu.memory_space<vmem_shared>> -> memref<128x128xf32, #tpu.memory_space<vmem_shared>>
      %dma_start3A_47 = arith.constant 0 : i32
      %dma_start3A_48 = tpu.memref_slice %arg7[%add3A_17, %dma_start3A_47] : memref<10240x128xf32, #tpu.memory_space<vmem_shared>> -> memref<128x128xf32, #tpu.memory_space<vmem_shared>>
      tpu.enqueue_dma source(%arg12 : memref<128x128xf32, #tpu.memory_space<vmem>>) target(%dma_start3A_48 : memref<128x128xf32, #tpu.memory_space<vmem_shared>>) target_semaphore(%run_scoped3A : memref<!tpu.dma_semaphore, #tpu.memory_space<semaphore_mem>>)
      %dma_wait3A = arith.constant 0 : i32
      %dma_wait3A_49 = tpu.memref_slice %arg7[%add3A_17, %dma_wait3A] : memref<10240x128xf32, #tpu.memory_space<vmem_shared>> -> memref<128x128xf32, #tpu.memory_space<vmem_shared>>
      %dma_wait3A_50 = arith.constant 0 : i32
      %dma_wait3A_51 = tpu.memref_slice %arg7[%add3A_17, %dma_wait3A_50] : memref<10240x128xf32, #tpu.memory_space<vmem_shared>> -> memref<128x128xf32, #tpu.memory_space<vmem_shared>>
      tpu.wait_dma2 semaphore(%run_scoped3A : memref<!tpu.dma_semaphore, #tpu.memory_space<semaphore_mem>>) src(%arg12 : memref<128x128xf32, #tpu.memory_space<vmem>>) dst(%dma_wait3A_51 : memref<128x128xf32, #tpu.memory_space<vmem_shared>>)
      tpu.yield
    }) : () -> ()
    %barrier3A = arith.constant 0 : index
    tpu.barrier barrier_id(%barrier3A)
    %mul3A_18 = arith.constant 20224 : i32
    %mul3A_19 = arith.muli %arg1, %mul3A_18 : i32
    %scan3A = arith.constant 0 : i32
    %scan3A_20 = arith.constant 0 : i32
    %scan3A_21 = arith.constant 80 : i32
    %scan3A_22 = arith.addi %scan3A_20, %scan3A_21 : i32
    %scan3A_23 = arith.constant 1 : i32
    scf.for %scan3A_46 = %scan3A_20 to %scan3A_22 step %scan3A_23  : i32 {
      %mul3A_47 = arith.constant 2 : i32
      %mul3A_48 = arith.muli %scan3A_46, %mul3A_47 : i32
      %add3A_49 = arith.constant 0 : i32
      %add3A_50 = arith.addi %mul3A_48, %add3A_49 : i32
      %mul3A_51 = arith.constant 128 : i32
      %mul3A_52 = arith.muli %add3A_50, %mul3A_51 : i32
      %sub3A = arith.constant 256 : i32
      %sub3A_53 = arith.subi %mul3A_52, %sub3A : i32
      %gt3A = arith.constant 0 : i32
      %gt3A_54 = arith.cmpi sgt, %scan3A_46, %gt3A : i32
      %convert_element_type3A = arith.extui %gt3A_54 : i1 to i32
      %cond3A = arith.constant 0 : i32
      %cond3A_55 = arith.cmpi ne, %convert_element_type3A, %cond3A : i32
      scf.if %cond3A_55 {
        %add3A_78 = arith.addi %mul3A_19, %sub3A_53 : i32
        "tpu.region"() ({
          %run_scoped3A = tpu.sem_alloc : memref<!tpu.dma_semaphore, #tpu.memory_space<semaphore_mem>>
          %dma_start3A_86 = tpu.memref_slice %arg4[%add3A_78] : memref<323584xi32, #tpu.memory_space<hbm>> -> memref<128xi32, #tpu.memory_space<hbm>>
          %dma_start3A_87 = tpu.memref_slice %arg4[%add3A_78] : memref<323584xi32, #tpu.memory_space<hbm>> -> memref<128xi32, #tpu.memory_space<hbm>>
          tpu.enqueue_dma source(%dma_start3A_87 : memref<128xi32, #tpu.memory_space<hbm>>) target(%arg10 : memref<128xi32, #tpu.memory_space<vmem>>) target_semaphore(%run_scoped3A : memref<!tpu.dma_semaphore, #tpu.memory_space<semaphore_mem>>)
          %dma_wait3A_88 = tpu.memref_slice %arg4[%add3A_78] : memref<323584xi32, #tpu.memory_space<hbm>> -> memref<128xi32, #tpu.memory_space<hbm>>
          %dma_wait3A_89 = tpu.memref_slice %arg4[%add3A_78] : memref<323584xi32, #tpu.memory_space<hbm>> -> memref<128xi32, #tpu.memory_space<hbm>>
          tpu.wait_dma2 semaphore(%run_scoped3A : memref<!tpu.dma_semaphore, #tpu.memory_space<semaphore_mem>>) src(%dma_wait3A_89 : memref<128xi32, #tpu.memory_space<hbm>>) dst(%arg10 : memref<128xi32, #tpu.memory_space<vmem>>)
          tpu.yield
        }) : () -> ()
        %dma_wait3A = arith.constant 0 : i32
        %dma_wait3A_79 = arith.constant 0 : i32
        %dma_wait3A_80 = tpu.memref_slice %arg2[%dma_wait3A, %dma_wait3A_79] : memref<20480x128xf32, #tpu.memory_space<hbm>> -> memref<20480x128xf32, #tpu.memory_space<hbm>>
        tpu.wait_indirect_dma semaphore(%arg14 : memref<!tpu.dma_semaphore, #tpu.memory_space<semaphore_mem>>) src(%dma_wait3A_80 : memref<20480x128xf32, #tpu.memory_space<hbm>>) dst(%arg12 : memref<128x128xf32, #tpu.memory_space<vmem>>)
        %dma_start3A = arith.constant 0 : i32
        %dma_start3A_81 = arith.constant 0 : i32
        %dma_start3A_82 = tpu.memref_slice %arg7[%dma_start3A, %dma_start3A_81] : memref<10240x128xf32, #tpu.memory_space<vmem_shared>> -> memref<10240x128xf32, #tpu.memory_space<vmem_shared>>
        tpu.enqueue_indirect_dma source(%arg12 : memref<128x128xf32, #tpu.memory_space<vmem>>) target(%dma_start3A_82 : memref<10240x128xf32, #tpu.memory_space<vmem_shared>>) offsets(%arg10 : memref<128xi32, #tpu.memory_space<vmem>>) semaphore(%arg16 : memref<!tpu.dma_semaphore, #tpu.memory_space<semaphore_mem>>) {add = true}
        %dma_wait3A_83 = arith.constant 0 : i32
        %dma_wait3A_84 = arith.constant 0 : i32
        %dma_wait3A_85 = tpu.memref_slice %arg7[%dma_wait3A_83, %dma_wait3A_84] : memref<10240x128xf32, #tpu.memory_space<vmem_shared>> -> memref<10240x128xf32, #tpu.memory_space<vmem_shared>>
        tpu.wait_indirect_dma semaphore(%arg16 : memref<!tpu.dma_semaphore, #tpu.memory_space<semaphore_mem>>) src(%arg12 : memref<128x128xf32, #tpu.memory_space<vmem>>) dst(%dma_wait3A_85 : memref<10240x128xf32, #tpu.memory_space<vmem_shared>>)
      } else {
      }
      %lt3A = arith.constant 79 : i32
      %lt3A_56 = arith.cmpi slt, %scan3A_46, %lt3A : i32
      %convert_element_type3A_57 = arith.extui %lt3A_56 : i1 to i32
      %cond3A_58 = arith.constant 0 : i32
      %cond3A_59 = arith.cmpi ne, %convert_element_type3A_57, %cond3A_58 : i32
      scf.if %cond3A_59 {
        %mul3A_78 = arith.constant 323584 : i32
        %mul3A_79 = arith.muli %arg0, %mul3A_78 : i32
        %add3A_80 = arith.addi %mul3A_79, %mul3A_19 : i32
        %add3A_81 = arith.addi %add3A_80, %mul3A_52 : i32
        "tpu.region"() ({
          %run_scoped3A = tpu.sem_alloc : memref<!tpu.dma_semaphore, #tpu.memory_space<semaphore_mem>>
          %dma_start3A_84 = tpu.memref_slice %arg3[%add3A_81] : memref<647168xi32, #tpu.memory_space<hbm>> -> memref<128xi32, #tpu.memory_space<hbm>>
          %dma_start3A_85 = tpu.memref_slice %arg3[%add3A_81] : memref<647168xi32, #tpu.memory_space<hbm>> -> memref<128xi32, #tpu.memory_space<hbm>>
          tpu.enqueue_dma source(%dma_start3A_85 : memref<128xi32, #tpu.memory_space<hbm>>) target(%arg8 : memref<128xi32, #tpu.memory_space<vmem>>) target_semaphore(%run_scoped3A : memref<!tpu.dma_semaphore, #tpu.memory_space<semaphore_mem>>)
          %dma_wait3A = tpu.memref_slice %arg3[%add3A_81] : memref<647168xi32, #tpu.memory_space<hbm>> -> memref<128xi32, #tpu.memory_space<hbm>>
          %dma_wait3A_86 = tpu.memref_slice %arg3[%add3A_81] : memref<647168xi32, #tpu.memory_space<hbm>> -> memref<128xi32, #tpu.memory_space<hbm>>
          tpu.wait_dma2 semaphore(%run_scoped3A : memref<!tpu.dma_semaphore, #tpu.memory_space<semaphore_mem>>) src(%dma_wait3A_86 : memref<128xi32, #tpu.memory_space<hbm>>) dst(%arg8 : memref<128xi32, #tpu.memory_space<vmem>>)
          tpu.yield
        }) : () -> ()
        %dma_start3A = arith.constant 0 : i32
        %dma_start3A_82 = arith.constant 0 : i32
        %dma_start3A_83 = tpu.memref_slice %arg2[%dma_start3A, %dma_start3A_82] : memref<20480x128xf32, #tpu.memory_space<hbm>> -> memref<20480x128xf32, #tpu.memory_space<hbm>>
        tpu.enqueue_indirect_dma source(%dma_start3A_83 : memref<20480x128xf32, #tpu.memory_space<hbm>>) target(%arg12 : memref<128x128xf32, #tpu.memory_space<vmem>>) offsets(%arg8 : memref<128xi32, #tpu.memory_space<vmem>>) semaphore(%arg14 : memref<!tpu.dma_semaphore, #tpu.memory_space<semaphore_mem>>)
      } else {
      }
      %mul3A_60 = arith.constant 2 : i32
      %mul3A_61 = arith.muli %scan3A_46, %mul3A_60 : i32
      %add3A_62 = arith.constant 1 : i32
      %add3A_63 = arith.addi %mul3A_61, %add3A_62 : i32
      %mul3A_64 = arith.constant 128 : i32
      %mul3A_65 = arith.muli %add3A_63, %mul3A_64 : i32
      %sub3A_66 = arith.constant 256 : i32
      %sub3A_67 = arith.subi %mul3A_65, %sub3A_66 : i32
      %gt3A_68 = arith.constant 0 : i32
      %gt3A_69 = arith.cmpi sgt, %scan3A_46, %gt3A_68 : i32
      %convert_element_type3A_70 = arith.extui %gt3A_69 : i1 to i32
      %cond3A_71 = arith.constant 0 : i32
      %cond3A_72 = arith.cmpi ne, %convert_element_type3A_70, %cond3A_71 : i32
      scf.if %cond3A_72 {
        %add3A_78 = arith.addi %mul3A_19, %sub3A_67 : i32
        "tpu.region"() ({
          %run_scoped3A = tpu.sem_alloc : memref<!tpu.dma_semaphore, #tpu.memory_space<semaphore_mem>>
          %dma_start3A_86 = tpu.memref_slice %arg4[%add3A_78] : memref<323584xi32, #tpu.memory_space<hbm>> -> memref<128xi32, #tpu.memory_space<hbm>>
          %dma_start3A_87 = tpu.memref_slice %arg4[%add3A_78] : memref<323584xi32, #tpu.memory_space<hbm>> -> memref<128xi32, #tpu.memory_space<hbm>>
          tpu.enqueue_dma source(%dma_start3A_87 : memref<128xi32, #tpu.memory_space<hbm>>) target(%arg11 : memref<128xi32, #tpu.memory_space<vmem>>) target_semaphore(%run_scoped3A : memref<!tpu.dma_semaphore, #tpu.memory_space<semaphore_mem>>)
          %dma_wait3A_88 = tpu.memref_slice %arg4[%add3A_78] : memref<323584xi32, #tpu.memory_space<hbm>> -> memref<128xi32, #tpu.memory_space<hbm>>
          %dma_wait3A_89 = tpu.memref_slice %arg4[%add3A_78] : memref<323584xi32, #tpu.memory_space<hbm>> -> memref<128xi32, #tpu.memory_space<hbm>>
          tpu.wait_dma2 semaphore(%run_scoped3A : memref<!tpu.dma_semaphore, #tpu.memory_space<semaphore_mem>>) src(%dma_wait3A_89 : memref<128xi32, #tpu.memory_space<hbm>>) dst(%arg11 : memref<128xi32, #tpu.memory_space<vmem>>)
          tpu.yield
        }) : () -> ()
        %dma_wait3A = arith.constant 0 : i32
        %dma_wait3A_79 = arith.constant 0 : i32
        %dma_wait3A_80 = tpu.memref_slice %arg2[%dma_wait3A, %dma_wait3A_79] : memref<20480x128xf32, #tpu.memory_space<hbm>> -> memref<20480x128xf32, #tpu.memory_space<hbm>>
        tpu.wait_indirect_dma semaphore(%arg15 : memref<!tpu.dma_semaphore, #tpu.memory_space<semaphore_mem>>) src(%dma_wait3A_80 : memref<20480x128xf32, #tpu.memory_space<hbm>>) dst(%arg13 : memref<128x128xf32, #tpu.memory_space<vmem>>)
        %dma_start3A = arith.constant 0 : i32
        %dma_start3A_81 = arith.constant 0 : i32
        %dma_start3A_82 = tpu.memref_slice %arg7[%dma_start3A, %dma_start3A_81] : memref<10240x128xf32, #tpu.memory_space<vmem_shared>> -> memref<10240x128xf32, #tpu.memory_space<vmem_shared>>
        tpu.enqueue_indirect_dma source(%arg13 : memref<128x128xf32, #tpu.memory_space<vmem>>) target(%dma_start3A_82 : memref<10240x128xf32, #tpu.memory_space<vmem_shared>>) offsets(%arg11 : memref<128xi32, #tpu.memory_space<vmem>>) semaphore(%arg17 : memref<!tpu.dma_semaphore, #tpu.memory_space<semaphore_mem>>) {add = true}
        %dma_wait3A_83 = arith.constant 0 : i32
        %dma_wait3A_84 = arith.constant 0 : i32
        %dma_wait3A_85 = tpu.memref_slice %arg7[%dma_wait3A_83, %dma_wait3A_84] : memref<10240x128xf32, #tpu.memory_space<vmem_shared>> -> memref<10240x128xf32, #tpu.memory_space<vmem_shared>>
        tpu.wait_indirect_dma semaphore(%arg17 : memref<!tpu.dma_semaphore, #tpu.memory_space<semaphore_mem>>) src(%arg13 : memref<128x128xf32, #tpu.memory_space<vmem>>) dst(%dma_wait3A_85 : memref<10240x128xf32, #tpu.memory_space<vmem_shared>>)
      } else {
      }
      %lt3A_73 = arith.constant 79 : i32
      %lt3A_74 = arith.cmpi slt, %scan3A_46, %lt3A_73 : i32
      %convert_element_type3A_75 = arith.extui %lt3A_74 : i1 to i32
      %cond3A_76 = arith.constant 0 : i32
      %cond3A_77 = arith.cmpi ne, %convert_element_type3A_75, %cond3A_76 : i32
      scf.if %cond3A_77 {
        %mul3A_78 = arith.constant 323584 : i32
        %mul3A_79 = arith.muli %arg0, %mul3A_78 : i32
        %add3A_80 = arith.addi %mul3A_79, %mul3A_19 : i32
        %add3A_81 = arith.addi %add3A_80, %mul3A_65 : i32
        "tpu.region"() ({
          %run_scoped3A = tpu.sem_alloc : memref<!tpu.dma_semaphore, #tpu.memory_space<semaphore_mem>>
          %dma_start3A_84 = tpu.memref_slice %arg3[%add3A_81] : memref<647168xi32, #tpu.memory_space<hbm>> -> memref<128xi32, #tpu.memory_space<hbm>>
          %dma_start3A_85 = tpu.memref_slice %arg3[%add3A_81] : memref<647168xi32, #tpu.memory_space<hbm>> -> memref<128xi32, #tpu.memory_space<hbm>>
          tpu.enqueue_dma source(%dma_start3A_85 : memref<128xi32, #tpu.memory_space<hbm>>) target(%arg9 : memref<128xi32, #tpu.memory_space<vmem>>) target_semaphore(%run_scoped3A : memref<!tpu.dma_semaphore, #tpu.memory_space<semaphore_mem>>)
          %dma_wait3A = tpu.memref_slice %arg3[%add3A_81] : memref<647168xi32, #tpu.memory_space<hbm>> -> memref<128xi32, #tpu.memory_space<hbm>>
          %dma_wait3A_86 = tpu.memref_slice %arg3[%add3A_81] : memref<647168xi32, #tpu.memory_space<hbm>> -> memref<128xi32, #tpu.memory_space<hbm>>
          tpu.wait_dma2 semaphore(%run_scoped3A : memref<!tpu.dma_semaphore, #tpu.memory_space<semaphore_mem>>) src(%dma_wait3A_86 : memref<128xi32, #tpu.memory_space<hbm>>) dst(%arg9 : memref<128xi32, #tpu.memory_space<vmem>>)
          tpu.yield
        }) : () -> ()
        %dma_start3A = arith.constant 0 : i32
        %dma_start3A_82 = arith.constant 0 : i32
        %dma_start3A_83 = tpu.memref_slice %arg2[%dma_start3A, %dma_start3A_82] : memref<20480x128xf32, #tpu.memory_space<hbm>> -> memref<20480x128xf32, #tpu.memory_space<hbm>>
        tpu.enqueue_indirect_dma source(%dma_start3A_83 : memref<20480x128xf32, #tpu.memory_space<hbm>>) target(%arg13 : memref<128x128xf32, #tpu.memory_space<vmem>>) offsets(%arg9 : memref<128xi32, #tpu.memory_space<vmem>>) semaphore(%arg15 : memref<!tpu.dma_semaphore, #tpu.memory_space<semaphore_mem>>)
      } else {
      }
    }
    %scan3A_24 = arith.constant 80 : i32
    %barrier3A_25 = arith.constant 0 : index
    tpu.barrier barrier_id(%barrier3A_25)
    %mul3A_26 = arith.constant 640 : i32
    %mul3A_27 = arith.muli %arg1, %mul3A_26 : i32
    %add3A_28 = arith.constant 0 : i32
    %add3A_29 = arith.addi %mul3A_27, %add3A_28 : i32
    "tpu.region"() ({
      %run_scoped3A = tpu.sem_alloc : memref<!tpu.dma_semaphore, #tpu.memory_space<semaphore_mem>>
      %dma_start3A = arith.constant 0 : i32
      %dma_start3A_46 = tpu.memref_slice %arg7[%add3A_29, %dma_start3A] : memref<10240x128xf32, #tpu.memory_space<vmem_shared>> -> memref<128x128xf32, #tpu.memory_space<vmem_shared>>
      %dma_start3A_47 = arith.constant 0 : i32
      %dma_start3A_48 = tpu.memref_slice %arg7[%add3A_29, %dma_start3A_47] : memref<10240x128xf32, #tpu.memory_space<vmem_shared>> -> memref<128x128xf32, #tpu.memory_space<vmem_shared>>
      tpu.enqueue_dma source(%dma_start3A_48 : memref<128x128xf32, #tpu.memory_space<vmem_shared>>) target(%arg12 : memref<128x128xf32, #tpu.memory_space<vmem>>) target_semaphore(%run_scoped3A : memref<!tpu.dma_semaphore, #tpu.memory_space<semaphore_mem>>)
      %dma_wait3A = arith.constant 0 : i32
      %dma_wait3A_49 = tpu.memref_slice %arg7[%add3A_29, %dma_wait3A] : memref<10240x128xf32, #tpu.memory_space<vmem_shared>> -> memref<128x128xf32, #tpu.memory_space<vmem_shared>>
      %dma_wait3A_50 = arith.constant 0 : i32
      %dma_wait3A_51 = tpu.memref_slice %arg7[%add3A_29, %dma_wait3A_50] : memref<10240x128xf32, #tpu.memory_space<vmem_shared>> -> memref<128x128xf32, #tpu.memory_space<vmem_shared>>
      tpu.wait_dma2 semaphore(%run_scoped3A : memref<!tpu.dma_semaphore, #tpu.memory_space<semaphore_mem>>) src(%dma_wait3A_51 : memref<128x128xf32, #tpu.memory_space<vmem_shared>>) dst(%arg12 : memref<128x128xf32, #tpu.memory_space<vmem>>)
      tpu.yield
    }) : () -> ()
    "tpu.region"() ({
      %run_scoped3A = tpu.sem_alloc : memref<!tpu.dma_semaphore, #tpu.memory_space<semaphore_mem>>
      %dma_start3A = arith.constant 0 : i32
      %dma_start3A_46 = tpu.memref_slice %arg6[%arg0, %add3A_29, %dma_start3A] : memref<2x10240x128xf32, #tpu.memory_space<hbm>> -> memref<1x128x128xf32, #tpu.memory_space<hbm>>
      %dma_start3A_47 = tpu.memref_squeeze %dma_start3A_46 : memref<1x128x128xf32, #tpu.memory_space<hbm>> -> memref<128x128xf32, #tpu.memory_space<hbm>>
      %dma_start3A_48 = arith.constant 0 : i32
      %dma_start3A_49 = tpu.memref_slice %arg6[%arg0, %add3A_29, %dma_start3A_48] : memref<2x10240x128xf32, #tpu.memory_space<hbm>> -> memref<1x128x128xf32, #tpu.memory_space<hbm>>
      %dma_start3A_50 = tpu.memref_squeeze %dma_start3A_49 : memref<1x128x128xf32, #tpu.memory_space<hbm>> -> memref<128x128xf32, #tpu.memory_space<hbm>>
      tpu.enqueue_dma source(%arg12 : memref<128x128xf32, #tpu.memory_space<vmem>>) target(%dma_start3A_50 : memref<128x128xf32, #tpu.memory_space<hbm>>) target_semaphore(%run_scoped3A : memref<!tpu.dma_semaphore, #tpu.memory_space<semaphore_mem>>)
      %dma_wait3A = arith.constant 0 : i32
      %dma_wait3A_51 = tpu.memref_slice %arg6[%arg0, %add3A_29, %dma_wait3A] : memref<2x10240x128xf32, #tpu.memory_space<hbm>> -> memref<1x128x128xf32, #tpu.memory_space<hbm>>
      %dma_wait3A_52 = tpu.memref_squeeze %dma_wait3A_51 : memref<1x128x128xf32, #tpu.memory_space<hbm>> -> memref<128x128xf32, #tpu.memory_space<hbm>>
      %dma_wait3A_53 = arith.constant 0 : i32
      %dma_wait3A_54 = tpu.memref_slice %arg6[%arg0, %add3A_29, %dma_wait3A_53] : memref<2x10240x128xf32, #tpu.memory_space<hbm>> -> memref<1x128x128xf32, #tpu.memory_space<hbm>>
      %dma_wait3A_55 = tpu.memref_squeeze %dma_wait3A_54 : memref<1x128x128xf32, #tpu.memory_space<hbm>> -> memref<128x128xf32, #tpu.memory_space<hbm>>
      tpu.wait_dma2 semaphore(%run_scoped3A : memref<!tpu.dma_semaphore, #tpu.memory_space<semaphore_mem>>) src(%arg12 : memref<128x128xf32, #tpu.memory_space<vmem>>) dst(%dma_wait3A_55 : memref<128x128xf32, #tpu.memory_space<hbm>>)
      tpu.yield
    }) : () -> ()
    %mul3A_30 = arith.constant 640 : i32
    %mul3A_31 = arith.muli %arg1, %mul3A_30 : i32
    %add3A_32 = arith.constant 128 : i32
    %add3A_33 = arith.addi %mul3A_31, %add3A_32 : i32
    "tpu.region"() ({
      %run_scoped3A = tpu.sem_alloc : memref<!tpu.dma_semaphore, #tpu.memory_space<semaphore_mem>>
      %dma_start3A = arith.constant 0 : i32
      %dma_start3A_46 = tpu.memref_slice %arg7[%add3A_33, %dma_start3A] : memref<10240x128xf32, #tpu.memory_space<vmem_shared>> -> memref<128x128xf32, #tpu.memory_space<vmem_shared>>
      %dma_start3A_47 = arith.constant 0 : i32
      %dma_start3A_48 = tpu.memref_slice %arg7[%add3A_33, %dma_start3A_47] : memref<10240x128xf32, #tpu.memory_space<vmem_shared>> -> memref<128x128xf32, #tpu.memory_space<vmem_shared>>
      tpu.enqueue_dma source(%dma_start3A_48 : memref<128x128xf32, #tpu.memory_space<vmem_shared>>) target(%arg12 : memref<128x128xf32, #tpu.memory_space<vmem>>) target_semaphore(%run_scoped3A : memref<!tpu.dma_semaphore, #tpu.memory_space<semaphore_mem>>)
      %dma_wait3A = arith.constant 0 : i32
      %dma_wait3A_49 = tpu.memref_slice %arg7[%add3A_33, %dma_wait3A] : memref<10240x128xf32, #tpu.memory_space<vmem_shared>> -> memref<128x128xf32, #tpu.memory_space<vmem_shared>>
      %dma_wait3A_50 = arith.constant 0 : i32
      %dma_wait3A_51 = tpu.memref_slice %arg7[%add3A_33, %dma_wait3A_50] : memref<10240x128xf32, #tpu.memory_space<vmem_shared>> -> memref<128x128xf32, #tpu.memory_space<vmem_shared>>
      tpu.wait_dma2 semaphore(%run_scoped3A : memref<!tpu.dma_semaphore, #tpu.memory_space<semaphore_mem>>) src(%dma_wait3A_51 : memref<128x128xf32, #tpu.memory_space<vmem_shared>>) dst(%arg12 : memref<128x128xf32, #tpu.memory_space<vmem>>)
      tpu.yield
    }) : () -> ()
    "tpu.region"() ({
      %run_scoped3A = tpu.sem_alloc : memref<!tpu.dma_semaphore, #tpu.memory_space<semaphore_mem>>
      %dma_start3A = arith.constant 0 : i32
      %dma_start3A_46 = tpu.memref_slice %arg6[%arg0, %add3A_33, %dma_start3A] : memref<2x10240x128xf32, #tpu.memory_space<hbm>> -> memref<1x128x128xf32, #tpu.memory_space<hbm>>
      %dma_start3A_47 = tpu.memref_squeeze %dma_start3A_46 : memref<1x128x128xf32, #tpu.memory_space<hbm>> -> memref<128x128xf32, #tpu.memory_space<hbm>>
      %dma_start3A_48 = arith.constant 0 : i32
      %dma_start3A_49 = tpu.memref_slice %arg6[%arg0, %add3A_33, %dma_start3A_48] : memref<2x10240x128xf32, #tpu.memory_space<hbm>> -> memref<1x128x128xf32, #tpu.memory_space<hbm>>
      %dma_start3A_50 = tpu.memref_squeeze %dma_start3A_49 : memref<1x128x128xf32, #tpu.memory_space<hbm>> -> memref<128x128xf32, #tpu.memory_space<hbm>>
      tpu.enqueue_dma source(%arg12 : memref<128x128xf32, #tpu.memory_space<vmem>>) target(%dma_start3A_50 : memref<128x128xf32, #tpu.memory_space<hbm>>) target_semaphore(%run_scoped3A : memref<!tpu.dma_semaphore, #tpu.memory_space<semaphore_mem>>)
      %dma_wait3A = arith.constant 0 : i32
      %dma_wait3A_51 = tpu.memref_slice %arg6[%arg0, %add3A_33, %dma_wait3A] : memref<2x10240x128xf32, #tpu.memory_space<hbm>> -> memref<1x128x128xf32, #tpu.memory_space<hbm>>
      %dma_wait3A_52 = tpu.memref_squeeze %dma_wait3A_51 : memref<1x128x128xf32, #tpu.memory_space<hbm>> -> memref<128x128xf32, #tpu.memory_space<hbm>>
      %dma_wait3A_53 = arith.constant 0 : i32
      %dma_wait3A_54 = tpu.memref_slice %arg6[%arg0, %add3A_33, %dma_wait3A_53] : memref<2x10240x128xf32, #tpu.memory_space<hbm>> -> memref<1x128x128xf32, #tpu.memory_space<hbm>>
      %dma_wait3A_55 = tpu.memref_squeeze %dma_wait3A_54 : memref<1x128x128xf32, #tpu.memory_space<hbm>> -> memref<128x128xf32, #tpu.memory_space<hbm>>
      tpu.wait_dma2 semaphore(%run_scoped3A : memref<!tpu.dma_semaphore, #tpu.memory_space<semaphore_mem>>) src(%arg12 : memref<128x128xf32, #tpu.memory_space<vmem>>) dst(%dma_wait3A_55 : memref<128x128xf32, #tpu.memory_space<hbm>>)
      tpu.yield
    }) : () -> ()
    %mul3A_34 = arith.constant 640 : i32
    %mul3A_35 = arith.muli %arg1, %mul3A_34 : i32
    %add3A_36 = arith.constant 256 : i32
    %add3A_37 = arith.addi %mul3A_35, %add3A_36 : i32
    "tpu.region"() ({
      %run_scoped3A = tpu.sem_alloc : memref<!tpu.dma_semaphore, #tpu.memory_space<semaphore_mem>>
      %dma_start3A = arith.constant 0 : i32
      %dma_start3A_46 = tpu.memref_slice %arg7[%add3A_37, %dma_start3A] : memref<10240x128xf32, #tpu.memory_space<vmem_shared>> -> memref<128x128xf32, #tpu.memory_space<vmem_shared>>
      %dma_start3A_47 = arith.constant 0 : i32
      %dma_start3A_48 = tpu.memref_slice %arg7[%add3A_37, %dma_start3A_47] : memref<10240x128xf32, #tpu.memory_space<vmem_shared>> -> memref<128x128xf32, #tpu.memory_space<vmem_shared>>
      tpu.enqueue_dma source(%dma_start3A_48 : memref<128x128xf32, #tpu.memory_space<vmem_shared>>) target(%arg12 : memref<128x128xf32, #tpu.memory_space<vmem>>) target_semaphore(%run_scoped3A : memref<!tpu.dma_semaphore, #tpu.memory_space<semaphore_mem>>)
      %dma_wait3A = arith.constant 0 : i32
      %dma_wait3A_49 = tpu.memref_slice %arg7[%add3A_37, %dma_wait3A] : memref<10240x128xf32, #tpu.memory_space<vmem_shared>> -> memref<128x128xf32, #tpu.memory_space<vmem_shared>>
      %dma_wait3A_50 = arith.constant 0 : i32
      %dma_wait3A_51 = tpu.memref_slice %arg7[%add3A_37, %dma_wait3A_50] : memref<10240x128xf32, #tpu.memory_space<vmem_shared>> -> memref<128x128xf32, #tpu.memory_space<vmem_shared>>
      tpu.wait_dma2 semaphore(%run_scoped3A : memref<!tpu.dma_semaphore, #tpu.memory_space<semaphore_mem>>) src(%dma_wait3A_51 : memref<128x128xf32, #tpu.memory_space<vmem_shared>>) dst(%arg12 : memref<128x128xf32, #tpu.memory_space<vmem>>)
      tpu.yield
    }) : () -> ()
    "tpu.region"() ({
      %run_scoped3A = tpu.sem_alloc : memref<!tpu.dma_semaphore, #tpu.memory_space<semaphore_mem>>
      %dma_start3A = arith.constant 0 : i32
      %dma_start3A_46 = tpu.memref_slice %arg6[%arg0, %add3A_37, %dma_start3A] : memref<2x10240x128xf32, #tpu.memory_space<hbm>> -> memref<1x128x128xf32, #tpu.memory_space<hbm>>
      %dma_start3A_47 = tpu.memref_squeeze %dma_start3A_46 : memref<1x128x128xf32, #tpu.memory_space<hbm>> -> memref<128x128xf32, #tpu.memory_space<hbm>>
      %dma_start3A_48 = arith.constant 0 : i32
      %dma_start3A_49 = tpu.memref_slice %arg6[%arg0, %add3A_37, %dma_start3A_48] : memref<2x10240x128xf32, #tpu.memory_space<hbm>> -> memref<1x128x128xf32, #tpu.memory_space<hbm>>
      %dma_start3A_50 = tpu.memref_squeeze %dma_start3A_49 : memref<1x128x128xf32, #tpu.memory_space<hbm>> -> memref<128x128xf32, #tpu.memory_space<hbm>>
      tpu.enqueue_dma source(%arg12 : memref<128x128xf32, #tpu.memory_space<vmem>>) target(%dma_start3A_50 : memref<128x128xf32, #tpu.memory_space<hbm>>) target_semaphore(%run_scoped3A : memref<!tpu.dma_semaphore, #tpu.memory_space<semaphore_mem>>)
      %dma_wait3A = arith.constant 0 : i32
      %dma_wait3A_51 = tpu.memref_slice %arg6[%arg0, %add3A_37, %dma_wait3A] : memref<2x10240x128xf32, #tpu.memory_space<hbm>> -> memref<1x128x128xf32, #tpu.memory_space<hbm>>
      %dma_wait3A_52 = tpu.memref_squeeze %dma_wait3A_51 : memref<1x128x128xf32, #tpu.memory_space<hbm>> -> memref<128x128xf32, #tpu.memory_space<hbm>>
      %dma_wait3A_53 = arith.constant 0 : i32
      %dma_wait3A_54 = tpu.memref_slice %arg6[%arg0, %add3A_37, %dma_wait3A_53] : memref<2x10240x128xf32, #tpu.memory_space<hbm>> -> memref<1x128x128xf32, #tpu.memory_space<hbm>>
      %dma_wait3A_55 = tpu.memref_squeeze %dma_wait3A_54 : memref<1x128x128xf32, #tpu.memory_space<hbm>> -> memref<128x128xf32, #tpu.memory_space<hbm>>
      tpu.wait_dma2 semaphore(%run_scoped3A : memref<!tpu.dma_semaphore, #tpu.memory_space<semaphore_mem>>) src(%arg12 : memref<128x128xf32, #tpu.memory_space<vmem>>) dst(%dma_wait3A_55 : memref<128x128xf32, #tpu.memory_space<hbm>>)
      tpu.yield
    }) : () -> ()
    %mul3A_38 = arith.constant 640 : i32
    %mul3A_39 = arith.muli %arg1, %mul3A_38 : i32
    %add3A_40 = arith.constant 384 : i32
    %add3A_41 = arith.addi %mul3A_39, %add3A_40 : i32
    "tpu.region"() ({
      %run_scoped3A = tpu.sem_alloc : memref<!tpu.dma_semaphore, #tpu.memory_space<semaphore_mem>>
      %dma_start3A = arith.constant 0 : i32
      %dma_start3A_46 = tpu.memref_slice %arg7[%add3A_41, %dma_start3A] : memref<10240x128xf32, #tpu.memory_space<vmem_shared>> -> memref<128x128xf32, #tpu.memory_space<vmem_shared>>
      %dma_start3A_47 = arith.constant 0 : i32
      %dma_start3A_48 = tpu.memref_slice %arg7[%add3A_41, %dma_start3A_47] : memref<10240x128xf32, #tpu.memory_space<vmem_shared>> -> memref<128x128xf32, #tpu.memory_space<vmem_shared>>
      tpu.enqueue_dma source(%dma_start3A_48 : memref<128x128xf32, #tpu.memory_space<vmem_shared>>) target(%arg12 : memref<128x128xf32, #tpu.memory_space<vmem>>) target_semaphore(%run_scoped3A : memref<!tpu.dma_semaphore, #tpu.memory_space<semaphore_mem>>)
      %dma_wait3A = arith.constant 0 : i32
      %dma_wait3A_49 = tpu.memref_slice %arg7[%add3A_41, %dma_wait3A] : memref<10240x128xf32, #tpu.memory_space<vmem_shared>> -> memref<128x128xf32, #tpu.memory_space<vmem_shared>>
      %dma_wait3A_50 = arith.constant 0 : i32
      %dma_wait3A_51 = tpu.memref_slice %arg7[%add3A_41, %dma_wait3A_50] : memref<10240x128xf32, #tpu.memory_space<vmem_shared>> -> memref<128x128xf32, #tpu.memory_space<vmem_shared>>
      tpu.wait_dma2 semaphore(%run_scoped3A : memref<!tpu.dma_semaphore, #tpu.memory_space<semaphore_mem>>) src(%dma_wait3A_51 : memref<128x128xf32, #tpu.memory_space<vmem_shared>>) dst(%arg12 : memref<128x128xf32, #tpu.memory_space<vmem>>)
      tpu.yield
    }) : () -> ()
    "tpu.region"() ({
      %run_scoped3A = tpu.sem_alloc : memref<!tpu.dma_semaphore, #tpu.memory_space<semaphore_mem>>
      %dma_start3A = arith.constant 0 : i32
      %dma_start3A_46 = tpu.memref_slice %arg6[%arg0, %add3A_41, %dma_start3A] : memref<2x10240x128xf32, #tpu.memory_space<hbm>> -> memref<1x128x128xf32, #tpu.memory_space<hbm>>
      %dma_start3A_47 = tpu.memref_squeeze %dma_start3A_46 : memref<1x128x128xf32, #tpu.memory_space<hbm>> -> memref<128x128xf32, #tpu.memory_space<hbm>>
      %dma_start3A_48 = arith.constant 0 : i32
      %dma_start3A_49 = tpu.memref_slice %arg6[%arg0, %add3A_41, %dma_start3A_48] : memref<2x10240x128xf32, #tpu.memory_space<hbm>> -> memref<1x128x128xf32, #tpu.memory_space<hbm>>
      %dma_start3A_50 = tpu.memref_squeeze %dma_start3A_49 : memref<1x128x128xf32, #tpu.memory_space<hbm>> -> memref<128x128xf32, #tpu.memory_space<hbm>>
      tpu.enqueue_dma source(%arg12 : memref<128x128xf32, #tpu.memory_space<vmem>>) target(%dma_start3A_50 : memref<128x128xf32, #tpu.memory_space<hbm>>) target_semaphore(%run_scoped3A : memref<!tpu.dma_semaphore, #tpu.memory_space<semaphore_mem>>)
      %dma_wait3A = arith.constant 0 : i32
      %dma_wait3A_51 = tpu.memref_slice %arg6[%arg0, %add3A_41, %dma_wait3A] : memref<2x10240x128xf32, #tpu.memory_space<hbm>> -> memref<1x128x128xf32, #tpu.memory_space<hbm>>
      %dma_wait3A_52 = tpu.memref_squeeze %dma_wait3A_51 : memref<1x128x128xf32, #tpu.memory_space<hbm>> -> memref<128x128xf32, #tpu.memory_space<hbm>>
      %dma_wait3A_53 = arith.constant 0 : i32
      %dma_wait3A_54 = tpu.memref_slice %arg6[%arg0, %add3A_41, %dma_wait3A_53] : memref<2x10240x128xf32, #tpu.memory_space<hbm>> -> memref<1x128x128xf32, #tpu.memory_space<hbm>>
      %dma_wait3A_55 = tpu.memref_squeeze %dma_wait3A_54 : memref<1x128x128xf32, #tpu.memory_space<hbm>> -> memref<128x128xf32, #tpu.memory_space<hbm>>
      tpu.wait_dma2 semaphore(%run_scoped3A : memref<!tpu.dma_semaphore, #tpu.memory_space<semaphore_mem>>) src(%arg12 : memref<128x128xf32, #tpu.memory_space<vmem>>) dst(%dma_wait3A_55 : memref<128x128xf32, #tpu.memory_space<hbm>>)
      tpu.yield
    }) : () -> ()
    %mul3A_42 = arith.constant 640 : i32
    %mul3A_43 = arith.muli %arg1, %mul3A_42 : i32
    %add3A_44 = arith.constant 512 : i32
    %add3A_45 = arith.addi %mul3A_43, %add3A_44 : i32
    "tpu.region"() ({
      %run_scoped3A = tpu.sem_alloc : memref<!tpu.dma_semaphore, #tpu.memory_space<semaphore_mem>>
      %dma_start3A = arith.constant 0 : i32
      %dma_start3A_46 = tpu.memref_slice %arg7[%add3A_45, %dma_start3A] : memref<10240x128xf32, #tpu.memory_space<vmem_shared>> -> memref<128x128xf32, #tpu.memory_space<vmem_shared>>
      %dma_start3A_47 = arith.constant 0 : i32
      %dma_start3A_48 = tpu.memref_slice %arg7[%add3A_45, %dma_start3A_47] : memref<10240x128xf32, #tpu.memory_space<vmem_shared>> -> memref<128x128xf32, #tpu.memory_space<vmem_shared>>
      tpu.enqueue_dma source(%dma_start3A_48 : memref<128x128xf32, #tpu.memory_space<vmem_shared>>) target(%arg12 : memref<128x128xf32, #tpu.memory_space<vmem>>) target_semaphore(%run_scoped3A : memref<!tpu.dma_semaphore, #tpu.memory_space<semaphore_mem>>)
      %dma_wait3A = arith.constant 0 : i32
      %dma_wait3A_49 = tpu.memref_slice %arg7[%add3A_45, %dma_wait3A] : memref<10240x128xf32, #tpu.memory_space<vmem_shared>> -> memref<128x128xf32, #tpu.memory_space<vmem_shared>>
      %dma_wait3A_50 = arith.constant 0 : i32
      %dma_wait3A_51 = tpu.memref_slice %arg7[%add3A_45, %dma_wait3A_50] : memref<10240x128xf32, #tpu.memory_space<vmem_shared>> -> memref<128x128xf32, #tpu.memory_space<vmem_shared>>
      tpu.wait_dma2 semaphore(%run_scoped3A : memref<!tpu.dma_semaphore, #tpu.memory_space<semaphore_mem>>) src(%dma_wait3A_51 : memref<128x128xf32, #tpu.memory_space<vmem_shared>>) dst(%arg12 : memref<128x128xf32, #tpu.memory_space<vmem>>)
      tpu.yield
    }) : () -> ()
    "tpu.region"() ({
      %run_scoped3A = tpu.sem_alloc : memref<!tpu.dma_semaphore, #tpu.memory_space<semaphore_mem>>
      %dma_start3A = arith.constant 0 : i32
      %dma_start3A_46 = tpu.memref_slice %arg6[%arg0, %add3A_45, %dma_start3A] : memref<2x10240x128xf32, #tpu.memory_space<hbm>> -> memref<1x128x128xf32, #tpu.memory_space<hbm>>
      %dma_start3A_47 = tpu.memref_squeeze %dma_start3A_46 : memref<1x128x128xf32, #tpu.memory_space<hbm>> -> memref<128x128xf32, #tpu.memory_space<hbm>>
      %dma_start3A_48 = arith.constant 0 : i32
      %dma_start3A_49 = tpu.memref_slice %arg6[%arg0, %add3A_45, %dma_start3A_48] : memref<2x10240x128xf32, #tpu.memory_space<hbm>> -> memref<1x128x128xf32, #tpu.memory_space<hbm>>
      %dma_start3A_50 = tpu.memref_squeeze %dma_start3A_49 : memref<1x128x128xf32, #tpu.memory_space<hbm>> -> memref<128x128xf32, #tpu.memory_space<hbm>>
      tpu.enqueue_dma source(%arg12 : memref<128x128xf32, #tpu.memory_space<vmem>>) target(%dma_start3A_50 : memref<128x128xf32, #tpu.memory_space<hbm>>) target_semaphore(%run_scoped3A : memref<!tpu.dma_semaphore, #tpu.memory_space<semaphore_mem>>)
      %dma_wait3A = arith.constant 0 : i32
      %dma_wait3A_51 = tpu.memref_slice %arg6[%arg0, %add3A_45, %dma_wait3A] : memref<2x10240x128xf32, #tpu.memory_space<hbm>> -> memref<1x128x128xf32, #tpu.memory_space<hbm>>
      %dma_wait3A_52 = tpu.memref_squeeze %dma_wait3A_51 : memref<1x128x128xf32, #tpu.memory_space<hbm>> -> memref<128x128xf32, #tpu.memory_space<hbm>>
      %dma_wait3A_53 = arith.constant 0 : i32
      %dma_wait3A_54 = tpu.memref_slice %arg6[%arg0, %add3A_45, %dma_wait3A_53] : memref<2x10240x128xf32, #tpu.memory_space<hbm>> -> memref<1x128x128xf32, #tpu.memory_space<hbm>>
      %dma_wait3A_55 = tpu.memref_squeeze %dma_wait3A_54 : memref<1x128x128xf32, #tpu.memory_space<hbm>> -> memref<128x128xf32, #tpu.memory_space<hbm>>
      tpu.wait_dma2 semaphore(%run_scoped3A : memref<!tpu.dma_semaphore, #tpu.memory_space<semaphore_mem>>) src(%arg12 : memref<128x128xf32, #tpu.memory_space<vmem>>) dst(%dma_wait3A_55 : memref<128x128xf32, #tpu.memory_space<hbm>>)
      tpu.yield
    }) : () -> ()
    return
  }
}

#map = affine_map<(d0, d1) -> (0)>
#map1 = affine_map<(d0, d1) -> (0, 0)>
#map2 = affine_map<(d0, d1) -> (0, 0, 0)>
module attributes {stable_mosaic.version = 14 : i64} {
  func.func @k(%arg0: i32, %arg1: i32, %arg2: memref<323584xi32, #tpu.memory_space<hbm>>, %arg3: memref<128x128xf32, #tpu.memory_space<hbm>>, %arg4: memref<128x128xf32, #tpu.memory_space<hbm>>, %arg5: memref<2x10240x128xf32, #tpu.memory_space<hbm>>, %arg6: memref<10240x128xf32, #tpu.memory_space<vmem_shared>>, %arg7: memref<128x128xf32, #tpu.memory_space<vmem>>, %arg8: memref<128xi32, #tpu.memory_space<vmem>>) attributes {dimension_semantics = [#tpu.dimension_semantics<core_parallel>, #tpu.dimension_semantics<subcore_parallel>], iteration_bounds = array<i64: 2, 16>, scalar_prefetch = 0 : i64, scratch_operands = 3 : i64, tpu.core_type = #tpu.core_type<sc_vector_subcore>, window_params = [{transform_indices = #map}, {transform_indices = #map1}, {transform_indices = #map1}, {transform_indices = #map2}]} {
    %mul3A = arith.constant 16 : i32
    %mul3A_0 = arith.muli %arg0, %mul3A : i32
    %add3A = arith.addi %mul3A_0, %arg1 : i32
    "tpu.region"() ({
      %run_scoped3A = tpu.sem_alloc : memref<!tpu.dma_semaphore, #tpu.memory_space<semaphore_mem>>
      tpu.enqueue_dma source(%arg4 : memref<128x128xf32, #tpu.memory_space<hbm>>) target(%arg7 : memref<128x128xf32, #tpu.memory_space<vmem>>) target_semaphore(%run_scoped3A : memref<!tpu.dma_semaphore, #tpu.memory_space<semaphore_mem>>)
      tpu.wait_dma2 semaphore(%run_scoped3A : memref<!tpu.dma_semaphore, #tpu.memory_space<semaphore_mem>>) src(%arg4 : memref<128x128xf32, #tpu.memory_space<hbm>>) dst(%arg7 : memref<128x128xf32, #tpu.memory_space<vmem>>)
      tpu.yield
    }) : () -> ()
    %mul3A_1 = arith.constant 640 : i32
    %mul3A_2 = arith.muli %arg1, %mul3A_1 : i32
    %add3A_3 = arith.constant 0 : i32
    %add3A_4 = arith.addi %mul3A_2, %add3A_3 : i32
    "tpu.region"() ({
      %run_scoped3A = tpu.sem_alloc : memref<!tpu.dma_semaphore, #tpu.memory_space<semaphore_mem>>
      %dma_start3A = arith.constant 0 : i32
      %dma_start3A_49 = tpu.memref_slice %arg6[%add3A_4, %dma_start3A] : memref<10240x128xf32, #tpu.memory_space<vmem_shared>> -> memref<128x128xf32, #tpu.memory_space<vmem_shared>>
      %dma_start3A_50 = arith.constant 0 : i32
      %dma_start3A_51 = tpu.memref_slice %arg6[%add3A_4, %dma_start3A_50] : memref<10240x128xf32, #tpu.memory_space<vmem_shared>> -> memref<128x128xf32, #tpu.memory_space<vmem_shared>>
      tpu.enqueue_dma source(%arg7 : memref<128x128xf32, #tpu.memory_space<vmem>>) target(%dma_start3A_51 : memref<128x128xf32, #tpu.memory_space<vmem_shared>>) target_semaphore(%run_scoped3A : memref<!tpu.dma_semaphore, #tpu.memory_space<semaphore_mem>>)
      %dma_wait3A = arith.constant 0 : i32
      %dma_wait3A_52 = tpu.memref_slice %arg6[%add3A_4, %dma_wait3A] : memref<10240x128xf32, #tpu.memory_space<vmem_shared>> -> memref<128x128xf32, #tpu.memory_space<vmem_shared>>
      %dma_wait3A_53 = arith.constant 0 : i32
      %dma_wait3A_54 = tpu.memref_slice %arg6[%add3A_4, %dma_wait3A_53] : memref<10240x128xf32, #tpu.memory_space<vmem_shared>> -> memref<128x128xf32, #tpu.memory_space<vmem_shared>>
      tpu.wait_dma2 semaphore(%run_scoped3A : memref<!tpu.dma_semaphore, #tpu.memory_space<semaphore_mem>>) src(%arg7 : memref<128x128xf32, #tpu.memory_space<vmem>>) dst(%dma_wait3A_54 : memref<128x128xf32, #tpu.memory_space<vmem_shared>>)
      tpu.yield
    }) : () -> ()
    %mul3A_5 = arith.constant 640 : i32
    %mul3A_6 = arith.muli %arg1, %mul3A_5 : i32
    %add3A_7 = arith.constant 128 : i32
    %add3A_8 = arith.addi %mul3A_6, %add3A_7 : i32
    "tpu.region"() ({
      %run_scoped3A = tpu.sem_alloc : memref<!tpu.dma_semaphore, #tpu.memory_space<semaphore_mem>>
      %dma_start3A = arith.constant 0 : i32
      %dma_start3A_49 = tpu.memref_slice %arg6[%add3A_8, %dma_start3A] : memref<10240x128xf32, #tpu.memory_space<vmem_shared>> -> memref<128x128xf32, #tpu.memory_space<vmem_shared>>
      %dma_start3A_50 = arith.constant 0 : i32
      %dma_start3A_51 = tpu.memref_slice %arg6[%add3A_8, %dma_start3A_50] : memref<10240x128xf32, #tpu.memory_space<vmem_shared>> -> memref<128x128xf32, #tpu.memory_space<vmem_shared>>
      tpu.enqueue_dma source(%arg7 : memref<128x128xf32, #tpu.memory_space<vmem>>) target(%dma_start3A_51 : memref<128x128xf32, #tpu.memory_space<vmem_shared>>) target_semaphore(%run_scoped3A : memref<!tpu.dma_semaphore, #tpu.memory_space<semaphore_mem>>)
      %dma_wait3A = arith.constant 0 : i32
      %dma_wait3A_52 = tpu.memref_slice %arg6[%add3A_8, %dma_wait3A] : memref<10240x128xf32, #tpu.memory_space<vmem_shared>> -> memref<128x128xf32, #tpu.memory_space<vmem_shared>>
      %dma_wait3A_53 = arith.constant 0 : i32
      %dma_wait3A_54 = tpu.memref_slice %arg6[%add3A_8, %dma_wait3A_53] : memref<10240x128xf32, #tpu.memory_space<vmem_shared>> -> memref<128x128xf32, #tpu.memory_space<vmem_shared>>
      tpu.wait_dma2 semaphore(%run_scoped3A : memref<!tpu.dma_semaphore, #tpu.memory_space<semaphore_mem>>) src(%arg7 : memref<128x128xf32, #tpu.memory_space<vmem>>) dst(%dma_wait3A_54 : memref<128x128xf32, #tpu.memory_space<vmem_shared>>)
      tpu.yield
    }) : () -> ()
    %mul3A_9 = arith.constant 640 : i32
    %mul3A_10 = arith.muli %arg1, %mul3A_9 : i32
    %add3A_11 = arith.constant 256 : i32
    %add3A_12 = arith.addi %mul3A_10, %add3A_11 : i32
    "tpu.region"() ({
      %run_scoped3A = tpu.sem_alloc : memref<!tpu.dma_semaphore, #tpu.memory_space<semaphore_mem>>
      %dma_start3A = arith.constant 0 : i32
      %dma_start3A_49 = tpu.memref_slice %arg6[%add3A_12, %dma_start3A] : memref<10240x128xf32, #tpu.memory_space<vmem_shared>> -> memref<128x128xf32, #tpu.memory_space<vmem_shared>>
      %dma_start3A_50 = arith.constant 0 : i32
      %dma_start3A_51 = tpu.memref_slice %arg6[%add3A_12, %dma_start3A_50] : memref<10240x128xf32, #tpu.memory_space<vmem_shared>> -> memref<128x128xf32, #tpu.memory_space<vmem_shared>>
      tpu.enqueue_dma source(%arg7 : memref<128x128xf32, #tpu.memory_space<vmem>>) target(%dma_start3A_51 : memref<128x128xf32, #tpu.memory_space<vmem_shared>>) target_semaphore(%run_scoped3A : memref<!tpu.dma_semaphore, #tpu.memory_space<semaphore_mem>>)
      %dma_wait3A = arith.constant 0 : i32
      %dma_wait3A_52 = tpu.memref_slice %arg6[%add3A_12, %dma_wait3A] : memref<10240x128xf32, #tpu.memory_space<vmem_shared>> -> memref<128x128xf32, #tpu.memory_space<vmem_shared>>
      %dma_wait3A_53 = arith.constant 0 : i32
      %dma_wait3A_54 = tpu.memref_slice %arg6[%add3A_12, %dma_wait3A_53] : memref<10240x128xf32, #tpu.memory_space<vmem_shared>> -> memref<128x128xf32, #tpu.memory_space<vmem_shared>>
      tpu.wait_dma2 semaphore(%run_scoped3A : memref<!tpu.dma_semaphore, #tpu.memory_space<semaphore_mem>>) src(%arg7 : memref<128x128xf32, #tpu.memory_space<vmem>>) dst(%dma_wait3A_54 : memref<128x128xf32, #tpu.memory_space<vmem_shared>>)
      tpu.yield
    }) : () -> ()
    %mul3A_13 = arith.constant 640 : i32
    %mul3A_14 = arith.muli %arg1, %mul3A_13 : i32
    %add3A_15 = arith.constant 384 : i32
    %add3A_16 = arith.addi %mul3A_14, %add3A_15 : i32
    "tpu.region"() ({
      %run_scoped3A = tpu.sem_alloc : memref<!tpu.dma_semaphore, #tpu.memory_space<semaphore_mem>>
      %dma_start3A = arith.constant 0 : i32
      %dma_start3A_49 = tpu.memref_slice %arg6[%add3A_16, %dma_start3A] : memref<10240x128xf32, #tpu.memory_space<vmem_shared>> -> memref<128x128xf32, #tpu.memory_space<vmem_shared>>
      %dma_start3A_50 = arith.constant 0 : i32
      %dma_start3A_51 = tpu.memref_slice %arg6[%add3A_16, %dma_start3A_50] : memref<10240x128xf32, #tpu.memory_space<vmem_shared>> -> memref<128x128xf32, #tpu.memory_space<vmem_shared>>
      tpu.enqueue_dma source(%arg7 : memref<128x128xf32, #tpu.memory_space<vmem>>) target(%dma_start3A_51 : memref<128x128xf32, #tpu.memory_space<vmem_shared>>) target_semaphore(%run_scoped3A : memref<!tpu.dma_semaphore, #tpu.memory_space<semaphore_mem>>)
      %dma_wait3A = arith.constant 0 : i32
      %dma_wait3A_52 = tpu.memref_slice %arg6[%add3A_16, %dma_wait3A] : memref<10240x128xf32, #tpu.memory_space<vmem_shared>> -> memref<128x128xf32, #tpu.memory_space<vmem_shared>>
      %dma_wait3A_53 = arith.constant 0 : i32
      %dma_wait3A_54 = tpu.memref_slice %arg6[%add3A_16, %dma_wait3A_53] : memref<10240x128xf32, #tpu.memory_space<vmem_shared>> -> memref<128x128xf32, #tpu.memory_space<vmem_shared>>
      tpu.wait_dma2 semaphore(%run_scoped3A : memref<!tpu.dma_semaphore, #tpu.memory_space<semaphore_mem>>) src(%arg7 : memref<128x128xf32, #tpu.memory_space<vmem>>) dst(%dma_wait3A_54 : memref<128x128xf32, #tpu.memory_space<vmem_shared>>)
      tpu.yield
    }) : () -> ()
    %mul3A_17 = arith.constant 640 : i32
    %mul3A_18 = arith.muli %arg1, %mul3A_17 : i32
    %add3A_19 = arith.constant 512 : i32
    %add3A_20 = arith.addi %mul3A_18, %add3A_19 : i32
    "tpu.region"() ({
      %run_scoped3A = tpu.sem_alloc : memref<!tpu.dma_semaphore, #tpu.memory_space<semaphore_mem>>
      %dma_start3A = arith.constant 0 : i32
      %dma_start3A_49 = tpu.memref_slice %arg6[%add3A_20, %dma_start3A] : memref<10240x128xf32, #tpu.memory_space<vmem_shared>> -> memref<128x128xf32, #tpu.memory_space<vmem_shared>>
      %dma_start3A_50 = arith.constant 0 : i32
      %dma_start3A_51 = tpu.memref_slice %arg6[%add3A_20, %dma_start3A_50] : memref<10240x128xf32, #tpu.memory_space<vmem_shared>> -> memref<128x128xf32, #tpu.memory_space<vmem_shared>>
      tpu.enqueue_dma source(%arg7 : memref<128x128xf32, #tpu.memory_space<vmem>>) target(%dma_start3A_51 : memref<128x128xf32, #tpu.memory_space<vmem_shared>>) target_semaphore(%run_scoped3A : memref<!tpu.dma_semaphore, #tpu.memory_space<semaphore_mem>>)
      %dma_wait3A = arith.constant 0 : i32
      %dma_wait3A_52 = tpu.memref_slice %arg6[%add3A_20, %dma_wait3A] : memref<10240x128xf32, #tpu.memory_space<vmem_shared>> -> memref<128x128xf32, #tpu.memory_space<vmem_shared>>
      %dma_wait3A_53 = arith.constant 0 : i32
      %dma_wait3A_54 = tpu.memref_slice %arg6[%add3A_20, %dma_wait3A_53] : memref<10240x128xf32, #tpu.memory_space<vmem_shared>> -> memref<128x128xf32, #tpu.memory_space<vmem_shared>>
      tpu.wait_dma2 semaphore(%run_scoped3A : memref<!tpu.dma_semaphore, #tpu.memory_space<semaphore_mem>>) src(%arg7 : memref<128x128xf32, #tpu.memory_space<vmem>>) dst(%dma_wait3A_54 : memref<128x128xf32, #tpu.memory_space<vmem_shared>>)
      tpu.yield
    }) : () -> ()
    "tpu.region"() ({
      %run_scoped3A = tpu.sem_alloc : memref<!tpu.dma_semaphore, #tpu.memory_space<semaphore_mem>>
      tpu.enqueue_dma source(%arg3 : memref<128x128xf32, #tpu.memory_space<hbm>>) target(%arg7 : memref<128x128xf32, #tpu.memory_space<vmem>>) target_semaphore(%run_scoped3A : memref<!tpu.dma_semaphore, #tpu.memory_space<semaphore_mem>>)
      tpu.wait_dma2 semaphore(%run_scoped3A : memref<!tpu.dma_semaphore, #tpu.memory_space<semaphore_mem>>) src(%arg3 : memref<128x128xf32, #tpu.memory_space<hbm>>) dst(%arg7 : memref<128x128xf32, #tpu.memory_space<vmem>>)
      tpu.yield
    }) : () -> ()
    %barrier3A = arith.constant 0 : index
    tpu.barrier barrier_id(%barrier3A)
    %mul3A_21 = arith.constant 10112 : i32
    %mul3A_22 = arith.muli %add3A, %mul3A_21 : i32
    %scan3A = arith.constant 0 : i32
    %scan3A_23 = arith.constant 0 : i32
    %scan3A_24 = arith.constant 79 : i32
    %scan3A_25 = arith.addi %scan3A_23, %scan3A_24 : i32
    %scan3A_26 = arith.constant 1 : i32
    scf.for %scan3A_49 = %scan3A_23 to %scan3A_25 step %scan3A_26  : i32 {
      %mul3A_50 = arith.constant 128 : i32
      %mul3A_51 = arith.muli %scan3A_49, %mul3A_50 : i32
      %add3A_52 = arith.addi %mul3A_22, %mul3A_51 : i32
      "tpu.region"() ({
        %run_scoped3A = tpu.sem_alloc : memref<!tpu.dma_semaphore, #tpu.memory_space<semaphore_mem>>
        %dma_start3A = tpu.memref_slice %arg2[%add3A_52] : memref<323584xi32, #tpu.memory_space<hbm>> -> memref<128xi32, #tpu.memory_space<hbm>>
        %dma_start3A_53 = tpu.memref_slice %arg2[%add3A_52] : memref<323584xi32, #tpu.memory_space<hbm>> -> memref<128xi32, #tpu.memory_space<hbm>>
        tpu.enqueue_dma source(%dma_start3A_53 : memref<128xi32, #tpu.memory_space<hbm>>) target(%arg8 : memref<128xi32, #tpu.memory_space<vmem>>) target_semaphore(%run_scoped3A : memref<!tpu.dma_semaphore, #tpu.memory_space<semaphore_mem>>)
        %dma_wait3A = tpu.memref_slice %arg2[%add3A_52] : memref<323584xi32, #tpu.memory_space<hbm>> -> memref<128xi32, #tpu.memory_space<hbm>>
        %dma_wait3A_54 = tpu.memref_slice %arg2[%add3A_52] : memref<323584xi32, #tpu.memory_space<hbm>> -> memref<128xi32, #tpu.memory_space<hbm>>
        tpu.wait_dma2 semaphore(%run_scoped3A : memref<!tpu.dma_semaphore, #tpu.memory_space<semaphore_mem>>) src(%dma_wait3A_54 : memref<128xi32, #tpu.memory_space<hbm>>) dst(%arg8 : memref<128xi32, #tpu.memory_space<vmem>>)
        tpu.yield
      }) : () -> ()
      "tpu.region"() ({
        %run_scoped3A = tpu.sem_alloc : memref<!tpu.dma_semaphore, #tpu.memory_space<semaphore_mem>>
        %dma_start3A = arith.constant 0 : i32
        %dma_start3A_53 = arith.constant 0 : i32
        %dma_start3A_54 = tpu.memref_slice %arg6[%dma_start3A, %dma_start3A_53] : memref<10240x128xf32, #tpu.memory_space<vmem_shared>> -> memref<10240x128xf32, #tpu.memory_space<vmem_shared>>
        tpu.enqueue_indirect_dma source(%arg7 : memref<128x128xf32, #tpu.memory_space<vmem>>) target(%dma_start3A_54 : memref<10240x128xf32, #tpu.memory_space<vmem_shared>>) offsets(%arg8 : memref<128xi32, #tpu.memory_space<vmem>>) semaphore(%run_scoped3A : memref<!tpu.dma_semaphore, #tpu.memory_space<semaphore_mem>>) {add = true}
        %dma_wait3A = arith.constant 0 : i32
        %dma_wait3A_55 = arith.constant 0 : i32
        %dma_wait3A_56 = tpu.memref_slice %arg6[%dma_wait3A, %dma_wait3A_55] : memref<10240x128xf32, #tpu.memory_space<vmem_shared>> -> memref<10240x128xf32, #tpu.memory_space<vmem_shared>>
        tpu.wait_indirect_dma semaphore(%run_scoped3A : memref<!tpu.dma_semaphore, #tpu.memory_space<semaphore_mem>>) src(%arg7 : memref<128x128xf32, #tpu.memory_space<vmem>>) dst(%dma_wait3A_56 : memref<10240x128xf32, #tpu.memory_space<vmem_shared>>)
        tpu.yield
      }) : () -> ()
    }
    %scan3A_27 = arith.constant 79 : i32
    %barrier3A_28 = arith.constant 0 : index
    tpu.barrier barrier_id(%barrier3A_28)
    %mul3A_29 = arith.constant 640 : i32
    %mul3A_30 = arith.muli %arg1, %mul3A_29 : i32
    %add3A_31 = arith.constant 0 : i32
    %add3A_32 = arith.addi %mul3A_30, %add3A_31 : i32
    "tpu.region"() ({
      %run_scoped3A = tpu.sem_alloc : memref<!tpu.dma_semaphore, #tpu.memory_space<semaphore_mem>>
      %dma_start3A = arith.constant 0 : i32
      %dma_start3A_49 = tpu.memref_slice %arg6[%add3A_32, %dma_start3A] : memref<10240x128xf32, #tpu.memory_space<vmem_shared>> -> memref<128x128xf32, #tpu.memory_space<vmem_shared>>
      %dma_start3A_50 = arith.constant 0 : i32
      %dma_start3A_51 = tpu.memref_slice %arg6[%add3A_32, %dma_start3A_50] : memref<10240x128xf32, #tpu.memory_space<vmem_shared>> -> memref<128x128xf32, #tpu.memory_space<vmem_shared>>
      tpu.enqueue_dma source(%dma_start3A_51 : memref<128x128xf32, #tpu.memory_space<vmem_shared>>) target(%arg7 : memref<128x128xf32, #tpu.memory_space<vmem>>) target_semaphore(%run_scoped3A : memref<!tpu.dma_semaphore, #tpu.memory_space<semaphore_mem>>)
      %dma_wait3A = arith.constant 0 : i32
      %dma_wait3A_52 = tpu.memref_slice %arg6[%add3A_32, %dma_wait3A] : memref<10240x128xf32, #tpu.memory_space<vmem_shared>> -> memref<128x128xf32, #tpu.memory_space<vmem_shared>>
      %dma_wait3A_53 = arith.constant 0 : i32
      %dma_wait3A_54 = tpu.memref_slice %arg6[%add3A_32, %dma_wait3A_53] : memref<10240x128xf32, #tpu.memory_space<vmem_shared>> -> memref<128x128xf32, #tpu.memory_space<vmem_shared>>
      tpu.wait_dma2 semaphore(%run_scoped3A : memref<!tpu.dma_semaphore, #tpu.memory_space<semaphore_mem>>) src(%dma_wait3A_54 : memref<128x128xf32, #tpu.memory_space<vmem_shared>>) dst(%arg7 : memref<128x128xf32, #tpu.memory_space<vmem>>)
      tpu.yield
    }) : () -> ()
    "tpu.region"() ({
      %run_scoped3A = tpu.sem_alloc : memref<!tpu.dma_semaphore, #tpu.memory_space<semaphore_mem>>
      %dma_start3A = arith.constant 0 : i32
      %dma_start3A_49 = tpu.memref_slice %arg5[%arg0, %add3A_32, %dma_start3A] : memref<2x10240x128xf32, #tpu.memory_space<hbm>> -> memref<1x128x128xf32, #tpu.memory_space<hbm>>
      %dma_start3A_50 = tpu.memref_squeeze %dma_start3A_49 : memref<1x128x128xf32, #tpu.memory_space<hbm>> -> memref<128x128xf32, #tpu.memory_space<hbm>>
      %dma_start3A_51 = arith.constant 0 : i32
      %dma_start3A_52 = tpu.memref_slice %arg5[%arg0, %add3A_32, %dma_start3A_51] : memref<2x10240x128xf32, #tpu.memory_space<hbm>> -> memref<1x128x128xf32, #tpu.memory_space<hbm>>
      %dma_start3A_53 = tpu.memref_squeeze %dma_start3A_52 : memref<1x128x128xf32, #tpu.memory_space<hbm>> -> memref<128x128xf32, #tpu.memory_space<hbm>>
      tpu.enqueue_dma source(%arg7 : memref<128x128xf32, #tpu.memory_space<vmem>>) target(%dma_start3A_53 : memref<128x128xf32, #tpu.memory_space<hbm>>) target_semaphore(%run_scoped3A : memref<!tpu.dma_semaphore, #tpu.memory_space<semaphore_mem>>)
      %dma_wait3A = arith.constant 0 : i32
      %dma_wait3A_54 = tpu.memref_slice %arg5[%arg0, %add3A_32, %dma_wait3A] : memref<2x10240x128xf32, #tpu.memory_space<hbm>> -> memref<1x128x128xf32, #tpu.memory_space<hbm>>
      %dma_wait3A_55 = tpu.memref_squeeze %dma_wait3A_54 : memref<1x128x128xf32, #tpu.memory_space<hbm>> -> memref<128x128xf32, #tpu.memory_space<hbm>>
      %dma_wait3A_56 = arith.constant 0 : i32
      %dma_wait3A_57 = tpu.memref_slice %arg5[%arg0, %add3A_32, %dma_wait3A_56] : memref<2x10240x128xf32, #tpu.memory_space<hbm>> -> memref<1x128x128xf32, #tpu.memory_space<hbm>>
      %dma_wait3A_58 = tpu.memref_squeeze %dma_wait3A_57 : memref<1x128x128xf32, #tpu.memory_space<hbm>> -> memref<128x128xf32, #tpu.memory_space<hbm>>
      tpu.wait_dma2 semaphore(%run_scoped3A : memref<!tpu.dma_semaphore, #tpu.memory_space<semaphore_mem>>) src(%arg7 : memref<128x128xf32, #tpu.memory_space<vmem>>) dst(%dma_wait3A_58 : memref<128x128xf32, #tpu.memory_space<hbm>>)
      tpu.yield
    }) : () -> ()
    %mul3A_33 = arith.constant 640 : i32
    %mul3A_34 = arith.muli %arg1, %mul3A_33 : i32
    %add3A_35 = arith.constant 128 : i32
    %add3A_36 = arith.addi %mul3A_34, %add3A_35 : i32
    "tpu.region"() ({
      %run_scoped3A = tpu.sem_alloc : memref<!tpu.dma_semaphore, #tpu.memory_space<semaphore_mem>>
      %dma_start3A = arith.constant 0 : i32
      %dma_start3A_49 = tpu.memref_slice %arg6[%add3A_36, %dma_start3A] : memref<10240x128xf32, #tpu.memory_space<vmem_shared>> -> memref<128x128xf32, #tpu.memory_space<vmem_shared>>
      %dma_start3A_50 = arith.constant 0 : i32
      %dma_start3A_51 = tpu.memref_slice %arg6[%add3A_36, %dma_start3A_50] : memref<10240x128xf32, #tpu.memory_space<vmem_shared>> -> memref<128x128xf32, #tpu.memory_space<vmem_shared>>
      tpu.enqueue_dma source(%dma_start3A_51 : memref<128x128xf32, #tpu.memory_space<vmem_shared>>) target(%arg7 : memref<128x128xf32, #tpu.memory_space<vmem>>) target_semaphore(%run_scoped3A : memref<!tpu.dma_semaphore, #tpu.memory_space<semaphore_mem>>)
      %dma_wait3A = arith.constant 0 : i32
      %dma_wait3A_52 = tpu.memref_slice %arg6[%add3A_36, %dma_wait3A] : memref<10240x128xf32, #tpu.memory_space<vmem_shared>> -> memref<128x128xf32, #tpu.memory_space<vmem_shared>>
      %dma_wait3A_53 = arith.constant 0 : i32
      %dma_wait3A_54 = tpu.memref_slice %arg6[%add3A_36, %dma_wait3A_53] : memref<10240x128xf32, #tpu.memory_space<vmem_shared>> -> memref<128x128xf32, #tpu.memory_space<vmem_shared>>
      tpu.wait_dma2 semaphore(%run_scoped3A : memref<!tpu.dma_semaphore, #tpu.memory_space<semaphore_mem>>) src(%dma_wait3A_54 : memref<128x128xf32, #tpu.memory_space<vmem_shared>>) dst(%arg7 : memref<128x128xf32, #tpu.memory_space<vmem>>)
      tpu.yield
    }) : () -> ()
    "tpu.region"() ({
      %run_scoped3A = tpu.sem_alloc : memref<!tpu.dma_semaphore, #tpu.memory_space<semaphore_mem>>
      %dma_start3A = arith.constant 0 : i32
      %dma_start3A_49 = tpu.memref_slice %arg5[%arg0, %add3A_36, %dma_start3A] : memref<2x10240x128xf32, #tpu.memory_space<hbm>> -> memref<1x128x128xf32, #tpu.memory_space<hbm>>
      %dma_start3A_50 = tpu.memref_squeeze %dma_start3A_49 : memref<1x128x128xf32, #tpu.memory_space<hbm>> -> memref<128x128xf32, #tpu.memory_space<hbm>>
      %dma_start3A_51 = arith.constant 0 : i32
      %dma_start3A_52 = tpu.memref_slice %arg5[%arg0, %add3A_36, %dma_start3A_51] : memref<2x10240x128xf32, #tpu.memory_space<hbm>> -> memref<1x128x128xf32, #tpu.memory_space<hbm>>
      %dma_start3A_53 = tpu.memref_squeeze %dma_start3A_52 : memref<1x128x128xf32, #tpu.memory_space<hbm>> -> memref<128x128xf32, #tpu.memory_space<hbm>>
      tpu.enqueue_dma source(%arg7 : memref<128x128xf32, #tpu.memory_space<vmem>>) target(%dma_start3A_53 : memref<128x128xf32, #tpu.memory_space<hbm>>) target_semaphore(%run_scoped3A : memref<!tpu.dma_semaphore, #tpu.memory_space<semaphore_mem>>)
      %dma_wait3A = arith.constant 0 : i32
      %dma_wait3A_54 = tpu.memref_slice %arg5[%arg0, %add3A_36, %dma_wait3A] : memref<2x10240x128xf32, #tpu.memory_space<hbm>> -> memref<1x128x128xf32, #tpu.memory_space<hbm>>
      %dma_wait3A_55 = tpu.memref_squeeze %dma_wait3A_54 : memref<1x128x128xf32, #tpu.memory_space<hbm>> -> memref<128x128xf32, #tpu.memory_space<hbm>>
      %dma_wait3A_56 = arith.constant 0 : i32
      %dma_wait3A_57 = tpu.memref_slice %arg5[%arg0, %add3A_36, %dma_wait3A_56] : memref<2x10240x128xf32, #tpu.memory_space<hbm>> -> memref<1x128x128xf32, #tpu.memory_space<hbm>>
      %dma_wait3A_58 = tpu.memref_squeeze %dma_wait3A_57 : memref<1x128x128xf32, #tpu.memory_space<hbm>> -> memref<128x128xf32, #tpu.memory_space<hbm>>
      tpu.wait_dma2 semaphore(%run_scoped3A : memref<!tpu.dma_semaphore, #tpu.memory_space<semaphore_mem>>) src(%arg7 : memref<128x128xf32, #tpu.memory_space<vmem>>) dst(%dma_wait3A_58 : memref<128x128xf32, #tpu.memory_space<hbm>>)
      tpu.yield
    }) : () -> ()
    %mul3A_37 = arith.constant 640 : i32
    %mul3A_38 = arith.muli %arg1, %mul3A_37 : i32
    %add3A_39 = arith.constant 256 : i32
    %add3A_40 = arith.addi %mul3A_38, %add3A_39 : i32
    "tpu.region"() ({
      %run_scoped3A = tpu.sem_alloc : memref<!tpu.dma_semaphore, #tpu.memory_space<semaphore_mem>>
      %dma_start3A = arith.constant 0 : i32
      %dma_start3A_49 = tpu.memref_slice %arg6[%add3A_40, %dma_start3A] : memref<10240x128xf32, #tpu.memory_space<vmem_shared>> -> memref<128x128xf32, #tpu.memory_space<vmem_shared>>
      %dma_start3A_50 = arith.constant 0 : i32
      %dma_start3A_51 = tpu.memref_slice %arg6[%add3A_40, %dma_start3A_50] : memref<10240x128xf32, #tpu.memory_space<vmem_shared>> -> memref<128x128xf32, #tpu.memory_space<vmem_shared>>
      tpu.enqueue_dma source(%dma_start3A_51 : memref<128x128xf32, #tpu.memory_space<vmem_shared>>) target(%arg7 : memref<128x128xf32, #tpu.memory_space<vmem>>) target_semaphore(%run_scoped3A : memref<!tpu.dma_semaphore, #tpu.memory_space<semaphore_mem>>)
      %dma_wait3A = arith.constant 0 : i32
      %dma_wait3A_52 = tpu.memref_slice %arg6[%add3A_40, %dma_wait3A] : memref<10240x128xf32, #tpu.memory_space<vmem_shared>> -> memref<128x128xf32, #tpu.memory_space<vmem_shared>>
      %dma_wait3A_53 = arith.constant 0 : i32
      %dma_wait3A_54 = tpu.memref_slice %arg6[%add3A_40, %dma_wait3A_53] : memref<10240x128xf32, #tpu.memory_space<vmem_shared>> -> memref<128x128xf32, #tpu.memory_space<vmem_shared>>
      tpu.wait_dma2 semaphore(%run_scoped3A : memref<!tpu.dma_semaphore, #tpu.memory_space<semaphore_mem>>) src(%dma_wait3A_54 : memref<128x128xf32, #tpu.memory_space<vmem_shared>>) dst(%arg7 : memref<128x128xf32, #tpu.memory_space<vmem>>)
      tpu.yield
    }) : () -> ()
    "tpu.region"() ({
      %run_scoped3A = tpu.sem_alloc : memref<!tpu.dma_semaphore, #tpu.memory_space<semaphore_mem>>
      %dma_start3A = arith.constant 0 : i32
      %dma_start3A_49 = tpu.memref_slice %arg5[%arg0, %add3A_40, %dma_start3A] : memref<2x10240x128xf32, #tpu.memory_space<hbm>> -> memref<1x128x128xf32, #tpu.memory_space<hbm>>
      %dma_start3A_50 = tpu.memref_squeeze %dma_start3A_49 : memref<1x128x128xf32, #tpu.memory_space<hbm>> -> memref<128x128xf32, #tpu.memory_space<hbm>>
      %dma_start3A_51 = arith.constant 0 : i32
      %dma_start3A_52 = tpu.memref_slice %arg5[%arg0, %add3A_40, %dma_start3A_51] : memref<2x10240x128xf32, #tpu.memory_space<hbm>> -> memref<1x128x128xf32, #tpu.memory_space<hbm>>
      %dma_start3A_53 = tpu.memref_squeeze %dma_start3A_52 : memref<1x128x128xf32, #tpu.memory_space<hbm>> -> memref<128x128xf32, #tpu.memory_space<hbm>>
      tpu.enqueue_dma source(%arg7 : memref<128x128xf32, #tpu.memory_space<vmem>>) target(%dma_start3A_53 : memref<128x128xf32, #tpu.memory_space<hbm>>) target_semaphore(%run_scoped3A : memref<!tpu.dma_semaphore, #tpu.memory_space<semaphore_mem>>)
      %dma_wait3A = arith.constant 0 : i32
      %dma_wait3A_54 = tpu.memref_slice %arg5[%arg0, %add3A_40, %dma_wait3A] : memref<2x10240x128xf32, #tpu.memory_space<hbm>> -> memref<1x128x128xf32, #tpu.memory_space<hbm>>
      %dma_wait3A_55 = tpu.memref_squeeze %dma_wait3A_54 : memref<1x128x128xf32, #tpu.memory_space<hbm>> -> memref<128x128xf32, #tpu.memory_space<hbm>>
      %dma_wait3A_56 = arith.constant 0 : i32
      %dma_wait3A_57 = tpu.memref_slice %arg5[%arg0, %add3A_40, %dma_wait3A_56] : memref<2x10240x128xf32, #tpu.memory_space<hbm>> -> memref<1x128x128xf32, #tpu.memory_space<hbm>>
      %dma_wait3A_58 = tpu.memref_squeeze %dma_wait3A_57 : memref<1x128x128xf32, #tpu.memory_space<hbm>> -> memref<128x128xf32, #tpu.memory_space<hbm>>
      tpu.wait_dma2 semaphore(%run_scoped3A : memref<!tpu.dma_semaphore, #tpu.memory_space<semaphore_mem>>) src(%arg7 : memref<128x128xf32, #tpu.memory_space<vmem>>) dst(%dma_wait3A_58 : memref<128x128xf32, #tpu.memory_space<hbm>>)
      tpu.yield
    }) : () -> ()
    %mul3A_41 = arith.constant 640 : i32
    %mul3A_42 = arith.muli %arg1, %mul3A_41 : i32
    %add3A_43 = arith.constant 384 : i32
    %add3A_44 = arith.addi %mul3A_42, %add3A_43 : i32
    "tpu.region"() ({
      %run_scoped3A = tpu.sem_alloc : memref<!tpu.dma_semaphore, #tpu.memory_space<semaphore_mem>>
      %dma_start3A = arith.constant 0 : i32
      %dma_start3A_49 = tpu.memref_slice %arg6[%add3A_44, %dma_start3A] : memref<10240x128xf32, #tpu.memory_space<vmem_shared>> -> memref<128x128xf32, #tpu.memory_space<vmem_shared>>
      %dma_start3A_50 = arith.constant 0 : i32
      %dma_start3A_51 = tpu.memref_slice %arg6[%add3A_44, %dma_start3A_50] : memref<10240x128xf32, #tpu.memory_space<vmem_shared>> -> memref<128x128xf32, #tpu.memory_space<vmem_shared>>
      tpu.enqueue_dma source(%dma_start3A_51 : memref<128x128xf32, #tpu.memory_space<vmem_shared>>) target(%arg7 : memref<128x128xf32, #tpu.memory_space<vmem>>) target_semaphore(%run_scoped3A : memref<!tpu.dma_semaphore, #tpu.memory_space<semaphore_mem>>)
      %dma_wait3A = arith.constant 0 : i32
      %dma_wait3A_52 = tpu.memref_slice %arg6[%add3A_44, %dma_wait3A] : memref<10240x128xf32, #tpu.memory_space<vmem_shared>> -> memref<128x128xf32, #tpu.memory_space<vmem_shared>>
      %dma_wait3A_53 = arith.constant 0 : i32
      %dma_wait3A_54 = tpu.memref_slice %arg6[%add3A_44, %dma_wait3A_53] : memref<10240x128xf32, #tpu.memory_space<vmem_shared>> -> memref<128x128xf32, #tpu.memory_space<vmem_shared>>
      tpu.wait_dma2 semaphore(%run_scoped3A : memref<!tpu.dma_semaphore, #tpu.memory_space<semaphore_mem>>) src(%dma_wait3A_54 : memref<128x128xf32, #tpu.memory_space<vmem_shared>>) dst(%arg7 : memref<128x128xf32, #tpu.memory_space<vmem>>)
      tpu.yield
    }) : () -> ()
    "tpu.region"() ({
      %run_scoped3A = tpu.sem_alloc : memref<!tpu.dma_semaphore, #tpu.memory_space<semaphore_mem>>
      %dma_start3A = arith.constant 0 : i32
      %dma_start3A_49 = tpu.memref_slice %arg5[%arg0, %add3A_44, %dma_start3A] : memref<2x10240x128xf32, #tpu.memory_space<hbm>> -> memref<1x128x128xf32, #tpu.memory_space<hbm>>
      %dma_start3A_50 = tpu.memref_squeeze %dma_start3A_49 : memref<1x128x128xf32, #tpu.memory_space<hbm>> -> memref<128x128xf32, #tpu.memory_space<hbm>>
      %dma_start3A_51 = arith.constant 0 : i32
      %dma_start3A_52 = tpu.memref_slice %arg5[%arg0, %add3A_44, %dma_start3A_51] : memref<2x10240x128xf32, #tpu.memory_space<hbm>> -> memref<1x128x128xf32, #tpu.memory_space<hbm>>
      %dma_start3A_53 = tpu.memref_squeeze %dma_start3A_52 : memref<1x128x128xf32, #tpu.memory_space<hbm>> -> memref<128x128xf32, #tpu.memory_space<hbm>>
      tpu.enqueue_dma source(%arg7 : memref<128x128xf32, #tpu.memory_space<vmem>>) target(%dma_start3A_53 : memref<128x128xf32, #tpu.memory_space<hbm>>) target_semaphore(%run_scoped3A : memref<!tpu.dma_semaphore, #tpu.memory_space<semaphore_mem>>)
      %dma_wait3A = arith.constant 0 : i32
      %dma_wait3A_54 = tpu.memref_slice %arg5[%arg0, %add3A_44, %dma_wait3A] : memref<2x10240x128xf32, #tpu.memory_space<hbm>> -> memref<1x128x128xf32, #tpu.memory_space<hbm>>
      %dma_wait3A_55 = tpu.memref_squeeze %dma_wait3A_54 : memref<1x128x128xf32, #tpu.memory_space<hbm>> -> memref<128x128xf32, #tpu.memory_space<hbm>>
      %dma_wait3A_56 = arith.constant 0 : i32
      %dma_wait3A_57 = tpu.memref_slice %arg5[%arg0, %add3A_44, %dma_wait3A_56] : memref<2x10240x128xf32, #tpu.memory_space<hbm>> -> memref<1x128x128xf32, #tpu.memory_space<hbm>>
      %dma_wait3A_58 = tpu.memref_squeeze %dma_wait3A_57 : memref<1x128x128xf32, #tpu.memory_space<hbm>> -> memref<128x128xf32, #tpu.memory_space<hbm>>
      tpu.wait_dma2 semaphore(%run_scoped3A : memref<!tpu.dma_semaphore, #tpu.memory_space<semaphore_mem>>) src(%arg7 : memref<128x128xf32, #tpu.memory_space<vmem>>) dst(%dma_wait3A_58 : memref<128x128xf32, #tpu.memory_space<hbm>>)
      tpu.yield
    }) : () -> ()
    %mul3A_45 = arith.constant 640 : i32
    %mul3A_46 = arith.muli %arg1, %mul3A_45 : i32
    %add3A_47 = arith.constant 512 : i32
    %add3A_48 = arith.addi %mul3A_46, %add3A_47 : i32
    "tpu.region"() ({
      %run_scoped3A = tpu.sem_alloc : memref<!tpu.dma_semaphore, #tpu.memory_space<semaphore_mem>>
      %dma_start3A = arith.constant 0 : i32
      %dma_start3A_49 = tpu.memref_slice %arg6[%add3A_48, %dma_start3A] : memref<10240x128xf32, #tpu.memory_space<vmem_shared>> -> memref<128x128xf32, #tpu.memory_space<vmem_shared>>
      %dma_start3A_50 = arith.constant 0 : i32
      %dma_start3A_51 = tpu.memref_slice %arg6[%add3A_48, %dma_start3A_50] : memref<10240x128xf32, #tpu.memory_space<vmem_shared>> -> memref<128x128xf32, #tpu.memory_space<vmem_shared>>
      tpu.enqueue_dma source(%dma_start3A_51 : memref<128x128xf32, #tpu.memory_space<vmem_shared>>) target(%arg7 : memref<128x128xf32, #tpu.memory_space<vmem>>) target_semaphore(%run_scoped3A : memref<!tpu.dma_semaphore, #tpu.memory_space<semaphore_mem>>)
      %dma_wait3A = arith.constant 0 : i32
      %dma_wait3A_52 = tpu.memref_slice %arg6[%add3A_48, %dma_wait3A] : memref<10240x128xf32, #tpu.memory_space<vmem_shared>> -> memref<128x128xf32, #tpu.memory_space<vmem_shared>>
      %dma_wait3A_53 = arith.constant 0 : i32
      %dma_wait3A_54 = tpu.memref_slice %arg6[%add3A_48, %dma_wait3A_53] : memref<10240x128xf32, #tpu.memory_space<vmem_shared>> -> memref<128x128xf32, #tpu.memory_space<vmem_shared>>
      tpu.wait_dma2 semaphore(%run_scoped3A : memref<!tpu.dma_semaphore, #tpu.memory_space<semaphore_mem>>) src(%dma_wait3A_54 : memref<128x128xf32, #tpu.memory_space<vmem_shared>>) dst(%arg7 : memref<128x128xf32, #tpu.memory_space<vmem>>)
      tpu.yield
    }) : () -> ()
    "tpu.region"() ({
      %run_scoped3A = tpu.sem_alloc : memref<!tpu.dma_semaphore, #tpu.memory_space<semaphore_mem>>
      %dma_start3A = arith.constant 0 : i32
      %dma_start3A_49 = tpu.memref_slice %arg5[%arg0, %add3A_48, %dma_start3A] : memref<2x10240x128xf32, #tpu.memory_space<hbm>> -> memref<1x128x128xf32, #tpu.memory_space<hbm>>
      %dma_start3A_50 = tpu.memref_squeeze %dma_start3A_49 : memref<1x128x128xf32, #tpu.memory_space<hbm>> -> memref<128x128xf32, #tpu.memory_space<hbm>>
      %dma_start3A_51 = arith.constant 0 : i32
      %dma_start3A_52 = tpu.memref_slice %arg5[%arg0, %add3A_48, %dma_start3A_51] : memref<2x10240x128xf32, #tpu.memory_space<hbm>> -> memref<1x128x128xf32, #tpu.memory_space<hbm>>
      %dma_start3A_53 = tpu.memref_squeeze %dma_start3A_52 : memref<1x128x128xf32, #tpu.memory_space<hbm>> -> memref<128x128xf32, #tpu.memory_space<hbm>>
      tpu.enqueue_dma source(%arg7 : memref<128x128xf32, #tpu.memory_space<vmem>>) target(%dma_start3A_53 : memref<128x128xf32, #tpu.memory_space<hbm>>) target_semaphore(%run_scoped3A : memref<!tpu.dma_semaphore, #tpu.memory_space<semaphore_mem>>)
      %dma_wait3A = arith.constant 0 : i32
      %dma_wait3A_54 = tpu.memref_slice %arg5[%arg0, %add3A_48, %dma_wait3A] : memref<2x10240x128xf32, #tpu.memory_space<hbm>> -> memref<1x128x128xf32, #tpu.memory_space<hbm>>
      %dma_wait3A_55 = tpu.memref_squeeze %dma_wait3A_54 : memref<1x128x128xf32, #tpu.memory_space<hbm>> -> memref<128x128xf32, #tpu.memory_space<hbm>>
      %dma_wait3A_56 = arith.constant 0 : i32
      %dma_wait3A_57 = tpu.memref_slice %arg5[%arg0, %add3A_48, %dma_wait3A_56] : memref<2x10240x128xf32, #tpu.memory_space<hbm>> -> memref<1x128x128xf32, #tpu.memory_space<hbm>>
      %dma_wait3A_58 = tpu.memref_squeeze %dma_wait3A_57 : memref<1x128x128xf32, #tpu.memory_space<hbm>> -> memref<128x128xf32, #tpu.memory_space<hbm>>
      tpu.wait_dma2 semaphore(%run_scoped3A : memref<!tpu.dma_semaphore, #tpu.memory_space<semaphore_mem>>) src(%arg7 : memref<128x128xf32, #tpu.memory_space<vmem>>) dst(%dma_wait3A_58 : memref<128x128xf32, #tpu.memory_space<hbm>>)
      tpu.yield
    }) : () -> ()
    return
  }
}

#map = affine_map<(d0, d1) -> (0, 0)>
#map1 = affine_map<(d0, d1) -> (0)>
#map2 = affine_map<(d0, d1) -> (0, 0, 0)>
module attributes {stable_mosaic.version = 14 : i64} {
  func.func @k(%arg0: i32, %arg1: i32, %arg2: memref<20480x128xf32, #tpu.memory_space<hbm>>, %arg3: memref<647168xi32, #tpu.memory_space<hbm>>, %arg4: memref<323584xi32, #tpu.memory_space<hbm>>, %arg5: memref<128x128xf32, #tpu.memory_space<hbm>>, %arg6: memref<2x10240x128xf32, #tpu.memory_space<hbm>>, %arg7: memref<10240x128xf32, #tpu.memory_space<vmem_shared>>, %arg8: memref<128xi32, #tpu.memory_space<vmem>>, %arg9: memref<128xi32, #tpu.memory_space<vmem>>, %arg10: memref<128xi32, #tpu.memory_space<vmem>>, %arg11: memref<128xi32, #tpu.memory_space<vmem>>, %arg12: memref<128x128xf32, #tpu.memory_space<vmem>>, %arg13: memref<128x128xf32, #tpu.memory_space<vmem>>, %arg14: memref<!tpu.dma_semaphore, #tpu.memory_space<semaphore_mem>>, %arg15: memref<!tpu.dma_semaphore, #tpu.memory_space<semaphore_mem>>, %arg16: memref<!tpu.dma_semaphore, #tpu.memory_space<semaphore_mem>>, %arg17: memref<!tpu.dma_semaphore, #tpu.memory_space<semaphore_mem>>) attributes {dimension_semantics = [#tpu.dimension_semantics<core_parallel>, #tpu.dimension_semantics<subcore_parallel>], iteration_bounds = array<i64: 2, 16>, scalar_prefetch = 0 : i64, scratch_operands = 11 : i64, tpu.core_type = #tpu.core_type<sc_vector_subcore>, window_params = [{transform_indices = #map}, {transform_indices = #map1}, {transform_indices = #map1}, {transform_indices = #map}, {transform_indices = #map2}]} {
    "tpu.region"() ({
      %run_scoped3A = tpu.sem_alloc : memref<!tpu.dma_semaphore, #tpu.memory_space<semaphore_mem>>
      tpu.enqueue_dma source(%arg5 : memref<128x128xf32, #tpu.memory_space<hbm>>) target(%arg12 : memref<128x128xf32, #tpu.memory_space<vmem>>) target_semaphore(%run_scoped3A : memref<!tpu.dma_semaphore, #tpu.memory_space<semaphore_mem>>)
      tpu.wait_dma2 semaphore(%run_scoped3A : memref<!tpu.dma_semaphore, #tpu.memory_space<semaphore_mem>>) src(%arg5 : memref<128x128xf32, #tpu.memory_space<hbm>>) dst(%arg12 : memref<128x128xf32, #tpu.memory_space<vmem>>)
      tpu.yield
    }) : () -> ()
    %mul3A = arith.constant 640 : i32
    %mul3A_0 = arith.muli %arg1, %mul3A : i32
    %add3A = arith.constant 0 : i32
    %add3A_1 = arith.addi %mul3A_0, %add3A : i32
    "tpu.region"() ({
      %run_scoped3A = tpu.sem_alloc : memref<!tpu.dma_semaphore, #tpu.memory_space<semaphore_mem>>
      %dma_start3A = arith.constant 0 : i32
      %dma_start3A_46 = tpu.memref_slice %arg7[%add3A_1, %dma_start3A] : memref<10240x128xf32, #tpu.memory_space<vmem_shared>> -> memref<128x128xf32, #tpu.memory_space<vmem_shared>>
      %dma_start3A_47 = arith.constant 0 : i32
      %dma_start3A_48 = tpu.memref_slice %arg7[%add3A_1, %dma_start3A_47] : memref<10240x128xf32, #tpu.memory_space<vmem_shared>> -> memref<128x128xf32, #tpu.memory_space<vmem_shared>>
      tpu.enqueue_dma source(%arg12 : memref<128x128xf32, #tpu.memory_space<vmem>>) target(%dma_start3A_48 : memref<128x128xf32, #tpu.memory_space<vmem_shared>>) target_semaphore(%run_scoped3A : memref<!tpu.dma_semaphore, #tpu.memory_space<semaphore_mem>>)
      %dma_wait3A = arith.constant 0 : i32
      %dma_wait3A_49 = tpu.memref_slice %arg7[%add3A_1, %dma_wait3A] : memref<10240x128xf32, #tpu.memory_space<vmem_shared>> -> memref<128x128xf32, #tpu.memory_space<vmem_shared>>
      %dma_wait3A_50 = arith.constant 0 : i32
      %dma_wait3A_51 = tpu.memref_slice %arg7[%add3A_1, %dma_wait3A_50] : memref<10240x128xf32, #tpu.memory_space<vmem_shared>> -> memref<128x128xf32, #tpu.memory_space<vmem_shared>>
      tpu.wait_dma2 semaphore(%run_scoped3A : memref<!tpu.dma_semaphore, #tpu.memory_space<semaphore_mem>>) src(%arg12 : memref<128x128xf32, #tpu.memory_space<vmem>>) dst(%dma_wait3A_51 : memref<128x128xf32, #tpu.memory_space<vmem_shared>>)
      tpu.yield
    }) : () -> ()
    %mul3A_2 = arith.constant 640 : i32
    %mul3A_3 = arith.muli %arg1, %mul3A_2 : i32
    %add3A_4 = arith.constant 128 : i32
    %add3A_5 = arith.addi %mul3A_3, %add3A_4 : i32
    "tpu.region"() ({
      %run_scoped3A = tpu.sem_alloc : memref<!tpu.dma_semaphore, #tpu.memory_space<semaphore_mem>>
      %dma_start3A = arith.constant 0 : i32
      %dma_start3A_46 = tpu.memref_slice %arg7[%add3A_5, %dma_start3A] : memref<10240x128xf32, #tpu.memory_space<vmem_shared>> -> memref<128x128xf32, #tpu.memory_space<vmem_shared>>
      %dma_start3A_47 = arith.constant 0 : i32
      %dma_start3A_48 = tpu.memref_slice %arg7[%add3A_5, %dma_start3A_47] : memref<10240x128xf32, #tpu.memory_space<vmem_shared>> -> memref<128x128xf32, #tpu.memory_space<vmem_shared>>
      tpu.enqueue_dma source(%arg12 : memref<128x128xf32, #tpu.memory_space<vmem>>) target(%dma_start3A_48 : memref<128x128xf32, #tpu.memory_space<vmem_shared>>) target_semaphore(%run_scoped3A : memref<!tpu.dma_semaphore, #tpu.memory_space<semaphore_mem>>)
      %dma_wait3A = arith.constant 0 : i32
      %dma_wait3A_49 = tpu.memref_slice %arg7[%add3A_5, %dma_wait3A] : memref<10240x128xf32, #tpu.memory_space<vmem_shared>> -> memref<128x128xf32, #tpu.memory_space<vmem_shared>>
      %dma_wait3A_50 = arith.constant 0 : i32
      %dma_wait3A_51 = tpu.memref_slice %arg7[%add3A_5, %dma_wait3A_50] : memref<10240x128xf32, #tpu.memory_space<vmem_shared>> -> memref<128x128xf32, #tpu.memory_space<vmem_shared>>
      tpu.wait_dma2 semaphore(%run_scoped3A : memref<!tpu.dma_semaphore, #tpu.memory_space<semaphore_mem>>) src(%arg12 : memref<128x128xf32, #tpu.memory_space<vmem>>) dst(%dma_wait3A_51 : memref<128x128xf32, #tpu.memory_space<vmem_shared>>)
      tpu.yield
    }) : () -> ()
    %mul3A_6 = arith.constant 640 : i32
    %mul3A_7 = arith.muli %arg1, %mul3A_6 : i32
    %add3A_8 = arith.constant 256 : i32
    %add3A_9 = arith.addi %mul3A_7, %add3A_8 : i32
    "tpu.region"() ({
      %run_scoped3A = tpu.sem_alloc : memref<!tpu.dma_semaphore, #tpu.memory_space<semaphore_mem>>
      %dma_start3A = arith.constant 0 : i32
      %dma_start3A_46 = tpu.memref_slice %arg7[%add3A_9, %dma_start3A] : memref<10240x128xf32, #tpu.memory_space<vmem_shared>> -> memref<128x128xf32, #tpu.memory_space<vmem_shared>>
      %dma_start3A_47 = arith.constant 0 : i32
      %dma_start3A_48 = tpu.memref_slice %arg7[%add3A_9, %dma_start3A_47] : memref<10240x128xf32, #tpu.memory_space<vmem_shared>> -> memref<128x128xf32, #tpu.memory_space<vmem_shared>>
      tpu.enqueue_dma source(%arg12 : memref<128x128xf32, #tpu.memory_space<vmem>>) target(%dma_start3A_48 : memref<128x128xf32, #tpu.memory_space<vmem_shared>>) target_semaphore(%run_scoped3A : memref<!tpu.dma_semaphore, #tpu.memory_space<semaphore_mem>>)
      %dma_wait3A = arith.constant 0 : i32
      %dma_wait3A_49 = tpu.memref_slice %arg7[%add3A_9, %dma_wait3A] : memref<10240x128xf32, #tpu.memory_space<vmem_shared>> -> memref<128x128xf32, #tpu.memory_space<vmem_shared>>
      %dma_wait3A_50 = arith.constant 0 : i32
      %dma_wait3A_51 = tpu.memref_slice %arg7[%add3A_9, %dma_wait3A_50] : memref<10240x128xf32, #tpu.memory_space<vmem_shared>> -> memref<128x128xf32, #tpu.memory_space<vmem_shared>>
      tpu.wait_dma2 semaphore(%run_scoped3A : memref<!tpu.dma_semaphore, #tpu.memory_space<semaphore_mem>>) src(%arg12 : memref<128x128xf32, #tpu.memory_space<vmem>>) dst(%dma_wait3A_51 : memref<128x128xf32, #tpu.memory_space<vmem_shared>>)
      tpu.yield
    }) : () -> ()
    %mul3A_10 = arith.constant 640 : i32
    %mul3A_11 = arith.muli %arg1, %mul3A_10 : i32
    %add3A_12 = arith.constant 384 : i32
    %add3A_13 = arith.addi %mul3A_11, %add3A_12 : i32
    "tpu.region"() ({
      %run_scoped3A = tpu.sem_alloc : memref<!tpu.dma_semaphore, #tpu.memory_space<semaphore_mem>>
      %dma_start3A = arith.constant 0 : i32
      %dma_start3A_46 = tpu.memref_slice %arg7[%add3A_13, %dma_start3A] : memref<10240x128xf32, #tpu.memory_space<vmem_shared>> -> memref<128x128xf32, #tpu.memory_space<vmem_shared>>
      %dma_start3A_47 = arith.constant 0 : i32
      %dma_start3A_48 = tpu.memref_slice %arg7[%add3A_13, %dma_start3A_47] : memref<10240x128xf32, #tpu.memory_space<vmem_shared>> -> memref<128x128xf32, #tpu.memory_space<vmem_shared>>
      tpu.enqueue_dma source(%arg12 : memref<128x128xf32, #tpu.memory_space<vmem>>) target(%dma_start3A_48 : memref<128x128xf32, #tpu.memory_space<vmem_shared>>) target_semaphore(%run_scoped3A : memref<!tpu.dma_semaphore, #tpu.memory_space<semaphore_mem>>)
      %dma_wait3A = arith.constant 0 : i32
      %dma_wait3A_49 = tpu.memref_slice %arg7[%add3A_13, %dma_wait3A] : memref<10240x128xf32, #tpu.memory_space<vmem_shared>> -> memref<128x128xf32, #tpu.memory_space<vmem_shared>>
      %dma_wait3A_50 = arith.constant 0 : i32
      %dma_wait3A_51 = tpu.memref_slice %arg7[%add3A_13, %dma_wait3A_50] : memref<10240x128xf32, #tpu.memory_space<vmem_shared>> -> memref<128x128xf32, #tpu.memory_space<vmem_shared>>
      tpu.wait_dma2 semaphore(%run_scoped3A : memref<!tpu.dma_semaphore, #tpu.memory_space<semaphore_mem>>) src(%arg12 : memref<128x128xf32, #tpu.memory_space<vmem>>) dst(%dma_wait3A_51 : memref<128x128xf32, #tpu.memory_space<vmem_shared>>)
      tpu.yield
    }) : () -> ()
    %mul3A_14 = arith.constant 640 : i32
    %mul3A_15 = arith.muli %arg1, %mul3A_14 : i32
    %add3A_16 = arith.constant 512 : i32
    %add3A_17 = arith.addi %mul3A_15, %add3A_16 : i32
    "tpu.region"() ({
      %run_scoped3A = tpu.sem_alloc : memref<!tpu.dma_semaphore, #tpu.memory_space<semaphore_mem>>
      %dma_start3A = arith.constant 0 : i32
      %dma_start3A_46 = tpu.memref_slice %arg7[%add3A_17, %dma_start3A] : memref<10240x128xf32, #tpu.memory_space<vmem_shared>> -> memref<128x128xf32, #tpu.memory_space<vmem_shared>>
      %dma_start3A_47 = arith.constant 0 : i32
      %dma_start3A_48 = tpu.memref_slice %arg7[%add3A_17, %dma_start3A_47] : memref<10240x128xf32, #tpu.memory_space<vmem_shared>> -> memref<128x128xf32, #tpu.memory_space<vmem_shared>>
      tpu.enqueue_dma source(%arg12 : memref<128x128xf32, #tpu.memory_space<vmem>>) target(%dma_start3A_48 : memref<128x128xf32, #tpu.memory_space<vmem_shared>>) target_semaphore(%run_scoped3A : memref<!tpu.dma_semaphore, #tpu.memory_space<semaphore_mem>>)
      %dma_wait3A = arith.constant 0 : i32
      %dma_wait3A_49 = tpu.memref_slice %arg7[%add3A_17, %dma_wait3A] : memref<10240x128xf32, #tpu.memory_space<vmem_shared>> -> memref<128x128xf32, #tpu.memory_space<vmem_shared>>
      %dma_wait3A_50 = arith.constant 0 : i32
      %dma_wait3A_51 = tpu.memref_slice %arg7[%add3A_17, %dma_wait3A_50] : memref<10240x128xf32, #tpu.memory_space<vmem_shared>> -> memref<128x128xf32, #tpu.memory_space<vmem_shared>>
      tpu.wait_dma2 semaphore(%run_scoped3A : memref<!tpu.dma_semaphore, #tpu.memory_space<semaphore_mem>>) src(%arg12 : memref<128x128xf32, #tpu.memory_space<vmem>>) dst(%dma_wait3A_51 : memref<128x128xf32, #tpu.memory_space<vmem_shared>>)
      tpu.yield
    }) : () -> ()
    %barrier3A = arith.constant 0 : index
    tpu.barrier barrier_id(%barrier3A)
    %mul3A_18 = arith.constant 20224 : i32
    %mul3A_19 = arith.muli %arg1, %mul3A_18 : i32
    %scan3A = arith.constant 0 : i32
    %scan3A_20 = arith.constant 0 : i32
    %scan3A_21 = arith.constant 80 : i32
    %scan3A_22 = arith.addi %scan3A_20, %scan3A_21 : i32
    %scan3A_23 = arith.constant 1 : i32
    scf.for %scan3A_46 = %scan3A_20 to %scan3A_22 step %scan3A_23  : i32 {
      %mul3A_47 = arith.constant 2 : i32
      %mul3A_48 = arith.muli %scan3A_46, %mul3A_47 : i32
      %add3A_49 = arith.constant 0 : i32
      %add3A_50 = arith.addi %mul3A_48, %add3A_49 : i32
      %mul3A_51 = arith.constant 128 : i32
      %mul3A_52 = arith.muli %add3A_50, %mul3A_51 : i32
      %sub3A = arith.constant 256 : i32
      %sub3A_53 = arith.subi %mul3A_52, %sub3A : i32
      %gt3A = arith.constant 0 : i32
      %gt3A_54 = arith.cmpi sgt, %scan3A_46, %gt3A : i32
      %convert_element_type3A = arith.extui %gt3A_54 : i1 to i32
      %cond3A = arith.constant 0 : i32
      %cond3A_55 = arith.cmpi ne, %convert_element_type3A, %cond3A : i32
      scf.if %cond3A_55 {
        %add3A_78 = arith.addi %mul3A_19, %sub3A_53 : i32
        "tpu.region"() ({
          %run_scoped3A = tpu.sem_alloc : memref<!tpu.dma_semaphore, #tpu.memory_space<semaphore_mem>>
          %dma_start3A_86 = tpu.memref_slice %arg4[%add3A_78] : memref<323584xi32, #tpu.memory_space<hbm>> -> memref<128xi32, #tpu.memory_space<hbm>>
          %dma_start3A_87 = tpu.memref_slice %arg4[%add3A_78] : memref<323584xi32, #tpu.memory_space<hbm>> -> memref<128xi32, #tpu.memory_space<hbm>>
          tpu.enqueue_dma source(%dma_start3A_87 : memref<128xi32, #tpu.memory_space<hbm>>) target(%arg10 : memref<128xi32, #tpu.memory_space<vmem>>) target_semaphore(%run_scoped3A : memref<!tpu.dma_semaphore, #tpu.memory_space<semaphore_mem>>)
          %dma_wait3A_88 = tpu.memref_slice %arg4[%add3A_78] : memref<323584xi32, #tpu.memory_space<hbm>> -> memref<128xi32, #tpu.memory_space<hbm>>
          %dma_wait3A_89 = tpu.memref_slice %arg4[%add3A_78] : memref<323584xi32, #tpu.memory_space<hbm>> -> memref<128xi32, #tpu.memory_space<hbm>>
          tpu.wait_dma2 semaphore(%run_scoped3A : memref<!tpu.dma_semaphore, #tpu.memory_space<semaphore_mem>>) src(%dma_wait3A_89 : memref<128xi32, #tpu.memory_space<hbm>>) dst(%arg10 : memref<128xi32, #tpu.memory_space<vmem>>)
          tpu.yield
        }) : () -> ()
        %dma_wait3A = arith.constant 0 : i32
        %dma_wait3A_79 = arith.constant 0 : i32
        %dma_wait3A_80 = tpu.memref_slice %arg2[%dma_wait3A, %dma_wait3A_79] : memref<20480x128xf32, #tpu.memory_space<hbm>> -> memref<20480x128xf32, #tpu.memory_space<hbm>>
        tpu.wait_indirect_dma semaphore(%arg14 : memref<!tpu.dma_semaphore, #tpu.memory_space<semaphore_mem>>) src(%dma_wait3A_80 : memref<20480x128xf32, #tpu.memory_space<hbm>>) dst(%arg12 : memref<128x128xf32, #tpu.memory_space<vmem>>)
        %dma_start3A = arith.constant 0 : i32
        %dma_start3A_81 = arith.constant 0 : i32
        %dma_start3A_82 = tpu.memref_slice %arg7[%dma_start3A, %dma_start3A_81] : memref<10240x128xf32, #tpu.memory_space<vmem_shared>> -> memref<10240x128xf32, #tpu.memory_space<vmem_shared>>
        tpu.enqueue_indirect_dma source(%arg12 : memref<128x128xf32, #tpu.memory_space<vmem>>) target(%dma_start3A_82 : memref<10240x128xf32, #tpu.memory_space<vmem_shared>>) offsets(%arg10 : memref<128xi32, #tpu.memory_space<vmem>>) semaphore(%arg16 : memref<!tpu.dma_semaphore, #tpu.memory_space<semaphore_mem>>) {add = true}
        %dma_wait3A_83 = arith.constant 0 : i32
        %dma_wait3A_84 = arith.constant 0 : i32
        %dma_wait3A_85 = tpu.memref_slice %arg7[%dma_wait3A_83, %dma_wait3A_84] : memref<10240x128xf32, #tpu.memory_space<vmem_shared>> -> memref<10240x128xf32, #tpu.memory_space<vmem_shared>>
        tpu.wait_indirect_dma semaphore(%arg16 : memref<!tpu.dma_semaphore, #tpu.memory_space<semaphore_mem>>) src(%arg12 : memref<128x128xf32, #tpu.memory_space<vmem>>) dst(%dma_wait3A_85 : memref<10240x128xf32, #tpu.memory_space<vmem_shared>>)
      } else {
      }
      %lt3A = arith.constant 79 : i32
      %lt3A_56 = arith.cmpi slt, %scan3A_46, %lt3A : i32
      %convert_element_type3A_57 = arith.extui %lt3A_56 : i1 to i32
      %cond3A_58 = arith.constant 0 : i32
      %cond3A_59 = arith.cmpi ne, %convert_element_type3A_57, %cond3A_58 : i32
      scf.if %cond3A_59 {
        %mul3A_78 = arith.constant 323584 : i32
        %mul3A_79 = arith.muli %arg0, %mul3A_78 : i32
        %add3A_80 = arith.addi %mul3A_79, %mul3A_19 : i32
        %add3A_81 = arith.addi %add3A_80, %mul3A_52 : i32
        "tpu.region"() ({
          %run_scoped3A = tpu.sem_alloc : memref<!tpu.dma_semaphore, #tpu.memory_space<semaphore_mem>>
          %dma_start3A_84 = tpu.memref_slice %arg3[%add3A_81] : memref<647168xi32, #tpu.memory_space<hbm>> -> memref<128xi32, #tpu.memory_space<hbm>>
          %dma_start3A_85 = tpu.memref_slice %arg3[%add3A_81] : memref<647168xi32, #tpu.memory_space<hbm>> -> memref<128xi32, #tpu.memory_space<hbm>>
          tpu.enqueue_dma source(%dma_start3A_85 : memref<128xi32, #tpu.memory_space<hbm>>) target(%arg8 : memref<128xi32, #tpu.memory_space<vmem>>) target_semaphore(%run_scoped3A : memref<!tpu.dma_semaphore, #tpu.memory_space<semaphore_mem>>)
          %dma_wait3A = tpu.memref_slice %arg3[%add3A_81] : memref<647168xi32, #tpu.memory_space<hbm>> -> memref<128xi32, #tpu.memory_space<hbm>>
          %dma_wait3A_86 = tpu.memref_slice %arg3[%add3A_81] : memref<647168xi32, #tpu.memory_space<hbm>> -> memref<128xi32, #tpu.memory_space<hbm>>
          tpu.wait_dma2 semaphore(%run_scoped3A : memref<!tpu.dma_semaphore, #tpu.memory_space<semaphore_mem>>) src(%dma_wait3A_86 : memref<128xi32, #tpu.memory_space<hbm>>) dst(%arg8 : memref<128xi32, #tpu.memory_space<vmem>>)
          tpu.yield
        }) : () -> ()
        %dma_start3A = arith.constant 0 : i32
        %dma_start3A_82 = arith.constant 0 : i32
        %dma_start3A_83 = tpu.memref_slice %arg2[%dma_start3A, %dma_start3A_82] : memref<20480x128xf32, #tpu.memory_space<hbm>> -> memref<20480x128xf32, #tpu.memory_space<hbm>>
        tpu.enqueue_indirect_dma source(%dma_start3A_83 : memref<20480x128xf32, #tpu.memory_space<hbm>>) target(%arg12 : memref<128x128xf32, #tpu.memory_space<vmem>>) offsets(%arg8 : memref<128xi32, #tpu.memory_space<vmem>>) semaphore(%arg14 : memref<!tpu.dma_semaphore, #tpu.memory_space<semaphore_mem>>)
      } else {
      }
      %mul3A_60 = arith.constant 2 : i32
      %mul3A_61 = arith.muli %scan3A_46, %mul3A_60 : i32
      %add3A_62 = arith.constant 1 : i32
      %add3A_63 = arith.addi %mul3A_61, %add3A_62 : i32
      %mul3A_64 = arith.constant 128 : i32
      %mul3A_65 = arith.muli %add3A_63, %mul3A_64 : i32
      %sub3A_66 = arith.constant 256 : i32
      %sub3A_67 = arith.subi %mul3A_65, %sub3A_66 : i32
      %gt3A_68 = arith.constant 0 : i32
      %gt3A_69 = arith.cmpi sgt, %scan3A_46, %gt3A_68 : i32
      %convert_element_type3A_70 = arith.extui %gt3A_69 : i1 to i32
      %cond3A_71 = arith.constant 0 : i32
      %cond3A_72 = arith.cmpi ne, %convert_element_type3A_70, %cond3A_71 : i32
      scf.if %cond3A_72 {
        %add3A_78 = arith.addi %mul3A_19, %sub3A_67 : i32
        "tpu.region"() ({
          %run_scoped3A = tpu.sem_alloc : memref<!tpu.dma_semaphore, #tpu.memory_space<semaphore_mem>>
          %dma_start3A_86 = tpu.memref_slice %arg4[%add3A_78] : memref<323584xi32, #tpu.memory_space<hbm>> -> memref<128xi32, #tpu.memory_space<hbm>>
          %dma_start3A_87 = tpu.memref_slice %arg4[%add3A_78] : memref<323584xi32, #tpu.memory_space<hbm>> -> memref<128xi32, #tpu.memory_space<hbm>>
          tpu.enqueue_dma source(%dma_start3A_87 : memref<128xi32, #tpu.memory_space<hbm>>) target(%arg11 : memref<128xi32, #tpu.memory_space<vmem>>) target_semaphore(%run_scoped3A : memref<!tpu.dma_semaphore, #tpu.memory_space<semaphore_mem>>)
          %dma_wait3A_88 = tpu.memref_slice %arg4[%add3A_78] : memref<323584xi32, #tpu.memory_space<hbm>> -> memref<128xi32, #tpu.memory_space<hbm>>
          %dma_wait3A_89 = tpu.memref_slice %arg4[%add3A_78] : memref<323584xi32, #tpu.memory_space<hbm>> -> memref<128xi32, #tpu.memory_space<hbm>>
          tpu.wait_dma2 semaphore(%run_scoped3A : memref<!tpu.dma_semaphore, #tpu.memory_space<semaphore_mem>>) src(%dma_wait3A_89 : memref<128xi32, #tpu.memory_space<hbm>>) dst(%arg11 : memref<128xi32, #tpu.memory_space<vmem>>)
          tpu.yield
        }) : () -> ()
        %dma_wait3A = arith.constant 0 : i32
        %dma_wait3A_79 = arith.constant 0 : i32
        %dma_wait3A_80 = tpu.memref_slice %arg2[%dma_wait3A, %dma_wait3A_79] : memref<20480x128xf32, #tpu.memory_space<hbm>> -> memref<20480x128xf32, #tpu.memory_space<hbm>>
        tpu.wait_indirect_dma semaphore(%arg15 : memref<!tpu.dma_semaphore, #tpu.memory_space<semaphore_mem>>) src(%dma_wait3A_80 : memref<20480x128xf32, #tpu.memory_space<hbm>>) dst(%arg13 : memref<128x128xf32, #tpu.memory_space<vmem>>)
        %dma_start3A = arith.constant 0 : i32
        %dma_start3A_81 = arith.constant 0 : i32
        %dma_start3A_82 = tpu.memref_slice %arg7[%dma_start3A, %dma_start3A_81] : memref<10240x128xf32, #tpu.memory_space<vmem_shared>> -> memref<10240x128xf32, #tpu.memory_space<vmem_shared>>
        tpu.enqueue_indirect_dma source(%arg13 : memref<128x128xf32, #tpu.memory_space<vmem>>) target(%dma_start3A_82 : memref<10240x128xf32, #tpu.memory_space<vmem_shared>>) offsets(%arg11 : memref<128xi32, #tpu.memory_space<vmem>>) semaphore(%arg17 : memref<!tpu.dma_semaphore, #tpu.memory_space<semaphore_mem>>) {add = true}
        %dma_wait3A_83 = arith.constant 0 : i32
        %dma_wait3A_84 = arith.constant 0 : i32
        %dma_wait3A_85 = tpu.memref_slice %arg7[%dma_wait3A_83, %dma_wait3A_84] : memref<10240x128xf32, #tpu.memory_space<vmem_shared>> -> memref<10240x128xf32, #tpu.memory_space<vmem_shared>>
        tpu.wait_indirect_dma semaphore(%arg17 : memref<!tpu.dma_semaphore, #tpu.memory_space<semaphore_mem>>) src(%arg13 : memref<128x128xf32, #tpu.memory_space<vmem>>) dst(%dma_wait3A_85 : memref<10240x128xf32, #tpu.memory_space<vmem_shared>>)
      } else {
      }
      %lt3A_73 = arith.constant 79 : i32
      %lt3A_74 = arith.cmpi slt, %scan3A_46, %lt3A_73 : i32
      %convert_element_type3A_75 = arith.extui %lt3A_74 : i1 to i32
      %cond3A_76 = arith.constant 0 : i32
      %cond3A_77 = arith.cmpi ne, %convert_element_type3A_75, %cond3A_76 : i32
      scf.if %cond3A_77 {
        %mul3A_78 = arith.constant 323584 : i32
        %mul3A_79 = arith.muli %arg0, %mul3A_78 : i32
        %add3A_80 = arith.addi %mul3A_79, %mul3A_19 : i32
        %add3A_81 = arith.addi %add3A_80, %mul3A_65 : i32
        "tpu.region"() ({
          %run_scoped3A = tpu.sem_alloc : memref<!tpu.dma_semaphore, #tpu.memory_space<semaphore_mem>>
          %dma_start3A_84 = tpu.memref_slice %arg3[%add3A_81] : memref<647168xi32, #tpu.memory_space<hbm>> -> memref<128xi32, #tpu.memory_space<hbm>>
          %dma_start3A_85 = tpu.memref_slice %arg3[%add3A_81] : memref<647168xi32, #tpu.memory_space<hbm>> -> memref<128xi32, #tpu.memory_space<hbm>>
          tpu.enqueue_dma source(%dma_start3A_85 : memref<128xi32, #tpu.memory_space<hbm>>) target(%arg9 : memref<128xi32, #tpu.memory_space<vmem>>) target_semaphore(%run_scoped3A : memref<!tpu.dma_semaphore, #tpu.memory_space<semaphore_mem>>)
          %dma_wait3A = tpu.memref_slice %arg3[%add3A_81] : memref<647168xi32, #tpu.memory_space<hbm>> -> memref<128xi32, #tpu.memory_space<hbm>>
          %dma_wait3A_86 = tpu.memref_slice %arg3[%add3A_81] : memref<647168xi32, #tpu.memory_space<hbm>> -> memref<128xi32, #tpu.memory_space<hbm>>
          tpu.wait_dma2 semaphore(%run_scoped3A : memref<!tpu.dma_semaphore, #tpu.memory_space<semaphore_mem>>) src(%dma_wait3A_86 : memref<128xi32, #tpu.memory_space<hbm>>) dst(%arg9 : memref<128xi32, #tpu.memory_space<vmem>>)
          tpu.yield
        }) : () -> ()
        %dma_start3A = arith.constant 0 : i32
        %dma_start3A_82 = arith.constant 0 : i32
        %dma_start3A_83 = tpu.memref_slice %arg2[%dma_start3A, %dma_start3A_82] : memref<20480x128xf32, #tpu.memory_space<hbm>> -> memref<20480x128xf32, #tpu.memory_space<hbm>>
        tpu.enqueue_indirect_dma source(%dma_start3A_83 : memref<20480x128xf32, #tpu.memory_space<hbm>>) target(%arg13 : memref<128x128xf32, #tpu.memory_space<vmem>>) offsets(%arg9 : memref<128xi32, #tpu.memory_space<vmem>>) semaphore(%arg15 : memref<!tpu.dma_semaphore, #tpu.memory_space<semaphore_mem>>)
      } else {
      }
    }
    %scan3A_24 = arith.constant 80 : i32
    %barrier3A_25 = arith.constant 0 : index
    tpu.barrier barrier_id(%barrier3A_25)
    %mul3A_26 = arith.constant 640 : i32
    %mul3A_27 = arith.muli %arg1, %mul3A_26 : i32
    %add3A_28 = arith.constant 0 : i32
    %add3A_29 = arith.addi %mul3A_27, %add3A_28 : i32
    "tpu.region"() ({
      %run_scoped3A = tpu.sem_alloc : memref<!tpu.dma_semaphore, #tpu.memory_space<semaphore_mem>>
      %dma_start3A = arith.constant 0 : i32
      %dma_start3A_46 = tpu.memref_slice %arg7[%add3A_29, %dma_start3A] : memref<10240x128xf32, #tpu.memory_space<vmem_shared>> -> memref<128x128xf32, #tpu.memory_space<vmem_shared>>
      %dma_start3A_47 = arith.constant 0 : i32
      %dma_start3A_48 = tpu.memref_slice %arg7[%add3A_29, %dma_start3A_47] : memref<10240x128xf32, #tpu.memory_space<vmem_shared>> -> memref<128x128xf32, #tpu.memory_space<vmem_shared>>
      tpu.enqueue_dma source(%dma_start3A_48 : memref<128x128xf32, #tpu.memory_space<vmem_shared>>) target(%arg12 : memref<128x128xf32, #tpu.memory_space<vmem>>) target_semaphore(%run_scoped3A : memref<!tpu.dma_semaphore, #tpu.memory_space<semaphore_mem>>)
      %dma_wait3A = arith.constant 0 : i32
      %dma_wait3A_49 = tpu.memref_slice %arg7[%add3A_29, %dma_wait3A] : memref<10240x128xf32, #tpu.memory_space<vmem_shared>> -> memref<128x128xf32, #tpu.memory_space<vmem_shared>>
      %dma_wait3A_50 = arith.constant 0 : i32
      %dma_wait3A_51 = tpu.memref_slice %arg7[%add3A_29, %dma_wait3A_50] : memref<10240x128xf32, #tpu.memory_space<vmem_shared>> -> memref<128x128xf32, #tpu.memory_space<vmem_shared>>
      tpu.wait_dma2 semaphore(%run_scoped3A : memref<!tpu.dma_semaphore, #tpu.memory_space<semaphore_mem>>) src(%dma_wait3A_51 : memref<128x128xf32, #tpu.memory_space<vmem_shared>>) dst(%arg12 : memref<128x128xf32, #tpu.memory_space<vmem>>)
      tpu.yield
    }) : () -> ()
    "tpu.region"() ({
      %run_scoped3A = tpu.sem_alloc : memref<!tpu.dma_semaphore, #tpu.memory_space<semaphore_mem>>
      %dma_start3A = arith.constant 0 : i32
      %dma_start3A_46 = tpu.memref_slice %arg6[%arg0, %add3A_29, %dma_start3A] : memref<2x10240x128xf32, #tpu.memory_space<hbm>> -> memref<1x128x128xf32, #tpu.memory_space<hbm>>
      %dma_start3A_47 = tpu.memref_squeeze %dma_start3A_46 : memref<1x128x128xf32, #tpu.memory_space<hbm>> -> memref<128x128xf32, #tpu.memory_space<hbm>>
      %dma_start3A_48 = arith.constant 0 : i32
      %dma_start3A_49 = tpu.memref_slice %arg6[%arg0, %add3A_29, %dma_start3A_48] : memref<2x10240x128xf32, #tpu.memory_space<hbm>> -> memref<1x128x128xf32, #tpu.memory_space<hbm>>
      %dma_start3A_50 = tpu.memref_squeeze %dma_start3A_49 : memref<1x128x128xf32, #tpu.memory_space<hbm>> -> memref<128x128xf32, #tpu.memory_space<hbm>>
      tpu.enqueue_dma source(%arg12 : memref<128x128xf32, #tpu.memory_space<vmem>>) target(%dma_start3A_50 : memref<128x128xf32, #tpu.memory_space<hbm>>) target_semaphore(%run_scoped3A : memref<!tpu.dma_semaphore, #tpu.memory_space<semaphore_mem>>)
      %dma_wait3A = arith.constant 0 : i32
      %dma_wait3A_51 = tpu.memref_slice %arg6[%arg0, %add3A_29, %dma_wait3A] : memref<2x10240x128xf32, #tpu.memory_space<hbm>> -> memref<1x128x128xf32, #tpu.memory_space<hbm>>
      %dma_wait3A_52 = tpu.memref_squeeze %dma_wait3A_51 : memref<1x128x128xf32, #tpu.memory_space<hbm>> -> memref<128x128xf32, #tpu.memory_space<hbm>>
      %dma_wait3A_53 = arith.constant 0 : i32
      %dma_wait3A_54 = tpu.memref_slice %arg6[%arg0, %add3A_29, %dma_wait3A_53] : memref<2x10240x128xf32, #tpu.memory_space<hbm>> -> memref<1x128x128xf32, #tpu.memory_space<hbm>>
      %dma_wait3A_55 = tpu.memref_squeeze %dma_wait3A_54 : memref<1x128x128xf32, #tpu.memory_space<hbm>> -> memref<128x128xf32, #tpu.memory_space<hbm>>
      tpu.wait_dma2 semaphore(%run_scoped3A : memref<!tpu.dma_semaphore, #tpu.memory_space<semaphore_mem>>) src(%arg12 : memref<128x128xf32, #tpu.memory_space<vmem>>) dst(%dma_wait3A_55 : memref<128x128xf32, #tpu.memory_space<hbm>>)
      tpu.yield
    }) : () -> ()
    %mul3A_30 = arith.constant 640 : i32
    %mul3A_31 = arith.muli %arg1, %mul3A_30 : i32
    %add3A_32 = arith.constant 128 : i32
    %add3A_33 = arith.addi %mul3A_31, %add3A_32 : i32
    "tpu.region"() ({
      %run_scoped3A = tpu.sem_alloc : memref<!tpu.dma_semaphore, #tpu.memory_space<semaphore_mem>>
      %dma_start3A = arith.constant 0 : i32
      %dma_start3A_46 = tpu.memref_slice %arg7[%add3A_33, %dma_start3A] : memref<10240x128xf32, #tpu.memory_space<vmem_shared>> -> memref<128x128xf32, #tpu.memory_space<vmem_shared>>
      %dma_start3A_47 = arith.constant 0 : i32
      %dma_start3A_48 = tpu.memref_slice %arg7[%add3A_33, %dma_start3A_47] : memref<10240x128xf32, #tpu.memory_space<vmem_shared>> -> memref<128x128xf32, #tpu.memory_space<vmem_shared>>
      tpu.enqueue_dma source(%dma_start3A_48 : memref<128x128xf32, #tpu.memory_space<vmem_shared>>) target(%arg12 : memref<128x128xf32, #tpu.memory_space<vmem>>) target_semaphore(%run_scoped3A : memref<!tpu.dma_semaphore, #tpu.memory_space<semaphore_mem>>)
      %dma_wait3A = arith.constant 0 : i32
      %dma_wait3A_49 = tpu.memref_slice %arg7[%add3A_33, %dma_wait3A] : memref<10240x128xf32, #tpu.memory_space<vmem_shared>> -> memref<128x128xf32, #tpu.memory_space<vmem_shared>>
      %dma_wait3A_50 = arith.constant 0 : i32
      %dma_wait3A_51 = tpu.memref_slice %arg7[%add3A_33, %dma_wait3A_50] : memref<10240x128xf32, #tpu.memory_space<vmem_shared>> -> memref<128x128xf32, #tpu.memory_space<vmem_shared>>
      tpu.wait_dma2 semaphore(%run_scoped3A : memref<!tpu.dma_semaphore, #tpu.memory_space<semaphore_mem>>) src(%dma_wait3A_51 : memref<128x128xf32, #tpu.memory_space<vmem_shared>>) dst(%arg12 : memref<128x128xf32, #tpu.memory_space<vmem>>)
      tpu.yield
    }) : () -> ()
    "tpu.region"() ({
      %run_scoped3A = tpu.sem_alloc : memref<!tpu.dma_semaphore, #tpu.memory_space<semaphore_mem>>
      %dma_start3A = arith.constant 0 : i32
      %dma_start3A_46 = tpu.memref_slice %arg6[%arg0, %add3A_33, %dma_start3A] : memref<2x10240x128xf32, #tpu.memory_space<hbm>> -> memref<1x128x128xf32, #tpu.memory_space<hbm>>
      %dma_start3A_47 = tpu.memref_squeeze %dma_start3A_46 : memref<1x128x128xf32, #tpu.memory_space<hbm>> -> memref<128x128xf32, #tpu.memory_space<hbm>>
      %dma_start3A_48 = arith.constant 0 : i32
      %dma_start3A_49 = tpu.memref_slice %arg6[%arg0, %add3A_33, %dma_start3A_48] : memref<2x10240x128xf32, #tpu.memory_space<hbm>> -> memref<1x128x128xf32, #tpu.memory_space<hbm>>
      %dma_start3A_50 = tpu.memref_squeeze %dma_start3A_49 : memref<1x128x128xf32, #tpu.memory_space<hbm>> -> memref<128x128xf32, #tpu.memory_space<hbm>>
      tpu.enqueue_dma source(%arg12 : memref<128x128xf32, #tpu.memory_space<vmem>>) target(%dma_start3A_50 : memref<128x128xf32, #tpu.memory_space<hbm>>) target_semaphore(%run_scoped3A : memref<!tpu.dma_semaphore, #tpu.memory_space<semaphore_mem>>)
      %dma_wait3A = arith.constant 0 : i32
      %dma_wait3A_51 = tpu.memref_slice %arg6[%arg0, %add3A_33, %dma_wait3A] : memref<2x10240x128xf32, #tpu.memory_space<hbm>> -> memref<1x128x128xf32, #tpu.memory_space<hbm>>
      %dma_wait3A_52 = tpu.memref_squeeze %dma_wait3A_51 : memref<1x128x128xf32, #tpu.memory_space<hbm>> -> memref<128x128xf32, #tpu.memory_space<hbm>>
      %dma_wait3A_53 = arith.constant 0 : i32
      %dma_wait3A_54 = tpu.memref_slice %arg6[%arg0, %add3A_33, %dma_wait3A_53] : memref<2x10240x128xf32, #tpu.memory_space<hbm>> -> memref<1x128x128xf32, #tpu.memory_space<hbm>>
      %dma_wait3A_55 = tpu.memref_squeeze %dma_wait3A_54 : memref<1x128x128xf32, #tpu.memory_space<hbm>> -> memref<128x128xf32, #tpu.memory_space<hbm>>
      tpu.wait_dma2 semaphore(%run_scoped3A : memref<!tpu.dma_semaphore, #tpu.memory_space<semaphore_mem>>) src(%arg12 : memref<128x128xf32, #tpu.memory_space<vmem>>) dst(%dma_wait3A_55 : memref<128x128xf32, #tpu.memory_space<hbm>>)
      tpu.yield
    }) : () -> ()
    %mul3A_34 = arith.constant 640 : i32
    %mul3A_35 = arith.muli %arg1, %mul3A_34 : i32
    %add3A_36 = arith.constant 256 : i32
    %add3A_37 = arith.addi %mul3A_35, %add3A_36 : i32
    "tpu.region"() ({
      %run_scoped3A = tpu.sem_alloc : memref<!tpu.dma_semaphore, #tpu.memory_space<semaphore_mem>>
      %dma_start3A = arith.constant 0 : i32
      %dma_start3A_46 = tpu.memref_slice %arg7[%add3A_37, %dma_start3A] : memref<10240x128xf32, #tpu.memory_space<vmem_shared>> -> memref<128x128xf32, #tpu.memory_space<vmem_shared>>
      %dma_start3A_47 = arith.constant 0 : i32
      %dma_start3A_48 = tpu.memref_slice %arg7[%add3A_37, %dma_start3A_47] : memref<10240x128xf32, #tpu.memory_space<vmem_shared>> -> memref<128x128xf32, #tpu.memory_space<vmem_shared>>
      tpu.enqueue_dma source(%dma_start3A_48 : memref<128x128xf32, #tpu.memory_space<vmem_shared>>) target(%arg12 : memref<128x128xf32, #tpu.memory_space<vmem>>) target_semaphore(%run_scoped3A : memref<!tpu.dma_semaphore, #tpu.memory_space<semaphore_mem>>)
      %dma_wait3A = arith.constant 0 : i32
      %dma_wait3A_49 = tpu.memref_slice %arg7[%add3A_37, %dma_wait3A] : memref<10240x128xf32, #tpu.memory_space<vmem_shared>> -> memref<128x128xf32, #tpu.memory_space<vmem_shared>>
      %dma_wait3A_50 = arith.constant 0 : i32
      %dma_wait3A_51 = tpu.memref_slice %arg7[%add3A_37, %dma_wait3A_50] : memref<10240x128xf32, #tpu.memory_space<vmem_shared>> -> memref<128x128xf32, #tpu.memory_space<vmem_shared>>
      tpu.wait_dma2 semaphore(%run_scoped3A : memref<!tpu.dma_semaphore, #tpu.memory_space<semaphore_mem>>) src(%dma_wait3A_51 : memref<128x128xf32, #tpu.memory_space<vmem_shared>>) dst(%arg12 : memref<128x128xf32, #tpu.memory_space<vmem>>)
      tpu.yield
    }) : () -> ()
    "tpu.region"() ({
      %run_scoped3A = tpu.sem_alloc : memref<!tpu.dma_semaphore, #tpu.memory_space<semaphore_mem>>
      %dma_start3A = arith.constant 0 : i32
      %dma_start3A_46 = tpu.memref_slice %arg6[%arg0, %add3A_37, %dma_start3A] : memref<2x10240x128xf32, #tpu.memory_space<hbm>> -> memref<1x128x128xf32, #tpu.memory_space<hbm>>
      %dma_start3A_47 = tpu.memref_squeeze %dma_start3A_46 : memref<1x128x128xf32, #tpu.memory_space<hbm>> -> memref<128x128xf32, #tpu.memory_space<hbm>>
      %dma_start3A_48 = arith.constant 0 : i32
      %dma_start3A_49 = tpu.memref_slice %arg6[%arg0, %add3A_37, %dma_start3A_48] : memref<2x10240x128xf32, #tpu.memory_space<hbm>> -> memref<1x128x128xf32, #tpu.memory_space<hbm>>
      %dma_start3A_50 = tpu.memref_squeeze %dma_start3A_49 : memref<1x128x128xf32, #tpu.memory_space<hbm>> -> memref<128x128xf32, #tpu.memory_space<hbm>>
      tpu.enqueue_dma source(%arg12 : memref<128x128xf32, #tpu.memory_space<vmem>>) target(%dma_start3A_50 : memref<128x128xf32, #tpu.memory_space<hbm>>) target_semaphore(%run_scoped3A : memref<!tpu.dma_semaphore, #tpu.memory_space<semaphore_mem>>)
      %dma_wait3A = arith.constant 0 : i32
      %dma_wait3A_51 = tpu.memref_slice %arg6[%arg0, %add3A_37, %dma_wait3A] : memref<2x10240x128xf32, #tpu.memory_space<hbm>> -> memref<1x128x128xf32, #tpu.memory_space<hbm>>
      %dma_wait3A_52 = tpu.memref_squeeze %dma_wait3A_51 : memref<1x128x128xf32, #tpu.memory_space<hbm>> -> memref<128x128xf32, #tpu.memory_space<hbm>>
      %dma_wait3A_53 = arith.constant 0 : i32
      %dma_wait3A_54 = tpu.memref_slice %arg6[%arg0, %add3A_37, %dma_wait3A_53] : memref<2x10240x128xf32, #tpu.memory_space<hbm>> -> memref<1x128x128xf32, #tpu.memory_space<hbm>>
      %dma_wait3A_55 = tpu.memref_squeeze %dma_wait3A_54 : memref<1x128x128xf32, #tpu.memory_space<hbm>> -> memref<128x128xf32, #tpu.memory_space<hbm>>
      tpu.wait_dma2 semaphore(%run_scoped3A : memref<!tpu.dma_semaphore, #tpu.memory_space<semaphore_mem>>) src(%arg12 : memref<128x128xf32, #tpu.memory_space<vmem>>) dst(%dma_wait3A_55 : memref<128x128xf32, #tpu.memory_space<hbm>>)
      tpu.yield
    }) : () -> ()
    %mul3A_38 = arith.constant 640 : i32
    %mul3A_39 = arith.muli %arg1, %mul3A_38 : i32
    %add3A_40 = arith.constant 384 : i32
    %add3A_41 = arith.addi %mul3A_39, %add3A_40 : i32
    "tpu.region"() ({
      %run_scoped3A = tpu.sem_alloc : memref<!tpu.dma_semaphore, #tpu.memory_space<semaphore_mem>>
      %dma_start3A = arith.constant 0 : i32
      %dma_start3A_46 = tpu.memref_slice %arg7[%add3A_41, %dma_start3A] : memref<10240x128xf32, #tpu.memory_space<vmem_shared>> -> memref<128x128xf32, #tpu.memory_space<vmem_shared>>
      %dma_start3A_47 = arith.constant 0 : i32
      %dma_start3A_48 = tpu.memref_slice %arg7[%add3A_41, %dma_start3A_47] : memref<10240x128xf32, #tpu.memory_space<vmem_shared>> -> memref<128x128xf32, #tpu.memory_space<vmem_shared>>
      tpu.enqueue_dma source(%dma_start3A_48 : memref<128x128xf32, #tpu.memory_space<vmem_shared>>) target(%arg12 : memref<128x128xf32, #tpu.memory_space<vmem>>) target_semaphore(%run_scoped3A : memref<!tpu.dma_semaphore, #tpu.memory_space<semaphore_mem>>)
      %dma_wait3A = arith.constant 0 : i32
      %dma_wait3A_49 = tpu.memref_slice %arg7[%add3A_41, %dma_wait3A] : memref<10240x128xf32, #tpu.memory_space<vmem_shared>> -> memref<128x128xf32, #tpu.memory_space<vmem_shared>>
      %dma_wait3A_50 = arith.constant 0 : i32
      %dma_wait3A_51 = tpu.memref_slice %arg7[%add3A_41, %dma_wait3A_50] : memref<10240x128xf32, #tpu.memory_space<vmem_shared>> -> memref<128x128xf32, #tpu.memory_space<vmem_shared>>
      tpu.wait_dma2 semaphore(%run_scoped3A : memref<!tpu.dma_semaphore, #tpu.memory_space<semaphore_mem>>) src(%dma_wait3A_51 : memref<128x128xf32, #tpu.memory_space<vmem_shared>>) dst(%arg12 : memref<128x128xf32, #tpu.memory_space<vmem>>)
      tpu.yield
    }) : () -> ()
    "tpu.region"() ({
      %run_scoped3A = tpu.sem_alloc : memref<!tpu.dma_semaphore, #tpu.memory_space<semaphore_mem>>
      %dma_start3A = arith.constant 0 : i32
      %dma_start3A_46 = tpu.memref_slice %arg6[%arg0, %add3A_41, %dma_start3A] : memref<2x10240x128xf32, #tpu.memory_space<hbm>> -> memref<1x128x128xf32, #tpu.memory_space<hbm>>
      %dma_start3A_47 = tpu.memref_squeeze %dma_start3A_46 : memref<1x128x128xf32, #tpu.memory_space<hbm>> -> memref<128x128xf32, #tpu.memory_space<hbm>>
      %dma_start3A_48 = arith.constant 0 : i32
      %dma_start3A_49 = tpu.memref_slice %arg6[%arg0, %add3A_41, %dma_start3A_48] : memref<2x10240x128xf32, #tpu.memory_space<hbm>> -> memref<1x128x128xf32, #tpu.memory_space<hbm>>
      %dma_start3A_50 = tpu.memref_squeeze %dma_start3A_49 : memref<1x128x128xf32, #tpu.memory_space<hbm>> -> memref<128x128xf32, #tpu.memory_space<hbm>>
      tpu.enqueue_dma source(%arg12 : memref<128x128xf32, #tpu.memory_space<vmem>>) target(%dma_start3A_50 : memref<128x128xf32, #tpu.memory_space<hbm>>) target_semaphore(%run_scoped3A : memref<!tpu.dma_semaphore, #tpu.memory_space<semaphore_mem>>)
      %dma_wait3A = arith.constant 0 : i32
      %dma_wait3A_51 = tpu.memref_slice %arg6[%arg0, %add3A_41, %dma_wait3A] : memref<2x10240x128xf32, #tpu.memory_space<hbm>> -> memref<1x128x128xf32, #tpu.memory_space<hbm>>
      %dma_wait3A_52 = tpu.memref_squeeze %dma_wait3A_51 : memref<1x128x128xf32, #tpu.memory_space<hbm>> -> memref<128x128xf32, #tpu.memory_space<hbm>>
      %dma_wait3A_53 = arith.constant 0 : i32
      %dma_wait3A_54 = tpu.memref_slice %arg6[%arg0, %add3A_41, %dma_wait3A_53] : memref<2x10240x128xf32, #tpu.memory_space<hbm>> -> memref<1x128x128xf32, #tpu.memory_space<hbm>>
      %dma_wait3A_55 = tpu.memref_squeeze %dma_wait3A_54 : memref<1x128x128xf32, #tpu.memory_space<hbm>> -> memref<128x128xf32, #tpu.memory_space<hbm>>
      tpu.wait_dma2 semaphore(%run_scoped3A : memref<!tpu.dma_semaphore, #tpu.memory_space<semaphore_mem>>) src(%arg12 : memref<128x128xf32, #tpu.memory_space<vmem>>) dst(%dma_wait3A_55 : memref<128x128xf32, #tpu.memory_space<hbm>>)
      tpu.yield
    }) : () -> ()
    %mul3A_42 = arith.constant 640 : i32
    %mul3A_43 = arith.muli %arg1, %mul3A_42 : i32
    %add3A_44 = arith.constant 512 : i32
    %add3A_45 = arith.addi %mul3A_43, %add3A_44 : i32
    "tpu.region"() ({
      %run_scoped3A = tpu.sem_alloc : memref<!tpu.dma_semaphore, #tpu.memory_space<semaphore_mem>>
      %dma_start3A = arith.constant 0 : i32
      %dma_start3A_46 = tpu.memref_slice %arg7[%add3A_45, %dma_start3A] : memref<10240x128xf32, #tpu.memory_space<vmem_shared>> -> memref<128x128xf32, #tpu.memory_space<vmem_shared>>
      %dma_start3A_47 = arith.constant 0 : i32
      %dma_start3A_48 = tpu.memref_slice %arg7[%add3A_45, %dma_start3A_47] : memref<10240x128xf32, #tpu.memory_space<vmem_shared>> -> memref<128x128xf32, #tpu.memory_space<vmem_shared>>
      tpu.enqueue_dma source(%dma_start3A_48 : memref<128x128xf32, #tpu.memory_space<vmem_shared>>) target(%arg12 : memref<128x128xf32, #tpu.memory_space<vmem>>) target_semaphore(%run_scoped3A : memref<!tpu.dma_semaphore, #tpu.memory_space<semaphore_mem>>)
      %dma_wait3A = arith.constant 0 : i32
      %dma_wait3A_49 = tpu.memref_slice %arg7[%add3A_45, %dma_wait3A] : memref<10240x128xf32, #tpu.memory_space<vmem_shared>> -> memref<128x128xf32, #tpu.memory_space<vmem_shared>>
      %dma_wait3A_50 = arith.constant 0 : i32
      %dma_wait3A_51 = tpu.memref_slice %arg7[%add3A_45, %dma_wait3A_50] : memref<10240x128xf32, #tpu.memory_space<vmem_shared>> -> memref<128x128xf32, #tpu.memory_space<vmem_shared>>
      tpu.wait_dma2 semaphore(%run_scoped3A : memref<!tpu.dma_semaphore, #tpu.memory_space<semaphore_mem>>) src(%dma_wait3A_51 : memref<128x128xf32, #tpu.memory_space<vmem_shared>>) dst(%arg12 : memref<128x128xf32, #tpu.memory_space<vmem>>)
      tpu.yield
    }) : () -> ()
    "tpu.region"() ({
      %run_scoped3A = tpu.sem_alloc : memref<!tpu.dma_semaphore, #tpu.memory_space<semaphore_mem>>
      %dma_start3A = arith.constant 0 : i32
      %dma_start3A_46 = tpu.memref_slice %arg6[%arg0, %add3A_45, %dma_start3A] : memref<2x10240x128xf32, #tpu.memory_space<hbm>> -> memref<1x128x128xf32, #tpu.memory_space<hbm>>
      %dma_start3A_47 = tpu.memref_squeeze %dma_start3A_46 : memref<1x128x128xf32, #tpu.memory_space<hbm>> -> memref<128x128xf32, #tpu.memory_space<hbm>>
      %dma_start3A_48 = arith.constant 0 : i32
      %dma_start3A_49 = tpu.memref_slice %arg6[%arg0, %add3A_45, %dma_start3A_48] : memref<2x10240x128xf32, #tpu.memory_space<hbm>> -> memref<1x128x128xf32, #tpu.memory_space<hbm>>
      %dma_start3A_50 = tpu.memref_squeeze %dma_start3A_49 : memref<1x128x128xf32, #tpu.memory_space<hbm>> -> memref<128x128xf32, #tpu.memory_space<hbm>>
      tpu.enqueue_dma source(%arg12 : memref<128x128xf32, #tpu.memory_space<vmem>>) target(%dma_start3A_50 : memref<128x128xf32, #tpu.memory_space<hbm>>) target_semaphore(%run_scoped3A : memref<!tpu.dma_semaphore, #tpu.memory_space<semaphore_mem>>)
      %dma_wait3A = arith.constant 0 : i32
      %dma_wait3A_51 = tpu.memref_slice %arg6[%arg0, %add3A_45, %dma_wait3A] : memref<2x10240x128xf32, #tpu.memory_space<hbm>> -> memref<1x128x128xf32, #tpu.memory_space<hbm>>
      %dma_wait3A_52 = tpu.memref_squeeze %dma_wait3A_51 : memref<1x128x128xf32, #tpu.memory_space<hbm>> -> memref<128x128xf32, #tpu.memory_space<hbm>>
      %dma_wait3A_53 = arith.constant 0 : i32
      %dma_wait3A_54 = tpu.memref_slice %arg6[%arg0, %add3A_45, %dma_wait3A_53] : memref<2x10240x128xf32, #tpu.memory_space<hbm>> -> memref<1x128x128xf32, #tpu.memory_space<hbm>>
      %dma_wait3A_55 = tpu.memref_squeeze %dma_wait3A_54 : memref<1x128x128xf32, #tpu.memory_space<hbm>> -> memref<128x128xf32, #tpu.memory_space<hbm>>
      tpu.wait_dma2 semaphore(%run_scoped3A : memref<!tpu.dma_semaphore, #tpu.memory_space<semaphore_mem>>) src(%arg12 : memref<128x128xf32, #tpu.memory_space<vmem>>) dst(%dma_wait3A_55 : memref<128x128xf32, #tpu.memory_space<hbm>>)
      tpu.yield
    }) : () -> ()
    return
  }
}

#map = affine_map<(d0, d1) -> (0, 0)>
#map1 = affine_map<(d0, d1) -> (0)>
#map2 = affine_map<(d0, d1) -> (0, 0, 0)>
module attributes {stable_mosaic.version = 14 : i64} {
  func.func @k(%arg0: i32, %arg1: i32, %arg2: memref<20480x128xf32, #tpu.memory_space<hbm>>, %arg3: memref<647168xi32, #tpu.memory_space<hbm>>, %arg4: memref<323584xi32, #tpu.memory_space<hbm>>, %arg5: memref<128x128xf32, #tpu.memory_space<hbm>>, %arg6: memref<2x10240x128xf32, #tpu.memory_space<hbm>>, %arg7: memref<10240x128xf32, #tpu.memory_space<vmem_shared>>, %arg8: memref<128xi32, #tpu.memory_space<vmem>>, %arg9: memref<128xi32, #tpu.memory_space<vmem>>, %arg10: memref<128xi32, #tpu.memory_space<vmem>>, %arg11: memref<128xi32, #tpu.memory_space<vmem>>, %arg12: memref<128x128xf32, #tpu.memory_space<vmem>>, %arg13: memref<128x128xf32, #tpu.memory_space<vmem>>, %arg14: memref<!tpu.dma_semaphore, #tpu.memory_space<semaphore_mem>>, %arg15: memref<!tpu.dma_semaphore, #tpu.memory_space<semaphore_mem>>, %arg16: memref<!tpu.dma_semaphore, #tpu.memory_space<semaphore_mem>>, %arg17: memref<!tpu.dma_semaphore, #tpu.memory_space<semaphore_mem>>) attributes {dimension_semantics = [#tpu.dimension_semantics<core_parallel>, #tpu.dimension_semantics<subcore_parallel>], iteration_bounds = array<i64: 2, 16>, scalar_prefetch = 0 : i64, scratch_operands = 11 : i64, tpu.core_type = #tpu.core_type<sc_vector_subcore>, window_params = [{transform_indices = #map}, {transform_indices = #map1}, {transform_indices = #map1}, {transform_indices = #map}, {transform_indices = #map2}]} {
    "tpu.region"() ({
      %run_scoped3A = tpu.sem_alloc : memref<!tpu.dma_semaphore, #tpu.memory_space<semaphore_mem>>
      tpu.enqueue_dma source(%arg5 : memref<128x128xf32, #tpu.memory_space<hbm>>) target(%arg12 : memref<128x128xf32, #tpu.memory_space<vmem>>) target_semaphore(%run_scoped3A : memref<!tpu.dma_semaphore, #tpu.memory_space<semaphore_mem>>)
      tpu.wait_dma2 semaphore(%run_scoped3A : memref<!tpu.dma_semaphore, #tpu.memory_space<semaphore_mem>>) src(%arg5 : memref<128x128xf32, #tpu.memory_space<hbm>>) dst(%arg12 : memref<128x128xf32, #tpu.memory_space<vmem>>)
      tpu.yield
    }) : () -> ()
    %mul3A = arith.constant 640 : i32
    %mul3A_0 = arith.muli %arg1, %mul3A : i32
    %add3A = arith.constant 0 : i32
    %add3A_1 = arith.addi %mul3A_0, %add3A : i32
    "tpu.region"() ({
      %run_scoped3A = tpu.sem_alloc : memref<!tpu.dma_semaphore, #tpu.memory_space<semaphore_mem>>
      %dma_start3A = arith.constant 0 : i32
      %dma_start3A_46 = tpu.memref_slice %arg7[%add3A_1, %dma_start3A] : memref<10240x128xf32, #tpu.memory_space<vmem_shared>> -> memref<128x128xf32, #tpu.memory_space<vmem_shared>>
      %dma_start3A_47 = arith.constant 0 : i32
      %dma_start3A_48 = tpu.memref_slice %arg7[%add3A_1, %dma_start3A_47] : memref<10240x128xf32, #tpu.memory_space<vmem_shared>> -> memref<128x128xf32, #tpu.memory_space<vmem_shared>>
      tpu.enqueue_dma source(%arg12 : memref<128x128xf32, #tpu.memory_space<vmem>>) target(%dma_start3A_48 : memref<128x128xf32, #tpu.memory_space<vmem_shared>>) target_semaphore(%run_scoped3A : memref<!tpu.dma_semaphore, #tpu.memory_space<semaphore_mem>>)
      %dma_wait3A = arith.constant 0 : i32
      %dma_wait3A_49 = tpu.memref_slice %arg7[%add3A_1, %dma_wait3A] : memref<10240x128xf32, #tpu.memory_space<vmem_shared>> -> memref<128x128xf32, #tpu.memory_space<vmem_shared>>
      %dma_wait3A_50 = arith.constant 0 : i32
      %dma_wait3A_51 = tpu.memref_slice %arg7[%add3A_1, %dma_wait3A_50] : memref<10240x128xf32, #tpu.memory_space<vmem_shared>> -> memref<128x128xf32, #tpu.memory_space<vmem_shared>>
      tpu.wait_dma2 semaphore(%run_scoped3A : memref<!tpu.dma_semaphore, #tpu.memory_space<semaphore_mem>>) src(%arg12 : memref<128x128xf32, #tpu.memory_space<vmem>>) dst(%dma_wait3A_51 : memref<128x128xf32, #tpu.memory_space<vmem_shared>>)
      tpu.yield
    }) : () -> ()
    %mul3A_2 = arith.constant 640 : i32
    %mul3A_3 = arith.muli %arg1, %mul3A_2 : i32
    %add3A_4 = arith.constant 128 : i32
    %add3A_5 = arith.addi %mul3A_3, %add3A_4 : i32
    "tpu.region"() ({
      %run_scoped3A = tpu.sem_alloc : memref<!tpu.dma_semaphore, #tpu.memory_space<semaphore_mem>>
      %dma_start3A = arith.constant 0 : i32
      %dma_start3A_46 = tpu.memref_slice %arg7[%add3A_5, %dma_start3A] : memref<10240x128xf32, #tpu.memory_space<vmem_shared>> -> memref<128x128xf32, #tpu.memory_space<vmem_shared>>
      %dma_start3A_47 = arith.constant 0 : i32
      %dma_start3A_48 = tpu.memref_slice %arg7[%add3A_5, %dma_start3A_47] : memref<10240x128xf32, #tpu.memory_space<vmem_shared>> -> memref<128x128xf32, #tpu.memory_space<vmem_shared>>
      tpu.enqueue_dma source(%arg12 : memref<128x128xf32, #tpu.memory_space<vmem>>) target(%dma_start3A_48 : memref<128x128xf32, #tpu.memory_space<vmem_shared>>) target_semaphore(%run_scoped3A : memref<!tpu.dma_semaphore, #tpu.memory_space<semaphore_mem>>)
      %dma_wait3A = arith.constant 0 : i32
      %dma_wait3A_49 = tpu.memref_slice %arg7[%add3A_5, %dma_wait3A] : memref<10240x128xf32, #tpu.memory_space<vmem_shared>> -> memref<128x128xf32, #tpu.memory_space<vmem_shared>>
      %dma_wait3A_50 = arith.constant 0 : i32
      %dma_wait3A_51 = tpu.memref_slice %arg7[%add3A_5, %dma_wait3A_50] : memref<10240x128xf32, #tpu.memory_space<vmem_shared>> -> memref<128x128xf32, #tpu.memory_space<vmem_shared>>
      tpu.wait_dma2 semaphore(%run_scoped3A : memref<!tpu.dma_semaphore, #tpu.memory_space<semaphore_mem>>) src(%arg12 : memref<128x128xf32, #tpu.memory_space<vmem>>) dst(%dma_wait3A_51 : memref<128x128xf32, #tpu.memory_space<vmem_shared>>)
      tpu.yield
    }) : () -> ()
    %mul3A_6 = arith.constant 640 : i32
    %mul3A_7 = arith.muli %arg1, %mul3A_6 : i32
    %add3A_8 = arith.constant 256 : i32
    %add3A_9 = arith.addi %mul3A_7, %add3A_8 : i32
    "tpu.region"() ({
      %run_scoped3A = tpu.sem_alloc : memref<!tpu.dma_semaphore, #tpu.memory_space<semaphore_mem>>
      %dma_start3A = arith.constant 0 : i32
      %dma_start3A_46 = tpu.memref_slice %arg7[%add3A_9, %dma_start3A] : memref<10240x128xf32, #tpu.memory_space<vmem_shared>> -> memref<128x128xf32, #tpu.memory_space<vmem_shared>>
      %dma_start3A_47 = arith.constant 0 : i32
      %dma_start3A_48 = tpu.memref_slice %arg7[%add3A_9, %dma_start3A_47] : memref<10240x128xf32, #tpu.memory_space<vmem_shared>> -> memref<128x128xf32, #tpu.memory_space<vmem_shared>>
      tpu.enqueue_dma source(%arg12 : memref<128x128xf32, #tpu.memory_space<vmem>>) target(%dma_start3A_48 : memref<128x128xf32, #tpu.memory_space<vmem_shared>>) target_semaphore(%run_scoped3A : memref<!tpu.dma_semaphore, #tpu.memory_space<semaphore_mem>>)
      %dma_wait3A = arith.constant 0 : i32
      %dma_wait3A_49 = tpu.memref_slice %arg7[%add3A_9, %dma_wait3A] : memref<10240x128xf32, #tpu.memory_space<vmem_shared>> -> memref<128x128xf32, #tpu.memory_space<vmem_shared>>
      %dma_wait3A_50 = arith.constant 0 : i32
      %dma_wait3A_51 = tpu.memref_slice %arg7[%add3A_9, %dma_wait3A_50] : memref<10240x128xf32, #tpu.memory_space<vmem_shared>> -> memref<128x128xf32, #tpu.memory_space<vmem_shared>>
      tpu.wait_dma2 semaphore(%run_scoped3A : memref<!tpu.dma_semaphore, #tpu.memory_space<semaphore_mem>>) src(%arg12 : memref<128x128xf32, #tpu.memory_space<vmem>>) dst(%dma_wait3A_51 : memref<128x128xf32, #tpu.memory_space<vmem_shared>>)
      tpu.yield
    }) : () -> ()
    %mul3A_10 = arith.constant 640 : i32
    %mul3A_11 = arith.muli %arg1, %mul3A_10 : i32
    %add3A_12 = arith.constant 384 : i32
    %add3A_13 = arith.addi %mul3A_11, %add3A_12 : i32
    "tpu.region"() ({
      %run_scoped3A = tpu.sem_alloc : memref<!tpu.dma_semaphore, #tpu.memory_space<semaphore_mem>>
      %dma_start3A = arith.constant 0 : i32
      %dma_start3A_46 = tpu.memref_slice %arg7[%add3A_13, %dma_start3A] : memref<10240x128xf32, #tpu.memory_space<vmem_shared>> -> memref<128x128xf32, #tpu.memory_space<vmem_shared>>
      %dma_start3A_47 = arith.constant 0 : i32
      %dma_start3A_48 = tpu.memref_slice %arg7[%add3A_13, %dma_start3A_47] : memref<10240x128xf32, #tpu.memory_space<vmem_shared>> -> memref<128x128xf32, #tpu.memory_space<vmem_shared>>
      tpu.enqueue_dma source(%arg12 : memref<128x128xf32, #tpu.memory_space<vmem>>) target(%dma_start3A_48 : memref<128x128xf32, #tpu.memory_space<vmem_shared>>) target_semaphore(%run_scoped3A : memref<!tpu.dma_semaphore, #tpu.memory_space<semaphore_mem>>)
      %dma_wait3A = arith.constant 0 : i32
      %dma_wait3A_49 = tpu.memref_slice %arg7[%add3A_13, %dma_wait3A] : memref<10240x128xf32, #tpu.memory_space<vmem_shared>> -> memref<128x128xf32, #tpu.memory_space<vmem_shared>>
      %dma_wait3A_50 = arith.constant 0 : i32
      %dma_wait3A_51 = tpu.memref_slice %arg7[%add3A_13, %dma_wait3A_50] : memref<10240x128xf32, #tpu.memory_space<vmem_shared>> -> memref<128x128xf32, #tpu.memory_space<vmem_shared>>
      tpu.wait_dma2 semaphore(%run_scoped3A : memref<!tpu.dma_semaphore, #tpu.memory_space<semaphore_mem>>) src(%arg12 : memref<128x128xf32, #tpu.memory_space<vmem>>) dst(%dma_wait3A_51 : memref<128x128xf32, #tpu.memory_space<vmem_shared>>)
      tpu.yield
    }) : () -> ()
    %mul3A_14 = arith.constant 640 : i32
    %mul3A_15 = arith.muli %arg1, %mul3A_14 : i32
    %add3A_16 = arith.constant 512 : i32
    %add3A_17 = arith.addi %mul3A_15, %add3A_16 : i32
    "tpu.region"() ({
      %run_scoped3A = tpu.sem_alloc : memref<!tpu.dma_semaphore, #tpu.memory_space<semaphore_mem>>
      %dma_start3A = arith.constant 0 : i32
      %dma_start3A_46 = tpu.memref_slice %arg7[%add3A_17, %dma_start3A] : memref<10240x128xf32, #tpu.memory_space<vmem_shared>> -> memref<128x128xf32, #tpu.memory_space<vmem_shared>>
      %dma_start3A_47 = arith.constant 0 : i32
      %dma_start3A_48 = tpu.memref_slice %arg7[%add3A_17, %dma_start3A_47] : memref<10240x128xf32, #tpu.memory_space<vmem_shared>> -> memref<128x128xf32, #tpu.memory_space<vmem_shared>>
      tpu.enqueue_dma source(%arg12 : memref<128x128xf32, #tpu.memory_space<vmem>>) target(%dma_start3A_48 : memref<128x128xf32, #tpu.memory_space<vmem_shared>>) target_semaphore(%run_scoped3A : memref<!tpu.dma_semaphore, #tpu.memory_space<semaphore_mem>>)
      %dma_wait3A = arith.constant 0 : i32
      %dma_wait3A_49 = tpu.memref_slice %arg7[%add3A_17, %dma_wait3A] : memref<10240x128xf32, #tpu.memory_space<vmem_shared>> -> memref<128x128xf32, #tpu.memory_space<vmem_shared>>
      %dma_wait3A_50 = arith.constant 0 : i32
      %dma_wait3A_51 = tpu.memref_slice %arg7[%add3A_17, %dma_wait3A_50] : memref<10240x128xf32, #tpu.memory_space<vmem_shared>> -> memref<128x128xf32, #tpu.memory_space<vmem_shared>>
      tpu.wait_dma2 semaphore(%run_scoped3A : memref<!tpu.dma_semaphore, #tpu.memory_space<semaphore_mem>>) src(%arg12 : memref<128x128xf32, #tpu.memory_space<vmem>>) dst(%dma_wait3A_51 : memref<128x128xf32, #tpu.memory_space<vmem_shared>>)
      tpu.yield
    }) : () -> ()
    %barrier3A = arith.constant 0 : index
    tpu.barrier barrier_id(%barrier3A)
    %mul3A_18 = arith.constant 20224 : i32
    %mul3A_19 = arith.muli %arg1, %mul3A_18 : i32
    %scan3A = arith.constant 0 : i32
    %scan3A_20 = arith.constant 0 : i32
    %scan3A_21 = arith.constant 80 : i32
    %scan3A_22 = arith.addi %scan3A_20, %scan3A_21 : i32
    %scan3A_23 = arith.constant 1 : i32
    scf.for %scan3A_46 = %scan3A_20 to %scan3A_22 step %scan3A_23  : i32 {
      %mul3A_47 = arith.constant 2 : i32
      %mul3A_48 = arith.muli %scan3A_46, %mul3A_47 : i32
      %add3A_49 = arith.constant 0 : i32
      %add3A_50 = arith.addi %mul3A_48, %add3A_49 : i32
      %mul3A_51 = arith.constant 128 : i32
      %mul3A_52 = arith.muli %add3A_50, %mul3A_51 : i32
      %sub3A = arith.constant 256 : i32
      %sub3A_53 = arith.subi %mul3A_52, %sub3A : i32
      %gt3A = arith.constant 0 : i32
      %gt3A_54 = arith.cmpi sgt, %scan3A_46, %gt3A : i32
      %convert_element_type3A = arith.extui %gt3A_54 : i1 to i32
      %cond3A = arith.constant 0 : i32
      %cond3A_55 = arith.cmpi ne, %convert_element_type3A, %cond3A : i32
      scf.if %cond3A_55 {
        %add3A_78 = arith.addi %mul3A_19, %sub3A_53 : i32
        "tpu.region"() ({
          %run_scoped3A = tpu.sem_alloc : memref<!tpu.dma_semaphore, #tpu.memory_space<semaphore_mem>>
          %dma_start3A_86 = tpu.memref_slice %arg4[%add3A_78] : memref<323584xi32, #tpu.memory_space<hbm>> -> memref<128xi32, #tpu.memory_space<hbm>>
          %dma_start3A_87 = tpu.memref_slice %arg4[%add3A_78] : memref<323584xi32, #tpu.memory_space<hbm>> -> memref<128xi32, #tpu.memory_space<hbm>>
          tpu.enqueue_dma source(%dma_start3A_87 : memref<128xi32, #tpu.memory_space<hbm>>) target(%arg10 : memref<128xi32, #tpu.memory_space<vmem>>) target_semaphore(%run_scoped3A : memref<!tpu.dma_semaphore, #tpu.memory_space<semaphore_mem>>)
          %dma_wait3A_88 = tpu.memref_slice %arg4[%add3A_78] : memref<323584xi32, #tpu.memory_space<hbm>> -> memref<128xi32, #tpu.memory_space<hbm>>
          %dma_wait3A_89 = tpu.memref_slice %arg4[%add3A_78] : memref<323584xi32, #tpu.memory_space<hbm>> -> memref<128xi32, #tpu.memory_space<hbm>>
          tpu.wait_dma2 semaphore(%run_scoped3A : memref<!tpu.dma_semaphore, #tpu.memory_space<semaphore_mem>>) src(%dma_wait3A_89 : memref<128xi32, #tpu.memory_space<hbm>>) dst(%arg10 : memref<128xi32, #tpu.memory_space<vmem>>)
          tpu.yield
        }) : () -> ()
        %dma_wait3A = arith.constant 0 : i32
        %dma_wait3A_79 = arith.constant 0 : i32
        %dma_wait3A_80 = tpu.memref_slice %arg2[%dma_wait3A, %dma_wait3A_79] : memref<20480x128xf32, #tpu.memory_space<hbm>> -> memref<20480x128xf32, #tpu.memory_space<hbm>>
        tpu.wait_indirect_dma semaphore(%arg14 : memref<!tpu.dma_semaphore, #tpu.memory_space<semaphore_mem>>) src(%dma_wait3A_80 : memref<20480x128xf32, #tpu.memory_space<hbm>>) dst(%arg12 : memref<128x128xf32, #tpu.memory_space<vmem>>)
        %dma_start3A = arith.constant 0 : i32
        %dma_start3A_81 = arith.constant 0 : i32
        %dma_start3A_82 = tpu.memref_slice %arg7[%dma_start3A, %dma_start3A_81] : memref<10240x128xf32, #tpu.memory_space<vmem_shared>> -> memref<10240x128xf32, #tpu.memory_space<vmem_shared>>
        tpu.enqueue_indirect_dma source(%arg12 : memref<128x128xf32, #tpu.memory_space<vmem>>) target(%dma_start3A_82 : memref<10240x128xf32, #tpu.memory_space<vmem_shared>>) offsets(%arg10 : memref<128xi32, #tpu.memory_space<vmem>>) semaphore(%arg16 : memref<!tpu.dma_semaphore, #tpu.memory_space<semaphore_mem>>) {add = true}
        %dma_wait3A_83 = arith.constant 0 : i32
        %dma_wait3A_84 = arith.constant 0 : i32
        %dma_wait3A_85 = tpu.memref_slice %arg7[%dma_wait3A_83, %dma_wait3A_84] : memref<10240x128xf32, #tpu.memory_space<vmem_shared>> -> memref<10240x128xf32, #tpu.memory_space<vmem_shared>>
        tpu.wait_indirect_dma semaphore(%arg16 : memref<!tpu.dma_semaphore, #tpu.memory_space<semaphore_mem>>) src(%arg12 : memref<128x128xf32, #tpu.memory_space<vmem>>) dst(%dma_wait3A_85 : memref<10240x128xf32, #tpu.memory_space<vmem_shared>>)
      } else {
      }
      %lt3A = arith.constant 79 : i32
      %lt3A_56 = arith.cmpi slt, %scan3A_46, %lt3A : i32
      %convert_element_type3A_57 = arith.extui %lt3A_56 : i1 to i32
      %cond3A_58 = arith.constant 0 : i32
      %cond3A_59 = arith.cmpi ne, %convert_element_type3A_57, %cond3A_58 : i32
      scf.if %cond3A_59 {
        %mul3A_78 = arith.constant 323584 : i32
        %mul3A_79 = arith.muli %arg0, %mul3A_78 : i32
        %add3A_80 = arith.addi %mul3A_79, %mul3A_19 : i32
        %add3A_81 = arith.addi %add3A_80, %mul3A_52 : i32
        "tpu.region"() ({
          %run_scoped3A = tpu.sem_alloc : memref<!tpu.dma_semaphore, #tpu.memory_space<semaphore_mem>>
          %dma_start3A_84 = tpu.memref_slice %arg3[%add3A_81] : memref<647168xi32, #tpu.memory_space<hbm>> -> memref<128xi32, #tpu.memory_space<hbm>>
          %dma_start3A_85 = tpu.memref_slice %arg3[%add3A_81] : memref<647168xi32, #tpu.memory_space<hbm>> -> memref<128xi32, #tpu.memory_space<hbm>>
          tpu.enqueue_dma source(%dma_start3A_85 : memref<128xi32, #tpu.memory_space<hbm>>) target(%arg8 : memref<128xi32, #tpu.memory_space<vmem>>) target_semaphore(%run_scoped3A : memref<!tpu.dma_semaphore, #tpu.memory_space<semaphore_mem>>)
          %dma_wait3A = tpu.memref_slice %arg3[%add3A_81] : memref<647168xi32, #tpu.memory_space<hbm>> -> memref<128xi32, #tpu.memory_space<hbm>>
          %dma_wait3A_86 = tpu.memref_slice %arg3[%add3A_81] : memref<647168xi32, #tpu.memory_space<hbm>> -> memref<128xi32, #tpu.memory_space<hbm>>
          tpu.wait_dma2 semaphore(%run_scoped3A : memref<!tpu.dma_semaphore, #tpu.memory_space<semaphore_mem>>) src(%dma_wait3A_86 : memref<128xi32, #tpu.memory_space<hbm>>) dst(%arg8 : memref<128xi32, #tpu.memory_space<vmem>>)
          tpu.yield
        }) : () -> ()
        %dma_start3A = arith.constant 0 : i32
        %dma_start3A_82 = arith.constant 0 : i32
        %dma_start3A_83 = tpu.memref_slice %arg2[%dma_start3A, %dma_start3A_82] : memref<20480x128xf32, #tpu.memory_space<hbm>> -> memref<20480x128xf32, #tpu.memory_space<hbm>>
        tpu.enqueue_indirect_dma source(%dma_start3A_83 : memref<20480x128xf32, #tpu.memory_space<hbm>>) target(%arg12 : memref<128x128xf32, #tpu.memory_space<vmem>>) offsets(%arg8 : memref<128xi32, #tpu.memory_space<vmem>>) semaphore(%arg14 : memref<!tpu.dma_semaphore, #tpu.memory_space<semaphore_mem>>)
      } else {
      }
      %mul3A_60 = arith.constant 2 : i32
      %mul3A_61 = arith.muli %scan3A_46, %mul3A_60 : i32
      %add3A_62 = arith.constant 1 : i32
      %add3A_63 = arith.addi %mul3A_61, %add3A_62 : i32
      %mul3A_64 = arith.constant 128 : i32
      %mul3A_65 = arith.muli %add3A_63, %mul3A_64 : i32
      %sub3A_66 = arith.constant 256 : i32
      %sub3A_67 = arith.subi %mul3A_65, %sub3A_66 : i32
      %gt3A_68 = arith.constant 0 : i32
      %gt3A_69 = arith.cmpi sgt, %scan3A_46, %gt3A_68 : i32
      %convert_element_type3A_70 = arith.extui %gt3A_69 : i1 to i32
      %cond3A_71 = arith.constant 0 : i32
      %cond3A_72 = arith.cmpi ne, %convert_element_type3A_70, %cond3A_71 : i32
      scf.if %cond3A_72 {
        %add3A_78 = arith.addi %mul3A_19, %sub3A_67 : i32
        "tpu.region"() ({
          %run_scoped3A = tpu.sem_alloc : memref<!tpu.dma_semaphore, #tpu.memory_space<semaphore_mem>>
          %dma_start3A_86 = tpu.memref_slice %arg4[%add3A_78] : memref<323584xi32, #tpu.memory_space<hbm>> -> memref<128xi32, #tpu.memory_space<hbm>>
          %dma_start3A_87 = tpu.memref_slice %arg4[%add3A_78] : memref<323584xi32, #tpu.memory_space<hbm>> -> memref<128xi32, #tpu.memory_space<hbm>>
          tpu.enqueue_dma source(%dma_start3A_87 : memref<128xi32, #tpu.memory_space<hbm>>) target(%arg11 : memref<128xi32, #tpu.memory_space<vmem>>) target_semaphore(%run_scoped3A : memref<!tpu.dma_semaphore, #tpu.memory_space<semaphore_mem>>)
          %dma_wait3A_88 = tpu.memref_slice %arg4[%add3A_78] : memref<323584xi32, #tpu.memory_space<hbm>> -> memref<128xi32, #tpu.memory_space<hbm>>
          %dma_wait3A_89 = tpu.memref_slice %arg4[%add3A_78] : memref<323584xi32, #tpu.memory_space<hbm>> -> memref<128xi32, #tpu.memory_space<hbm>>
          tpu.wait_dma2 semaphore(%run_scoped3A : memref<!tpu.dma_semaphore, #tpu.memory_space<semaphore_mem>>) src(%dma_wait3A_89 : memref<128xi32, #tpu.memory_space<hbm>>) dst(%arg11 : memref<128xi32, #tpu.memory_space<vmem>>)
          tpu.yield
        }) : () -> ()
        %dma_wait3A = arith.constant 0 : i32
        %dma_wait3A_79 = arith.constant 0 : i32
        %dma_wait3A_80 = tpu.memref_slice %arg2[%dma_wait3A, %dma_wait3A_79] : memref<20480x128xf32, #tpu.memory_space<hbm>> -> memref<20480x128xf32, #tpu.memory_space<hbm>>
        tpu.wait_indirect_dma semaphore(%arg15 : memref<!tpu.dma_semaphore, #tpu.memory_space<semaphore_mem>>) src(%dma_wait3A_80 : memref<20480x128xf32, #tpu.memory_space<hbm>>) dst(%arg13 : memref<128x128xf32, #tpu.memory_space<vmem>>)
        %dma_start3A = arith.constant 0 : i32
        %dma_start3A_81 = arith.constant 0 : i32
        %dma_start3A_82 = tpu.memref_slice %arg7[%dma_start3A, %dma_start3A_81] : memref<10240x128xf32, #tpu.memory_space<vmem_shared>> -> memref<10240x128xf32, #tpu.memory_space<vmem_shared>>
        tpu.enqueue_indirect_dma source(%arg13 : memref<128x128xf32, #tpu.memory_space<vmem>>) target(%dma_start3A_82 : memref<10240x128xf32, #tpu.memory_space<vmem_shared>>) offsets(%arg11 : memref<128xi32, #tpu.memory_space<vmem>>) semaphore(%arg17 : memref<!tpu.dma_semaphore, #tpu.memory_space<semaphore_mem>>) {add = true}
        %dma_wait3A_83 = arith.constant 0 : i32
        %dma_wait3A_84 = arith.constant 0 : i32
        %dma_wait3A_85 = tpu.memref_slice %arg7[%dma_wait3A_83, %dma_wait3A_84] : memref<10240x128xf32, #tpu.memory_space<vmem_shared>> -> memref<10240x128xf32, #tpu.memory_space<vmem_shared>>
        tpu.wait_indirect_dma semaphore(%arg17 : memref<!tpu.dma_semaphore, #tpu.memory_space<semaphore_mem>>) src(%arg13 : memref<128x128xf32, #tpu.memory_space<vmem>>) dst(%dma_wait3A_85 : memref<10240x128xf32, #tpu.memory_space<vmem_shared>>)
      } else {
      }
      %lt3A_73 = arith.constant 79 : i32
      %lt3A_74 = arith.cmpi slt, %scan3A_46, %lt3A_73 : i32
      %convert_element_type3A_75 = arith.extui %lt3A_74 : i1 to i32
      %cond3A_76 = arith.constant 0 : i32
      %cond3A_77 = arith.cmpi ne, %convert_element_type3A_75, %cond3A_76 : i32
      scf.if %cond3A_77 {
        %mul3A_78 = arith.constant 323584 : i32
        %mul3A_79 = arith.muli %arg0, %mul3A_78 : i32
        %add3A_80 = arith.addi %mul3A_79, %mul3A_19 : i32
        %add3A_81 = arith.addi %add3A_80, %mul3A_65 : i32
        "tpu.region"() ({
          %run_scoped3A = tpu.sem_alloc : memref<!tpu.dma_semaphore, #tpu.memory_space<semaphore_mem>>
          %dma_start3A_84 = tpu.memref_slice %arg3[%add3A_81] : memref<647168xi32, #tpu.memory_space<hbm>> -> memref<128xi32, #tpu.memory_space<hbm>>
          %dma_start3A_85 = tpu.memref_slice %arg3[%add3A_81] : memref<647168xi32, #tpu.memory_space<hbm>> -> memref<128xi32, #tpu.memory_space<hbm>>
          tpu.enqueue_dma source(%dma_start3A_85 : memref<128xi32, #tpu.memory_space<hbm>>) target(%arg9 : memref<128xi32, #tpu.memory_space<vmem>>) target_semaphore(%run_scoped3A : memref<!tpu.dma_semaphore, #tpu.memory_space<semaphore_mem>>)
          %dma_wait3A = tpu.memref_slice %arg3[%add3A_81] : memref<647168xi32, #tpu.memory_space<hbm>> -> memref<128xi32, #tpu.memory_space<hbm>>
          %dma_wait3A_86 = tpu.memref_slice %arg3[%add3A_81] : memref<647168xi32, #tpu.memory_space<hbm>> -> memref<128xi32, #tpu.memory_space<hbm>>
          tpu.wait_dma2 semaphore(%run_scoped3A : memref<!tpu.dma_semaphore, #tpu.memory_space<semaphore_mem>>) src(%dma_wait3A_86 : memref<128xi32, #tpu.memory_space<hbm>>) dst(%arg9 : memref<128xi32, #tpu.memory_space<vmem>>)
          tpu.yield
        }) : () -> ()
        %dma_start3A = arith.constant 0 : i32
        %dma_start3A_82 = arith.constant 0 : i32
        %dma_start3A_83 = tpu.memref_slice %arg2[%dma_start3A, %dma_start3A_82] : memref<20480x128xf32, #tpu.memory_space<hbm>> -> memref<20480x128xf32, #tpu.memory_space<hbm>>
        tpu.enqueue_indirect_dma source(%dma_start3A_83 : memref<20480x128xf32, #tpu.memory_space<hbm>>) target(%arg13 : memref<128x128xf32, #tpu.memory_space<vmem>>) offsets(%arg9 : memref<128xi32, #tpu.memory_space<vmem>>) semaphore(%arg15 : memref<!tpu.dma_semaphore, #tpu.memory_space<semaphore_mem>>)
      } else {
      }
    }
    %scan3A_24 = arith.constant 80 : i32
    %barrier3A_25 = arith.constant 0 : index
    tpu.barrier barrier_id(%barrier3A_25)
    %mul3A_26 = arith.constant 640 : i32
    %mul3A_27 = arith.muli %arg1, %mul3A_26 : i32
    %add3A_28 = arith.constant 0 : i32
    %add3A_29 = arith.addi %mul3A_27, %add3A_28 : i32
    "tpu.region"() ({
      %run_scoped3A = tpu.sem_alloc : memref<!tpu.dma_semaphore, #tpu.memory_space<semaphore_mem>>
      %dma_start3A = arith.constant 0 : i32
      %dma_start3A_46 = tpu.memref_slice %arg7[%add3A_29, %dma_start3A] : memref<10240x128xf32, #tpu.memory_space<vmem_shared>> -> memref<128x128xf32, #tpu.memory_space<vmem_shared>>
      %dma_start3A_47 = arith.constant 0 : i32
      %dma_start3A_48 = tpu.memref_slice %arg7[%add3A_29, %dma_start3A_47] : memref<10240x128xf32, #tpu.memory_space<vmem_shared>> -> memref<128x128xf32, #tpu.memory_space<vmem_shared>>
      tpu.enqueue_dma source(%dma_start3A_48 : memref<128x128xf32, #tpu.memory_space<vmem_shared>>) target(%arg12 : memref<128x128xf32, #tpu.memory_space<vmem>>) target_semaphore(%run_scoped3A : memref<!tpu.dma_semaphore, #tpu.memory_space<semaphore_mem>>)
      %dma_wait3A = arith.constant 0 : i32
      %dma_wait3A_49 = tpu.memref_slice %arg7[%add3A_29, %dma_wait3A] : memref<10240x128xf32, #tpu.memory_space<vmem_shared>> -> memref<128x128xf32, #tpu.memory_space<vmem_shared>>
      %dma_wait3A_50 = arith.constant 0 : i32
      %dma_wait3A_51 = tpu.memref_slice %arg7[%add3A_29, %dma_wait3A_50] : memref<10240x128xf32, #tpu.memory_space<vmem_shared>> -> memref<128x128xf32, #tpu.memory_space<vmem_shared>>
      tpu.wait_dma2 semaphore(%run_scoped3A : memref<!tpu.dma_semaphore, #tpu.memory_space<semaphore_mem>>) src(%dma_wait3A_51 : memref<128x128xf32, #tpu.memory_space<vmem_shared>>) dst(%arg12 : memref<128x128xf32, #tpu.memory_space<vmem>>)
      tpu.yield
    }) : () -> ()
    "tpu.region"() ({
      %run_scoped3A = tpu.sem_alloc : memref<!tpu.dma_semaphore, #tpu.memory_space<semaphore_mem>>
      %dma_start3A = arith.constant 0 : i32
      %dma_start3A_46 = tpu.memref_slice %arg6[%arg0, %add3A_29, %dma_start3A] : memref<2x10240x128xf32, #tpu.memory_space<hbm>> -> memref<1x128x128xf32, #tpu.memory_space<hbm>>
      %dma_start3A_47 = tpu.memref_squeeze %dma_start3A_46 : memref<1x128x128xf32, #tpu.memory_space<hbm>> -> memref<128x128xf32, #tpu.memory_space<hbm>>
      %dma_start3A_48 = arith.constant 0 : i32
      %dma_start3A_49 = tpu.memref_slice %arg6[%arg0, %add3A_29, %dma_start3A_48] : memref<2x10240x128xf32, #tpu.memory_space<hbm>> -> memref<1x128x128xf32, #tpu.memory_space<hbm>>
      %dma_start3A_50 = tpu.memref_squeeze %dma_start3A_49 : memref<1x128x128xf32, #tpu.memory_space<hbm>> -> memref<128x128xf32, #tpu.memory_space<hbm>>
      tpu.enqueue_dma source(%arg12 : memref<128x128xf32, #tpu.memory_space<vmem>>) target(%dma_start3A_50 : memref<128x128xf32, #tpu.memory_space<hbm>>) target_semaphore(%run_scoped3A : memref<!tpu.dma_semaphore, #tpu.memory_space<semaphore_mem>>)
      %dma_wait3A = arith.constant 0 : i32
      %dma_wait3A_51 = tpu.memref_slice %arg6[%arg0, %add3A_29, %dma_wait3A] : memref<2x10240x128xf32, #tpu.memory_space<hbm>> -> memref<1x128x128xf32, #tpu.memory_space<hbm>>
      %dma_wait3A_52 = tpu.memref_squeeze %dma_wait3A_51 : memref<1x128x128xf32, #tpu.memory_space<hbm>> -> memref<128x128xf32, #tpu.memory_space<hbm>>
      %dma_wait3A_53 = arith.constant 0 : i32
      %dma_wait3A_54 = tpu.memref_slice %arg6[%arg0, %add3A_29, %dma_wait3A_53] : memref<2x10240x128xf32, #tpu.memory_space<hbm>> -> memref<1x128x128xf32, #tpu.memory_space<hbm>>
      %dma_wait3A_55 = tpu.memref_squeeze %dma_wait3A_54 : memref<1x128x128xf32, #tpu.memory_space<hbm>> -> memref<128x128xf32, #tpu.memory_space<hbm>>
      tpu.wait_dma2 semaphore(%run_scoped3A : memref<!tpu.dma_semaphore, #tpu.memory_space<semaphore_mem>>) src(%arg12 : memref<128x128xf32, #tpu.memory_space<vmem>>) dst(%dma_wait3A_55 : memref<128x128xf32, #tpu.memory_space<hbm>>)
      tpu.yield
    }) : () -> ()
    %mul3A_30 = arith.constant 640 : i32
    %mul3A_31 = arith.muli %arg1, %mul3A_30 : i32
    %add3A_32 = arith.constant 128 : i32
    %add3A_33 = arith.addi %mul3A_31, %add3A_32 : i32
    "tpu.region"() ({
      %run_scoped3A = tpu.sem_alloc : memref<!tpu.dma_semaphore, #tpu.memory_space<semaphore_mem>>
      %dma_start3A = arith.constant 0 : i32
      %dma_start3A_46 = tpu.memref_slice %arg7[%add3A_33, %dma_start3A] : memref<10240x128xf32, #tpu.memory_space<vmem_shared>> -> memref<128x128xf32, #tpu.memory_space<vmem_shared>>
      %dma_start3A_47 = arith.constant 0 : i32
      %dma_start3A_48 = tpu.memref_slice %arg7[%add3A_33, %dma_start3A_47] : memref<10240x128xf32, #tpu.memory_space<vmem_shared>> -> memref<128x128xf32, #tpu.memory_space<vmem_shared>>
      tpu.enqueue_dma source(%dma_start3A_48 : memref<128x128xf32, #tpu.memory_space<vmem_shared>>) target(%arg12 : memref<128x128xf32, #tpu.memory_space<vmem>>) target_semaphore(%run_scoped3A : memref<!tpu.dma_semaphore, #tpu.memory_space<semaphore_mem>>)
      %dma_wait3A = arith.constant 0 : i32
      %dma_wait3A_49 = tpu.memref_slice %arg7[%add3A_33, %dma_wait3A] : memref<10240x128xf32, #tpu.memory_space<vmem_shared>> -> memref<128x128xf32, #tpu.memory_space<vmem_shared>>
      %dma_wait3A_50 = arith.constant 0 : i32
      %dma_wait3A_51 = tpu.memref_slice %arg7[%add3A_33, %dma_wait3A_50] : memref<10240x128xf32, #tpu.memory_space<vmem_shared>> -> memref<128x128xf32, #tpu.memory_space<vmem_shared>>
      tpu.wait_dma2 semaphore(%run_scoped3A : memref<!tpu.dma_semaphore, #tpu.memory_space<semaphore_mem>>) src(%dma_wait3A_51 : memref<128x128xf32, #tpu.memory_space<vmem_shared>>) dst(%arg12 : memref<128x128xf32, #tpu.memory_space<vmem>>)
      tpu.yield
    }) : () -> ()
    "tpu.region"() ({
      %run_scoped3A = tpu.sem_alloc : memref<!tpu.dma_semaphore, #tpu.memory_space<semaphore_mem>>
      %dma_start3A = arith.constant 0 : i32
      %dma_start3A_46 = tpu.memref_slice %arg6[%arg0, %add3A_33, %dma_start3A] : memref<2x10240x128xf32, #tpu.memory_space<hbm>> -> memref<1x128x128xf32, #tpu.memory_space<hbm>>
      %dma_start3A_47 = tpu.memref_squeeze %dma_start3A_46 : memref<1x128x128xf32, #tpu.memory_space<hbm>> -> memref<128x128xf32, #tpu.memory_space<hbm>>
      %dma_start3A_48 = arith.constant 0 : i32
      %dma_start3A_49 = tpu.memref_slice %arg6[%arg0, %add3A_33, %dma_start3A_48] : memref<2x10240x128xf32, #tpu.memory_space<hbm>> -> memref<1x128x128xf32, #tpu.memory_space<hbm>>
      %dma_start3A_50 = tpu.memref_squeeze %dma_start3A_49 : memref<1x128x128xf32, #tpu.memory_space<hbm>> -> memref<128x128xf32, #tpu.memory_space<hbm>>
      tpu.enqueue_dma source(%arg12 : memref<128x128xf32, #tpu.memory_space<vmem>>) target(%dma_start3A_50 : memref<128x128xf32, #tpu.memory_space<hbm>>) target_semaphore(%run_scoped3A : memref<!tpu.dma_semaphore, #tpu.memory_space<semaphore_mem>>)
      %dma_wait3A = arith.constant 0 : i32
      %dma_wait3A_51 = tpu.memref_slice %arg6[%arg0, %add3A_33, %dma_wait3A] : memref<2x10240x128xf32, #tpu.memory_space<hbm>> -> memref<1x128x128xf32, #tpu.memory_space<hbm>>
      %dma_wait3A_52 = tpu.memref_squeeze %dma_wait3A_51 : memref<1x128x128xf32, #tpu.memory_space<hbm>> -> memref<128x128xf32, #tpu.memory_space<hbm>>
      %dma_wait3A_53 = arith.constant 0 : i32
      %dma_wait3A_54 = tpu.memref_slice %arg6[%arg0, %add3A_33, %dma_wait3A_53] : memref<2x10240x128xf32, #tpu.memory_space<hbm>> -> memref<1x128x128xf32, #tpu.memory_space<hbm>>
      %dma_wait3A_55 = tpu.memref_squeeze %dma_wait3A_54 : memref<1x128x128xf32, #tpu.memory_space<hbm>> -> memref<128x128xf32, #tpu.memory_space<hbm>>
      tpu.wait_dma2 semaphore(%run_scoped3A : memref<!tpu.dma_semaphore, #tpu.memory_space<semaphore_mem>>) src(%arg12 : memref<128x128xf32, #tpu.memory_space<vmem>>) dst(%dma_wait3A_55 : memref<128x128xf32, #tpu.memory_space<hbm>>)
      tpu.yield
    }) : () -> ()
    %mul3A_34 = arith.constant 640 : i32
    %mul3A_35 = arith.muli %arg1, %mul3A_34 : i32
    %add3A_36 = arith.constant 256 : i32
    %add3A_37 = arith.addi %mul3A_35, %add3A_36 : i32
    "tpu.region"() ({
      %run_scoped3A = tpu.sem_alloc : memref<!tpu.dma_semaphore, #tpu.memory_space<semaphore_mem>>
      %dma_start3A = arith.constant 0 : i32
      %dma_start3A_46 = tpu.memref_slice %arg7[%add3A_37, %dma_start3A] : memref<10240x128xf32, #tpu.memory_space<vmem_shared>> -> memref<128x128xf32, #tpu.memory_space<vmem_shared>>
      %dma_start3A_47 = arith.constant 0 : i32
      %dma_start3A_48 = tpu.memref_slice %arg7[%add3A_37, %dma_start3A_47] : memref<10240x128xf32, #tpu.memory_space<vmem_shared>> -> memref<128x128xf32, #tpu.memory_space<vmem_shared>>
      tpu.enqueue_dma source(%dma_start3A_48 : memref<128x128xf32, #tpu.memory_space<vmem_shared>>) target(%arg12 : memref<128x128xf32, #tpu.memory_space<vmem>>) target_semaphore(%run_scoped3A : memref<!tpu.dma_semaphore, #tpu.memory_space<semaphore_mem>>)
      %dma_wait3A = arith.constant 0 : i32
      %dma_wait3A_49 = tpu.memref_slice %arg7[%add3A_37, %dma_wait3A] : memref<10240x128xf32, #tpu.memory_space<vmem_shared>> -> memref<128x128xf32, #tpu.memory_space<vmem_shared>>
      %dma_wait3A_50 = arith.constant 0 : i32
      %dma_wait3A_51 = tpu.memref_slice %arg7[%add3A_37, %dma_wait3A_50] : memref<10240x128xf32, #tpu.memory_space<vmem_shared>> -> memref<128x128xf32, #tpu.memory_space<vmem_shared>>
      tpu.wait_dma2 semaphore(%run_scoped3A : memref<!tpu.dma_semaphore, #tpu.memory_space<semaphore_mem>>) src(%dma_wait3A_51 : memref<128x128xf32, #tpu.memory_space<vmem_shared>>) dst(%arg12 : memref<128x128xf32, #tpu.memory_space<vmem>>)
      tpu.yield
    }) : () -> ()
    "tpu.region"() ({
      %run_scoped3A = tpu.sem_alloc : memref<!tpu.dma_semaphore, #tpu.memory_space<semaphore_mem>>
      %dma_start3A = arith.constant 0 : i32
      %dma_start3A_46 = tpu.memref_slice %arg6[%arg0, %add3A_37, %dma_start3A] : memref<2x10240x128xf32, #tpu.memory_space<hbm>> -> memref<1x128x128xf32, #tpu.memory_space<hbm>>
      %dma_start3A_47 = tpu.memref_squeeze %dma_start3A_46 : memref<1x128x128xf32, #tpu.memory_space<hbm>> -> memref<128x128xf32, #tpu.memory_space<hbm>>
      %dma_start3A_48 = arith.constant 0 : i32
      %dma_start3A_49 = tpu.memref_slice %arg6[%arg0, %add3A_37, %dma_start3A_48] : memref<2x10240x128xf32, #tpu.memory_space<hbm>> -> memref<1x128x128xf32, #tpu.memory_space<hbm>>
      %dma_start3A_50 = tpu.memref_squeeze %dma_start3A_49 : memref<1x128x128xf32, #tpu.memory_space<hbm>> -> memref<128x128xf32, #tpu.memory_space<hbm>>
      tpu.enqueue_dma source(%arg12 : memref<128x128xf32, #tpu.memory_space<vmem>>) target(%dma_start3A_50 : memref<128x128xf32, #tpu.memory_space<hbm>>) target_semaphore(%run_scoped3A : memref<!tpu.dma_semaphore, #tpu.memory_space<semaphore_mem>>)
      %dma_wait3A = arith.constant 0 : i32
      %dma_wait3A_51 = tpu.memref_slice %arg6[%arg0, %add3A_37, %dma_wait3A] : memref<2x10240x128xf32, #tpu.memory_space<hbm>> -> memref<1x128x128xf32, #tpu.memory_space<hbm>>
      %dma_wait3A_52 = tpu.memref_squeeze %dma_wait3A_51 : memref<1x128x128xf32, #tpu.memory_space<hbm>> -> memref<128x128xf32, #tpu.memory_space<hbm>>
      %dma_wait3A_53 = arith.constant 0 : i32
      %dma_wait3A_54 = tpu.memref_slice %arg6[%arg0, %add3A_37, %dma_wait3A_53] : memref<2x10240x128xf32, #tpu.memory_space<hbm>> -> memref<1x128x128xf32, #tpu.memory_space<hbm>>
      %dma_wait3A_55 = tpu.memref_squeeze %dma_wait3A_54 : memref<1x128x128xf32, #tpu.memory_space<hbm>> -> memref<128x128xf32, #tpu.memory_space<hbm>>
      tpu.wait_dma2 semaphore(%run_scoped3A : memref<!tpu.dma_semaphore, #tpu.memory_space<semaphore_mem>>) src(%arg12 : memref<128x128xf32, #tpu.memory_space<vmem>>) dst(%dma_wait3A_55 : memref<128x128xf32, #tpu.memory_space<hbm>>)
      tpu.yield
    }) : () -> ()
    %mul3A_38 = arith.constant 640 : i32
    %mul3A_39 = arith.muli %arg1, %mul3A_38 : i32
    %add3A_40 = arith.constant 384 : i32
    %add3A_41 = arith.addi %mul3A_39, %add3A_40 : i32
    "tpu.region"() ({
      %run_scoped3A = tpu.sem_alloc : memref<!tpu.dma_semaphore, #tpu.memory_space<semaphore_mem>>
      %dma_start3A = arith.constant 0 : i32
      %dma_start3A_46 = tpu.memref_slice %arg7[%add3A_41, %dma_start3A] : memref<10240x128xf32, #tpu.memory_space<vmem_shared>> -> memref<128x128xf32, #tpu.memory_space<vmem_shared>>
      %dma_start3A_47 = arith.constant 0 : i32
      %dma_start3A_48 = tpu.memref_slice %arg7[%add3A_41, %dma_start3A_47] : memref<10240x128xf32, #tpu.memory_space<vmem_shared>> -> memref<128x128xf32, #tpu.memory_space<vmem_shared>>
      tpu.enqueue_dma source(%dma_start3A_48 : memref<128x128xf32, #tpu.memory_space<vmem_shared>>) target(%arg12 : memref<128x128xf32, #tpu.memory_space<vmem>>) target_semaphore(%run_scoped3A : memref<!tpu.dma_semaphore, #tpu.memory_space<semaphore_mem>>)
      %dma_wait3A = arith.constant 0 : i32
      %dma_wait3A_49 = tpu.memref_slice %arg7[%add3A_41, %dma_wait3A] : memref<10240x128xf32, #tpu.memory_space<vmem_shared>> -> memref<128x128xf32, #tpu.memory_space<vmem_shared>>
      %dma_wait3A_50 = arith.constant 0 : i32
      %dma_wait3A_51 = tpu.memref_slice %arg7[%add3A_41, %dma_wait3A_50] : memref<10240x128xf32, #tpu.memory_space<vmem_shared>> -> memref<128x128xf32, #tpu.memory_space<vmem_shared>>
      tpu.wait_dma2 semaphore(%run_scoped3A : memref<!tpu.dma_semaphore, #tpu.memory_space<semaphore_mem>>) src(%dma_wait3A_51 : memref<128x128xf32, #tpu.memory_space<vmem_shared>>) dst(%arg12 : memref<128x128xf32, #tpu.memory_space<vmem>>)
      tpu.yield
    }) : () -> ()
    "tpu.region"() ({
      %run_scoped3A = tpu.sem_alloc : memref<!tpu.dma_semaphore, #tpu.memory_space<semaphore_mem>>
      %dma_start3A = arith.constant 0 : i32
      %dma_start3A_46 = tpu.memref_slice %arg6[%arg0, %add3A_41, %dma_start3A] : memref<2x10240x128xf32, #tpu.memory_space<hbm>> -> memref<1x128x128xf32, #tpu.memory_space<hbm>>
      %dma_start3A_47 = tpu.memref_squeeze %dma_start3A_46 : memref<1x128x128xf32, #tpu.memory_space<hbm>> -> memref<128x128xf32, #tpu.memory_space<hbm>>
      %dma_start3A_48 = arith.constant 0 : i32
      %dma_start3A_49 = tpu.memref_slice %arg6[%arg0, %add3A_41, %dma_start3A_48] : memref<2x10240x128xf32, #tpu.memory_space<hbm>> -> memref<1x128x128xf32, #tpu.memory_space<hbm>>
      %dma_start3A_50 = tpu.memref_squeeze %dma_start3A_49 : memref<1x128x128xf32, #tpu.memory_space<hbm>> -> memref<128x128xf32, #tpu.memory_space<hbm>>
      tpu.enqueue_dma source(%arg12 : memref<128x128xf32, #tpu.memory_space<vmem>>) target(%dma_start3A_50 : memref<128x128xf32, #tpu.memory_space<hbm>>) target_semaphore(%run_scoped3A : memref<!tpu.dma_semaphore, #tpu.memory_space<semaphore_mem>>)
      %dma_wait3A = arith.constant 0 : i32
      %dma_wait3A_51 = tpu.memref_slice %arg6[%arg0, %add3A_41, %dma_wait3A] : memref<2x10240x128xf32, #tpu.memory_space<hbm>> -> memref<1x128x128xf32, #tpu.memory_space<hbm>>
      %dma_wait3A_52 = tpu.memref_squeeze %dma_wait3A_51 : memref<1x128x128xf32, #tpu.memory_space<hbm>> -> memref<128x128xf32, #tpu.memory_space<hbm>>
      %dma_wait3A_53 = arith.constant 0 : i32
      %dma_wait3A_54 = tpu.memref_slice %arg6[%arg0, %add3A_41, %dma_wait3A_53] : memref<2x10240x128xf32, #tpu.memory_space<hbm>> -> memref<1x128x128xf32, #tpu.memory_space<hbm>>
      %dma_wait3A_55 = tpu.memref_squeeze %dma_wait3A_54 : memref<1x128x128xf32, #tpu.memory_space<hbm>> -> memref<128x128xf32, #tpu.memory_space<hbm>>
      tpu.wait_dma2 semaphore(%run_scoped3A : memref<!tpu.dma_semaphore, #tpu.memory_space<semaphore_mem>>) src(%arg12 : memref<128x128xf32, #tpu.memory_space<vmem>>) dst(%dma_wait3A_55 : memref<128x128xf32, #tpu.memory_space<hbm>>)
      tpu.yield
    }) : () -> ()
    %mul3A_42 = arith.constant 640 : i32
    %mul3A_43 = arith.muli %arg1, %mul3A_42 : i32
    %add3A_44 = arith.constant 512 : i32
    %add3A_45 = arith.addi %mul3A_43, %add3A_44 : i32
    "tpu.region"() ({
      %run_scoped3A = tpu.sem_alloc : memref<!tpu.dma_semaphore, #tpu.memory_space<semaphore_mem>>
      %dma_start3A = arith.constant 0 : i32
      %dma_start3A_46 = tpu.memref_slice %arg7[%add3A_45, %dma_start3A] : memref<10240x128xf32, #tpu.memory_space<vmem_shared>> -> memref<128x128xf32, #tpu.memory_space<vmem_shared>>
      %dma_start3A_47 = arith.constant 0 : i32
      %dma_start3A_48 = tpu.memref_slice %arg7[%add3A_45, %dma_start3A_47] : memref<10240x128xf32, #tpu.memory_space<vmem_shared>> -> memref<128x128xf32, #tpu.memory_space<vmem_shared>>
      tpu.enqueue_dma source(%dma_start3A_48 : memref<128x128xf32, #tpu.memory_space<vmem_shared>>) target(%arg12 : memref<128x128xf32, #tpu.memory_space<vmem>>) target_semaphore(%run_scoped3A : memref<!tpu.dma_semaphore, #tpu.memory_space<semaphore_mem>>)
      %dma_wait3A = arith.constant 0 : i32
      %dma_wait3A_49 = tpu.memref_slice %arg7[%add3A_45, %dma_wait3A] : memref<10240x128xf32, #tpu.memory_space<vmem_shared>> -> memref<128x128xf32, #tpu.memory_space<vmem_shared>>
      %dma_wait3A_50 = arith.constant 0 : i32
      %dma_wait3A_51 = tpu.memref_slice %arg7[%add3A_45, %dma_wait3A_50] : memref<10240x128xf32, #tpu.memory_space<vmem_shared>> -> memref<128x128xf32, #tpu.memory_space<vmem_shared>>
      tpu.wait_dma2 semaphore(%run_scoped3A : memref<!tpu.dma_semaphore, #tpu.memory_space<semaphore_mem>>) src(%dma_wait3A_51 : memref<128x128xf32, #tpu.memory_space<vmem_shared>>) dst(%arg12 : memref<128x128xf32, #tpu.memory_space<vmem>>)
      tpu.yield
    }) : () -> ()
    "tpu.region"() ({
      %run_scoped3A = tpu.sem_alloc : memref<!tpu.dma_semaphore, #tpu.memory_space<semaphore_mem>>
      %dma_start3A = arith.constant 0 : i32
      %dma_start3A_46 = tpu.memref_slice %arg6[%arg0, %add3A_45, %dma_start3A] : memref<2x10240x128xf32, #tpu.memory_space<hbm>> -> memref<1x128x128xf32, #tpu.memory_space<hbm>>
      %dma_start3A_47 = tpu.memref_squeeze %dma_start3A_46 : memref<1x128x128xf32, #tpu.memory_space<hbm>> -> memref<128x128xf32, #tpu.memory_space<hbm>>
      %dma_start3A_48 = arith.constant 0 : i32
      %dma_start3A_49 = tpu.memref_slice %arg6[%arg0, %add3A_45, %dma_start3A_48] : memref<2x10240x128xf32, #tpu.memory_space<hbm>> -> memref<1x128x128xf32, #tpu.memory_space<hbm>>
      %dma_start3A_50 = tpu.memref_squeeze %dma_start3A_49 : memref<1x128x128xf32, #tpu.memory_space<hbm>> -> memref<128x128xf32, #tpu.memory_space<hbm>>
      tpu.enqueue_dma source(%arg12 : memref<128x128xf32, #tpu.memory_space<vmem>>) target(%dma_start3A_50 : memref<128x128xf32, #tpu.memory_space<hbm>>) target_semaphore(%run_scoped3A : memref<!tpu.dma_semaphore, #tpu.memory_space<semaphore_mem>>)
      %dma_wait3A = arith.constant 0 : i32
      %dma_wait3A_51 = tpu.memref_slice %arg6[%arg0, %add3A_45, %dma_wait3A] : memref<2x10240x128xf32, #tpu.memory_space<hbm>> -> memref<1x128x128xf32, #tpu.memory_space<hbm>>
      %dma_wait3A_52 = tpu.memref_squeeze %dma_wait3A_51 : memref<1x128x128xf32, #tpu.memory_space<hbm>> -> memref<128x128xf32, #tpu.memory_space<hbm>>
      %dma_wait3A_53 = arith.constant 0 : i32
      %dma_wait3A_54 = tpu.memref_slice %arg6[%arg0, %add3A_45, %dma_wait3A_53] : memref<2x10240x128xf32, #tpu.memory_space<hbm>> -> memref<1x128x128xf32, #tpu.memory_space<hbm>>
      %dma_wait3A_55 = tpu.memref_squeeze %dma_wait3A_54 : memref<1x128x128xf32, #tpu.memory_space<hbm>> -> memref<128x128xf32, #tpu.memory_space<hbm>>
      tpu.wait_dma2 semaphore(%run_scoped3A : memref<!tpu.dma_semaphore, #tpu.memory_space<semaphore_mem>>) src(%arg12 : memref<128x128xf32, #tpu.memory_space<vmem>>) dst(%dma_wait3A_55 : memref<128x128xf32, #tpu.memory_space<hbm>>)
      tpu.yield
    }) : () -> ()
    return
  }
}

module attributes {stable_mosaic.version = 14 : i64} {
  func.func @body(%arg0: i32, %arg1: i32, %arg2: memref<2x1280x128xf32, #tpu.memory_space<vmem>>, %arg3: memref<1280x128xf32, #tpu.memory_space<vmem>>, %arg4: memref<1x128x128xf32, #tpu.memory_space<vmem>>, %arg5: memref<1x1280x128xf32, #tpu.memory_space<vmem>>, %arg6: memref<1280x1xf32, #tpu.memory_space<vmem>>) attributes {dimension_semantics = [#tpu.dimension_semantics<arbitrary>, #tpu.dimension_semantics<arbitrary>], iteration_bounds = array<i64: 8, 2>, scalar_prefetch = 0 : i64, scratch_operands = 0 : i64, tpu.core_type = #tpu.core_type<tc>, window_params = [{transform_indices = @transform_0, window_bounds = array<i64: 2, 1280, 128>}, {transform_indices = @transform_1, window_bounds = array<i64: 1280, 128>}, {transform_indices = @transform_2, window_bounds = array<i64: 1, 128, 128>}, {transform_indices = @transform_3, window_bounds = array<i64: 1, 1280, 128>}, {transform_indices = @transform_4, window_bounds = array<i64: 1280, 1>}]} {
    %get3A = arith.constant 0 : index
    %get3A_0 = arith.constant 0 : index
    %get3A_1 = arith.constant 0 : index
    %get3A_2 = vector.load %arg2[%get3A, %get3A_0, %get3A_1] : memref<2x1280x128xf32, #tpu.memory_space<vmem>>, vector<1x1280x1xf32>
    %get3A_3 = vector.shape_cast %get3A_2 : vector<1x1280x1xf32> to vector<1280x1xf32>
    %get3A_4 = arith.constant 1 : index
    %get3A_5 = arith.constant 0 : index
    %get3A_6 = arith.constant 0 : index
    %get3A_7 = vector.load %arg2[%get3A_4, %get3A_5, %get3A_6] : memref<2x1280x128xf32, #tpu.memory_space<vmem>>, vector<1x1280x1xf32>
    %get3A_8 = vector.shape_cast %get3A_7 : vector<1x1280x1xf32> to vector<1280x1xf32>
    %add3A = arith.addf %get3A_3, %get3A_8 : vector<1280x1xf32>
    %add3A_9 = arith.constant 1.000000e+00 : f32
    %add3A_10 = vector.broadcast %add3A_9 : f32 to vector<1280x1xf32>
    %add3A_11 = arith.addf %add3A, %add3A_10 : vector<1280x1xf32>
    %rsqrt3A = math.rsqrt %add3A_11 : vector<1280x1xf32>
    %swap3A = arith.constant 0 : index
    %swap3A_12 = arith.constant 0 : index
    %swap3A_13 = vector.load %arg6[%swap3A, %swap3A_12] : memref<1280x1xf32, #tpu.memory_space<vmem>>, vector<1280x1xf32>
    tpu.vector_store %arg6[%swap3A, %swap3A_12], %rsqrt3A {strides = array<i32>} : memref<1280x1xf32, #tpu.memory_space<vmem>>, vector<1280x1xf32>,
    %get3A_14 = arith.constant 0 : index
    %get3A_15 = arith.constant 0 : index
    %get3A_16 = vector.load %arg3[%get3A_14, %get3A_15] : memref<1280x128xf32, #tpu.memory_space<vmem>>, vector<1280x128xf32>
    %get3A_17 = arith.constant 0 : index
    %get3A_18 = arith.constant 0 : index
    %get3A_19 = arith.constant 0 : index
    %get3A_20 = vector.load %arg4[%get3A_17, %get3A_18, %get3A_19] : memref<1x128x128xf32, #tpu.memory_space<vmem>>, vector<1x128x128xf32>
    %get3A_21 = vector.shape_cast %get3A_20 : vector<1x128x128xf32> to vector<128x128xf32>
    %dot_general3A = arith.constant dense<0.000000e+00> : vector<1280x128xf32>
    %dot_general3A_22 = tpu.matmul %get3A_16, %get3A_21, %dot_general3A {dimension_numbers = #tpu.dot_dimension_numbers<[1], [0], [0], [1], [0, 0, 1, 1], [], []>, transpose_lhs_hint = false} : vector<1280x128xf32>, vector<128x128xf32>, vector<1280x128xf32> -> vector<1280x128xf32>
    %mul3A = vector.broadcast %rsqrt3A : vector<1280x1xf32> to vector<1280x128xf32>
    %mul3A_23 = arith.mulf %mul3A, %dot_general3A_22 : vector<1280x128xf32>
    %broadcast_in_dim3A = vector.shape_cast %mul3A_23 : vector<1280x128xf32> to vector<1x1280x128xf32>
    %swap3A_24 = arith.constant 0 : index
    %swap3A_25 = arith.constant 0 : index
    %swap3A_26 = arith.constant 0 : index
    %swap3A_27 = vector.load %arg5[%swap3A_24, %swap3A_25, %swap3A_26] : memref<1x1280x128xf32, #tpu.memory_space<vmem>>, vector<1x1280x128xf32>
    tpu.vector_store %arg5[%swap3A_24, %swap3A_25, %swap3A_26], %broadcast_in_dim3A {strides = array<i32>} : memref<1x1280x128xf32, #tpu.memory_space<vmem>>, vector<1x1280x128xf32>,
    return
  }
  func.func @transform_0(%arg0: i32, %arg1: i32) -> (i32, i32, i32) {
    %c0_i32 = arith.constant 0 : i32
    %c0_i32_0 = arith.constant 0 : i32
    %c0_i32_1 = arith.constant 0 : i32
    return %c0_i32, %arg0, %c0_i32_0 : i32, i32, i32
  }
  func.func @transform_1(%arg0: i32, %arg1: i32) -> (i32, i32) {
    %c0_i32 = arith.constant 0 : i32
    %c0_i32_0 = arith.constant 0 : i32
    return %arg0, %c0_i32 : i32, i32
  }
  func.func @transform_2(%arg0: i32, %arg1: i32) -> (i32, i32, i32) {
    %c0_i32 = arith.constant 0 : i32
    %c0_i32_0 = arith.constant 0 : i32
    %c0_i32_1 = arith.constant 0 : i32
    return %arg1, %c0_i32, %c0_i32_0 : i32, i32, i32
  }
  func.func @transform_3(%arg0: i32, %arg1: i32) -> (i32, i32, i32) {
    %c0_i32 = arith.constant 0 : i32
    %c0_i32_0 = arith.constant 0 : i32
    return %arg1, %arg0, %c0_i32 : i32, i32, i32
  }
  func.func @transform_4(%arg0: i32, %arg1: i32) -> (i32, i32) {
    %c0_i32 = arith.constant 0 : i32
    %c0_i32_0 = arith.constant 0 : i32
    return %arg0, %c0_i32 : i32, i32
  }
}

module attributes {stable_mosaic.version = 14 : i64} {
  func.func @body(%arg0: i32, %arg1: i32, %arg2: memref<2x1280x128xf32, #tpu.memory_space<vmem>>, %arg3: memref<2x1280x128xf32, #tpu.memory_space<vmem>>, %arg4: memref<1280x1xf32, #tpu.memory_space<vmem>>, %arg5: memref<2x128xf32, #tpu.memory_space<vmem>>, %arg6: memref<2x1x128x128xf32, #tpu.memory_space<vmem>>, %arg7: memref<1x1280x128xf32, #tpu.memory_space<vmem>>) attributes {dimension_semantics = [#tpu.dimension_semantics<arbitrary>, #tpu.dimension_semantics<arbitrary>], iteration_bounds = array<i64: 8, 2>, scalar_prefetch = 0 : i64, scratch_operands = 0 : i64, tpu.core_type = #tpu.core_type<tc>, window_params = [{transform_indices = @transform_0, window_bounds = array<i64: 2, 1280, 128>}, {transform_indices = @transform_1, window_bounds = array<i64: 2, 1280, 128>}, {transform_indices = @transform_2, window_bounds = array<i64: 1280, 1>}, {pipeline_mode = #tpu.pipeline_mode<synchronous>, transform_indices = @transform_3, window_bounds = array<i64: 2, 128>}, {transform_indices = @transform_4, window_bounds = array<i64: 2, 1, 128, 128>}, {transform_indices = @transform_5, window_bounds = array<i64: 1, 1280, 128>}]} {
    %get3A = arith.constant 0 : index
    %get3A_0 = arith.constant 0 : index
    %get3A_1 = vector.load %arg4[%get3A, %get3A_0] : memref<1280x1xf32, #tpu.memory_space<vmem>>, vector<1280x1xf32>
    %get3A_2 = arith.constant 0 : index
    %get3A_3 = arith.constant 0 : index
    %get3A_4 = arith.constant 0 : index
    %get3A_5 = vector.load %arg2[%get3A_2, %get3A_3, %get3A_4] : memref<2x1280x128xf32, #tpu.memory_space<vmem>>, vector<1x1280x128xf32>
    %get3A_6 = vector.shape_cast %get3A_5 : vector<1x1280x128xf32> to vector<1280x128xf32>
    %get3A_7 = arith.constant 0 : index
    %get3A_8 = arith.constant 0 : index
    %get3A_9 = arith.constant 0 : index
    %get3A_10 = vector.load %arg3[%get3A_7, %get3A_8, %get3A_9] : memref<2x1280x128xf32, #tpu.memory_space<vmem>>, vector<1x1280x128xf32>
    %get3A_11 = vector.shape_cast %get3A_10 : vector<1x1280x128xf32> to vector<1280x128xf32>
    %add3A = arith.addf %get3A_6, %get3A_11 : vector<1280x128xf32>
    %mul3A = vector.broadcast %get3A_1 : vector<1280x1xf32> to vector<1280x128xf32>
    %mul3A_12 = arith.mulf %mul3A, %add3A : vector<1280x128xf32>
    %get3A_13 = arith.constant 0 : index
    %get3A_14 = arith.constant 0 : index
    %get3A_15 = vector.load %arg5[%get3A_13, %get3A_14] : memref<2x128xf32, #tpu.memory_space<vmem>>, vector<1x128xf32>
    %add3A_16 = vector.broadcast %get3A_15 : vector<1x128xf32> to vector<1280x128xf32>
    %add3A_17 = arith.addf %mul3A_12, %add3A_16 : vector<1280x128xf32>
    %max3A = arith.constant 0.000000e+00 : f32
    %max3A_18 = vector.broadcast %max3A : f32 to vector<1280x128xf32>
    %max3A_19 = arith.maximumf %add3A_17, %max3A_18 : vector<1280x128xf32>
    %get3A_20 = arith.constant 1 : index
    %get3A_21 = arith.constant 0 : index
    %get3A_22 = arith.constant 0 : index
    %get3A_23 = vector.load %arg2[%get3A_20, %get3A_21, %get3A_22] : memref<2x1280x128xf32, #tpu.memory_space<vmem>>, vector<1x1280x128xf32>
    %get3A_24 = vector.shape_cast %get3A_23 : vector<1x1280x128xf32> to vector<1280x128xf32>
    %get3A_25 = arith.constant 1 : index
    %get3A_26 = arith.constant 0 : index
    %get3A_27 = arith.constant 0 : index
    %get3A_28 = vector.load %arg3[%get3A_25, %get3A_26, %get3A_27] : memref<2x1280x128xf32, #tpu.memory_space<vmem>>, vector<1x1280x128xf32>
    %get3A_29 = vector.shape_cast %get3A_28 : vector<1x1280x128xf32> to vector<1280x128xf32>
    %add3A_30 = arith.addf %get3A_24, %get3A_29 : vector<1280x128xf32>
    %mul3A_31 = vector.broadcast %get3A_1 : vector<1280x1xf32> to vector<1280x128xf32>
    %mul3A_32 = arith.mulf %mul3A_31, %add3A_30 : vector<1280x128xf32>
    %get3A_33 = arith.constant 1 : index
    %get3A_34 = arith.constant 0 : index
    %get3A_35 = vector.load %arg5[%get3A_33, %get3A_34] : memref<2x128xf32, #tpu.memory_space<vmem>>, vector<1x128xf32>
    %add3A_36 = vector.broadcast %get3A_35 : vector<1x128xf32> to vector<1280x128xf32>
    %add3A_37 = arith.addf %mul3A_32, %add3A_36 : vector<1280x128xf32>
    %max3A_38 = arith.constant 0.000000e+00 : f32
    %max3A_39 = vector.broadcast %max3A_38 : f32 to vector<1280x128xf32>
    %max3A_40 = arith.maximumf %add3A_37, %max3A_39 : vector<1280x128xf32>
    %get3A_41 = arith.constant 0 : index
    %get3A_42 = arith.constant 0 : index
    %get3A_43 = arith.constant 0 : index
    %get3A_44 = arith.constant 0 : index
    %get3A_45 = vector.load %arg6[%get3A_41, %get3A_42, %get3A_43, %get3A_44] : memref<2x1x128x128xf32, #tpu.memory_space<vmem>>, vector<1x1x128x128xf32>
    %get3A_46 = vector.shape_cast %get3A_45 : vector<1x1x128x128xf32> to vector<128x128xf32>
    %dot_general3A = arith.constant dense<0.000000e+00> : vector<1280x128xf32>
    %dot_general3A_47 = tpu.matmul %max3A_19, %get3A_46, %dot_general3A {dimension_numbers = #tpu.dot_dimension_numbers<[1], [0], [0], [1], [0, 0, 1, 1], [], []>, transpose_lhs_hint = false} : vector<1280x128xf32>, vector<128x128xf32>, vector<1280x128xf32> -> vector<1280x128xf32>
    %get3A_48 = arith.constant 1 : index
    %get3A_49 = arith.constant 0 : index
    %get3A_50 = arith.constant 0 : index
    %get3A_51 = arith.constant 0 : index
    %get3A_52 = vector.load %arg6[%get3A_48, %get3A_49, %get3A_50, %get3A_51] : memref<2x1x128x128xf32, #tpu.memory_space<vmem>>, vector<1x1x128x128xf32>
    %get3A_53 = vector.shape_cast %get3A_52 : vector<1x1x128x128xf32> to vector<128x128xf32>
    %dot_general3A_54 = arith.constant dense<0.000000e+00> : vector<1280x128xf32>
    %dot_general3A_55 = tpu.matmul %max3A_40, %get3A_53, %dot_general3A_54 {dimension_numbers = #tpu.dot_dimension_numbers<[1], [0], [0], [1], [0, 0, 1, 1], [], []>, transpose_lhs_hint = false} : vector<1280x128xf32>, vector<128x128xf32>, vector<1280x128xf32> -> vector<1280x128xf32>
    %add3A_56 = arith.addf %dot_general3A_47, %dot_general3A_55 : vector<1280x128xf32>
    %mul3A_57 = vector.broadcast %get3A_1 : vector<1280x1xf32> to vector<1280x128xf32>
    %mul3A_58 = arith.mulf %mul3A_57, %add3A_56 : vector<1280x128xf32>
    %broadcast_in_dim3A = vector.shape_cast %mul3A_58 : vector<1280x128xf32> to vector<1x1280x128xf32>
    %swap3A = arith.constant 0 : index
    %swap3A_59 = arith.constant 0 : index
    %swap3A_60 = arith.constant 0 : index
    %swap3A_61 = vector.load %arg7[%swap3A, %swap3A_59, %swap3A_60] : memref<1x1280x128xf32, #tpu.memory_space<vmem>>, vector<1x1280x128xf32>
    tpu.vector_store %arg7[%swap3A, %swap3A_59, %swap3A_60], %broadcast_in_dim3A {strides = array<i32>} : memref<1x1280x128xf32, #tpu.memory_space<vmem>>, vector<1x1280x128xf32>,
    return
  }
  func.func @transform_0(%arg0: i32, %arg1: i32) -> (i32, i32, i32) {
    %c0_i32 = arith.constant 0 : i32
    %c0_i32_0 = arith.constant 0 : i32
    %c0_i32_1 = arith.constant 0 : i32
    return %c0_i32, %arg0, %c0_i32_0 : i32, i32, i32
  }
  func.func @transform_1(%arg0: i32, %arg1: i32) -> (i32, i32, i32) {
    %c0_i32 = arith.constant 0 : i32
    %c0_i32_0 = arith.constant 0 : i32
    %c0_i32_1 = arith.constant 0 : i32
    return %c0_i32, %arg0, %c0_i32_0 : i32, i32, i32
  }
  func.func @transform_2(%arg0: i32, %arg1: i32) -> (i32, i32) {
    %c0_i32 = arith.constant 0 : i32
    %c0_i32_0 = arith.constant 0 : i32
    return %arg0, %c0_i32 : i32, i32
  }
  func.func @transform_3(%arg0: i32, %arg1: i32) -> (i32, i32) {
    %c0_i32 = arith.constant 0 : i32
    %c0_i32_0 = arith.constant 0 : i32
    %c0_i32_1 = arith.constant 0 : i32
    return %c0_i32, %c0_i32_0 : i32, i32
  }
  func.func @transform_4(%arg0: i32, %arg1: i32) -> (i32, i32, i32, i32) {
    %c0_i32 = arith.constant 0 : i32
    %c0_i32_0 = arith.constant 0 : i32
    %c0_i32_1 = arith.constant 0 : i32
    %c0_i32_2 = arith.constant 0 : i32
    return %c0_i32, %arg1, %c0_i32_0, %c0_i32_1 : i32, i32, i32, i32
  }
  func.func @transform_5(%arg0: i32, %arg1: i32) -> (i32, i32, i32) {
    %c0_i32 = arith.constant 0 : i32
    %c0_i32_0 = arith.constant 0 : i32
    return %arg1, %arg0, %c0_i32 : i32, i32, i32
  }
}

module attributes {stable_mosaic.version = 14 : i64} {
  func.func @body(%arg0: i32, %arg1: memref<2x1280x128xf32, #tpu.memory_space<vmem>>, %arg2: memref<2x1280x128xf32, #tpu.memory_space<vmem>>, %arg3: memref<1280x1xf32, #tpu.memory_space<vmem>>, %arg4: memref<2x128xf32, #tpu.memory_space<vmem>>, %arg5: memref<1x1x1280xi32, #tpu.memory_space<vmem>>, %arg6: memref<256x128xf32, #tpu.memory_space<vmem>>, %arg7: memref<1x128xf32, #tpu.memory_space<vmem>>, %arg8: memref<64x128xf32, #tpu.memory_space<vmem>>, %arg9: memref<64x256xf32, #tpu.memory_space<vmem>>, %arg10: memref<64x128xf32, #tpu.memory_space<vmem>>) attributes {dimension_semantics = [#tpu.dimension_semantics<arbitrary>], iteration_bounds = array<i64: 8>, scalar_prefetch = 0 : i64, scratch_operands = 2 : i64, tpu.core_type = #tpu.core_type<tc>, window_params = [{transform_indices = @transform_0, window_bounds = array<i64: 2, 1280, 128>}, {transform_indices = @transform_1, window_bounds = array<i64: 2, 1280, 128>}, {transform_indices = @transform_2, window_bounds = array<i64: 1280, 1>}, {pipeline_mode = #tpu.pipeline_mode<synchronous>, transform_indices = @transform_3, window_bounds = array<i64: 2, 128>}, {transform_indices = @transform_4, window_bounds = array<i64: 1, 1, 1280>}, {pipeline_mode = #tpu.pipeline_mode<synchronous>, transform_indices = @transform_5, window_bounds = array<i64: 256, 128>}, {pipeline_mode = #tpu.pipeline_mode<synchronous>, transform_indices = @transform_6, window_bounds = array<i64: 1, 128>}, {pipeline_mode = #tpu.pipeline_mode<synchronous>, transform_indices = @transform_7, window_bounds = array<i64: 64, 128>}]} {
    %eq3A = arith.constant 0 : i32
    %eq3A_0 = arith.cmpi eq, %arg0, %eq3A : i32
    %convert_element_type3A = arith.extui %eq3A_0 : i1 to i32
    %cond3A = arith.constant 0 : i32
    %cond3A_1 = arith.cmpi ne, %convert_element_type3A, %cond3A : i32
    scf.if %cond3A_1 {
      %broadcast_in_dim3A_79 = arith.constant 0.000000e+00 : f32
      %broadcast_in_dim3A_80 = vector.broadcast %broadcast_in_dim3A_79 : f32 to vector<64x256xf32>
      %swap3A_81 = arith.constant 0 : index
      %swap3A_82 = arith.constant 0 : index
      %swap3A_83 = vector.load %arg9[%swap3A_81, %swap3A_82] : memref<64x256xf32, #tpu.memory_space<vmem>>, vector<64x256xf32>
      tpu.vector_store %arg9[%swap3A_81, %swap3A_82], %broadcast_in_dim3A_80 {strides = array<i32>} : memref<64x256xf32, #tpu.memory_space<vmem>>, vector<64x256xf32>,
      %broadcast_in_dim3A_84 = arith.constant 0.000000e+00 : f32
      %broadcast_in_dim3A_85 = vector.broadcast %broadcast_in_dim3A_84 : f32 to vector<64x128xf32>
      %swap3A_86 = arith.constant 0 : index
      %swap3A_87 = arith.constant 0 : index
      %swap3A_88 = vector.load %arg10[%swap3A_86, %swap3A_87] : memref<64x128xf32, #tpu.memory_space<vmem>>, vector<64x128xf32>
      tpu.vector_store %arg10[%swap3A_86, %swap3A_87], %broadcast_in_dim3A_85 {strides = array<i32>} : memref<64x128xf32, #tpu.memory_space<vmem>>, vector<64x128xf32>,
    } else {
    }
    %get3A = arith.constant 0 : index
    %get3A_2 = arith.constant 0 : index
    %get3A_3 = vector.load %arg3[%get3A, %get3A_2] : memref<1280x1xf32, #tpu.memory_space<vmem>>, vector<1280x1xf32>
    %get3A_4 = arith.constant 0 : index
    %get3A_5 = arith.constant 0 : index
    %get3A_6 = arith.constant 0 : index
    %get3A_7 = vector.load %arg1[%get3A_4, %get3A_5, %get3A_6] : memref<2x1280x128xf32, #tpu.memory_space<vmem>>, vector<1x1280x128xf32>
    %get3A_8 = vector.shape_cast %get3A_7 : vector<1x1280x128xf32> to vector<1280x128xf32>
    %get3A_9 = arith.constant 0 : index
    %get3A_10 = arith.constant 0 : index
    %get3A_11 = arith.constant 0 : index
    %get3A_12 = vector.load %arg2[%get3A_9, %get3A_10, %get3A_11] : memref<2x1280x128xf32, #tpu.memory_space<vmem>>, vector<1x1280x128xf32>
    %get3A_13 = vector.shape_cast %get3A_12 : vector<1x1280x128xf32> to vector<1280x128xf32>
    %add3A = arith.addf %get3A_8, %get3A_13 : vector<1280x128xf32>
    %mul3A = vector.broadcast %get3A_3 : vector<1280x1xf32> to vector<1280x128xf32>
    %mul3A_14 = arith.mulf %mul3A, %add3A : vector<1280x128xf32>
    %get3A_15 = arith.constant 0 : index
    %get3A_16 = arith.constant 0 : index
    %get3A_17 = vector.load %arg4[%get3A_15, %get3A_16] : memref<2x128xf32, #tpu.memory_space<vmem>>, vector<1x128xf32>
    %add3A_18 = vector.broadcast %get3A_17 : vector<1x128xf32> to vector<1280x128xf32>
    %add3A_19 = arith.addf %mul3A_14, %add3A_18 : vector<1280x128xf32>
    %get3A_20 = arith.constant 1 : index
    %get3A_21 = arith.constant 0 : index
    %get3A_22 = arith.constant 0 : index
    %get3A_23 = vector.load %arg1[%get3A_20, %get3A_21, %get3A_22] : memref<2x1280x128xf32, #tpu.memory_space<vmem>>, vector<1x1280x128xf32>
    %get3A_24 = vector.shape_cast %get3A_23 : vector<1x1280x128xf32> to vector<1280x128xf32>
    %get3A_25 = arith.constant 1 : index
    %get3A_26 = arith.constant 0 : index
    %get3A_27 = arith.constant 0 : index
    %get3A_28 = vector.load %arg2[%get3A_25, %get3A_26, %get3A_27] : memref<2x1280x128xf32, #tpu.memory_space<vmem>>, vector<1x1280x128xf32>
    %get3A_29 = vector.shape_cast %get3A_28 : vector<1x1280x128xf32> to vector<1280x128xf32>
    %add3A_30 = arith.addf %get3A_24, %get3A_29 : vector<1280x128xf32>
    %mul3A_31 = vector.broadcast %get3A_3 : vector<1280x1xf32> to vector<1280x128xf32>
    %mul3A_32 = arith.mulf %mul3A_31, %add3A_30 : vector<1280x128xf32>
    %get3A_33 = arith.constant 1 : index
    %get3A_34 = arith.constant 0 : index
    %get3A_35 = vector.load %arg4[%get3A_33, %get3A_34] : memref<2x128xf32, #tpu.memory_space<vmem>>, vector<1x128xf32>
    %add3A_36 = vector.broadcast %get3A_35 : vector<1x128xf32> to vector<1280x128xf32>
    %add3A_37 = arith.addf %mul3A_32, %add3A_36 : vector<1280x128xf32>
    %get3A_38 = arith.constant 0 : index
    %get3A_39 = arith.constant 0 : index
    %get3A_40 = arith.constant 0 : index
    %get3A_41 = vector.load %arg5[%get3A_38, %get3A_39, %get3A_40] : memref<1x1x1280xi32, #tpu.memory_space<vmem>>, vector<1x1x1280xi32>
    %get3A_42 = vector.shape_cast %get3A_41 : vector<1x1x1280xi32> to vector<1x1280xi32>
    %iota3A = tpu.iota {dimensions = array<i32: 0>} : vector<64x1280xi32>
    %broadcast_in_dim3A = vector.shape_cast %get3A_42 : vector<1x1280xi32> to vector<1x1280xi32>
    %broadcast_in_dim3A_43 = vector.broadcast %broadcast_in_dim3A : vector<1x1280xi32> to vector<64x1280xi32>
    %eq3A_44 = arith.cmpi eq, %broadcast_in_dim3A_43, %iota3A : vector<64x1280xi32>
    %convert_element_type3A_45 = arith.extui %eq3A_44 : vector<64x1280xi1> to vector<64x1280xi32>
    %convert_element_type3A_46 = arith.sitofp %convert_element_type3A_45 : vector<64x1280xi32> to vector<64x1280xf32>
    %get3A_47 = arith.constant 0 : index
    %get3A_48 = arith.constant 0 : index
    %get3A_49 = vector.load %arg9[%get3A_47, %get3A_48] : memref<64x256xf32, #tpu.memory_space<vmem>>, vector<64x128xf32>
    %dot_general3A = arith.constant dense<0.000000e+00> : vector<64x128xf32>
    %dot_general3A_50 = tpu.matmul %convert_element_type3A_46, %add3A_19, %dot_general3A {dimension_numbers = #tpu.dot_dimension_numbers<[1], [0], [0], [1], [0, 0, 1, 1], [], []>, transpose_lhs_hint = false} : vector<64x1280xf32>, vector<1280x128xf32>, vector<64x128xf32> -> vector<64x128xf32>
    %add3A_51 = arith.addf %get3A_49, %dot_general3A_50 : vector<64x128xf32>
    %swap3A = arith.constant 0 : index
    %swap3A_52 = arith.constant 0 : index
    %swap3A_53 = vector.load %arg9[%swap3A, %swap3A_52] : memref<64x256xf32, #tpu.memory_space<vmem>>, vector<64x128xf32>
    tpu.vector_store %arg9[%swap3A, %swap3A_52], %add3A_51 {strides = array<i32>} : memref<64x256xf32, #tpu.memory_space<vmem>>, vector<64x128xf32>,
    %get3A_54 = arith.constant 0 : index
    %get3A_55 = arith.constant 128 : index
    %get3A_56 = vector.load %arg9[%get3A_54, %get3A_55] : memref<64x256xf32, #tpu.memory_space<vmem>>, vector<64x128xf32>
    %dot_general3A_57 = arith.constant dense<0.000000e+00> : vector<64x128xf32>
    %dot_general3A_58 = tpu.matmul %convert_element_type3A_46, %add3A_37, %dot_general3A_57 {dimension_numbers = #tpu.dot_dimension_numbers<[1], [0], [0], [1], [0, 0, 1, 1], [], []>, transpose_lhs_hint = false} : vector<64x1280xf32>, vector<1280x128xf32>, vector<64x128xf32> -> vector<64x128xf32>
    %add3A_59 = arith.addf %get3A_56, %dot_general3A_58 : vector<64x128xf32>
    %swap3A_60 = arith.constant 0 : index
    %swap3A_61 = arith.constant 128 : index
    %swap3A_62 = vector.load %arg9[%swap3A_60, %swap3A_61] : memref<64x256xf32, #tpu.memory_space<vmem>>, vector<64x128xf32>
    tpu.vector_store %arg9[%swap3A_60, %swap3A_61], %add3A_59 {strides = array<i32>} : memref<64x256xf32, #tpu.memory_space<vmem>>, vector<64x128xf32>,
    %get3A_63 = arith.constant 0 : index
    %get3A_64 = arith.constant 0 : index
    %get3A_65 = vector.load %arg10[%get3A_63, %get3A_64] : memref<64x128xf32, #tpu.memory_space<vmem>>, vector<64x128xf32>
    %reduce_sum3A = arith.constant dense<0.000000e+00> : vector<64xf32>
    %reduce_sum3A_66 = vector.multi_reduction <add>, %convert_element_type3A_46, %reduce_sum3A [1] : vector<64x1280xf32> to vector<64xf32>
    %broadcast_in_dim3A_67 = vector.shape_cast %reduce_sum3A_66 : vector<64xf32> to vector<64x1xf32>
    %broadcast_in_dim3A_68 = vector.shape_cast %broadcast_in_dim3A_67 : vector<64x1xf32> to vector<64x1xf32>
    %broadcast_in_dim3A_69 = vector.broadcast %broadcast_in_dim3A_68 : vector<64x1xf32> to vector<64x128xf32>
    %add3A_70 = arith.addf %get3A_65, %broadcast_in_dim3A_69 : vector<64x128xf32>
    %swap3A_71 = arith.constant 0 : index
    %swap3A_72 = arith.constant 0 : index
    %swap3A_73 = vector.load %arg10[%swap3A_71, %swap3A_72] : memref<64x128xf32, #tpu.memory_space<vmem>>, vector<64x128xf32>
    tpu.vector_store %arg10[%swap3A_71, %swap3A_72], %add3A_70 {strides = array<i32>} : memref<64x128xf32, #tpu.memory_space<vmem>>, vector<64x128xf32>,
    %eq3A_74 = arith.constant 7 : i32
    %eq3A_75 = arith.cmpi eq, %arg0, %eq3A_74 : i32
    %convert_element_type3A_76 = arith.extui %eq3A_75 : i1 to i32
    %cond3A_77 = arith.constant 0 : i32
    %cond3A_78 = arith.cmpi ne, %convert_element_type3A_76, %cond3A_77 : i32
    scf.if %cond3A_78 {
      %get3A_79 = arith.constant 0 : index
      %get3A_80 = arith.constant 0 : index
      %get3A_81 = vector.load %arg10[%get3A_79, %get3A_80] : memref<64x128xf32, #tpu.memory_space<vmem>>, vector<64x1xf32>
      %max3A = arith.constant 1.000000e+00 : f32
      %max3A_82 = vector.broadcast %max3A : f32 to vector<64x1xf32>
      %max3A_83 = arith.maximumf %get3A_81, %max3A_82 : vector<64x1xf32>
      %get3A_84 = arith.constant 0 : index
      %get3A_85 = arith.constant 0 : index
      %get3A_86 = vector.load %arg9[%get3A_84, %get3A_85] : memref<64x256xf32, #tpu.memory_space<vmem>>, vector<64x256xf32>
      %div3A = vector.broadcast %max3A_83 : vector<64x1xf32> to vector<64x256xf32>
      %div3A_87 = arith.divf %get3A_86, %div3A : vector<64x256xf32>
      %get3A_88 = arith.constant 0 : index
      %get3A_89 = arith.constant 0 : index
      %get3A_90 = vector.load %arg6[%get3A_88, %get3A_89] : memref<256x128xf32, #tpu.memory_space<vmem>>, vector<256x128xf32>
      %dot_general3A_91 = arith.constant dense<0.000000e+00> : vector<64x128xf32>
      %dot_general3A_92 = tpu.matmul %div3A_87, %get3A_90, %dot_general3A_91 {dimension_numbers = #tpu.dot_dimension_numbers<[1], [0], [0], [1], [0, 0, 1, 1], [], []>, transpose_lhs_hint = false} : vector<64x256xf32>, vector<256x128xf32>, vector<64x128xf32> -> vector<64x128xf32>
      %get3A_93 = arith.constant 0 : index
      %get3A_94 = arith.constant 0 : index
      %get3A_95 = vector.load %arg7[%get3A_93, %get3A_94] : memref<1x128xf32, #tpu.memory_space<vmem>>, vector<1x128xf32>
      %add3A_96 = vector.broadcast %get3A_95 : vector<1x128xf32> to vector<64x128xf32>
      %add3A_97 = arith.addf %dot_general3A_92, %add3A_96 : vector<64x128xf32>
      %swap3A_98 = arith.constant 0 : index
      %swap3A_99 = arith.constant 0 : index
      %swap3A_100 = vector.load %arg8[%swap3A_98, %swap3A_99] : memref<64x128xf32, #tpu.memory_space<vmem>>, vector<64x128xf32>
      tpu.vector_store %arg8[%swap3A_98, %swap3A_99], %add3A_97 {strides = array<i32>} : memref<64x128xf32, #tpu.memory_space<vmem>>, vector<64x128xf32>,
    } else {
    }
    return
  }
  func.func @transform_0(%arg0: i32) -> (i32, i32, i32) {
    %c0_i32 = arith.constant 0 : i32
    %c0_i32_0 = arith.constant 0 : i32
    %c0_i32_1 = arith.constant 0 : i32
    return %c0_i32, %arg0, %c0_i32_0 : i32, i32, i32
  }
  func.func @transform_1(%arg0: i32) -> (i32, i32, i32) {
    %c0_i32 = arith.constant 0 : i32
    %c0_i32_0 = arith.constant 0 : i32
    %c0_i32_1 = arith.constant 0 : i32
    return %c0_i32, %arg0, %c0_i32_0 : i32, i32, i32
  }
  func.func @transform_2(%arg0: i32) -> (i32, i32) {
    %c0_i32 = arith.constant 0 : i32
    %c0_i32_0 = arith.constant 0 : i32
    return %arg0, %c0_i32 : i32, i32
  }
  func.func @transform_3(%arg0: i32) -> (i32, i32) {
    %c0_i32 = arith.constant 0 : i32
    %c0_i32_0 = arith.constant 0 : i32
    %c0_i32_1 = arith.constant 0 : i32
    return %c0_i32, %c0_i32_0 : i32, i32
  }
  func.func @transform_4(%arg0: i32) -> (i32, i32, i32) {
    %c0_i32 = arith.constant 0 : i32
    %c0_i32_0 = arith.constant 0 : i32
    %c0_i32_1 = arith.constant 0 : i32
    return %arg0, %c0_i32, %c0_i32_0 : i32, i32, i32
  }
  func.func @transform_5(%arg0: i32) -> (i32, i32) {
    %c0_i32 = arith.constant 0 : i32
    %c0_i32_0 = arith.constant 0 : i32
    %c0_i32_1 = arith.constant 0 : i32
    return %c0_i32, %c0_i32_0 : i32, i32
  }
  func.func @transform_6(%arg0: i32) -> (i32, i32) {
    %c0_i32 = arith.constant 0 : i32
    %c0_i32_0 = arith.constant 0 : i32
    %c0_i32_1 = arith.constant 0 : i32
    return %c0_i32, %c0_i32_0 : i32, i32
  }
  func.func @transform_7(%arg0: i32) -> (i32, i32) {
    %c0_i32 = arith.constant 0 : i32
    %c0_i32_0 = arith.constant 0 : i32
    %c0_i32_1 = arith.constant 0 : i32
    return %c0_i32, %c0_i32_0 : i32, i32
  }
}

</mosaic_0001>

<sc_bundles>
// kernel: kernel.10.cloned.1.call-start
scs
__scs_entry_jumppad:
0x0: {  	(pc) =	sbr.rel $0x88, $3  }
0x1: {  	(tag) =	ssettag $0x0;
	lr =	simm.s32 $0x1  }
0x2: {  	[smem:$0x3F96] =	sst lr;
	_ =	strace $0xD0000000  }
0x3: {  	_ = 	snop  }
0x4: {  	_ = 	snop  }
0x5: {  	_ = 	snop  }
0x6: {  	_ = 	snop  }
0x7: {  	_ = 	snop  }
__scs_overlays_trampoline_lowered:
0x8: {  	[smem:$0x3FA5] =	sst s0  }
0x9: {  	[smem:$0x3FA6] =	sst s1  }
0xa: {  	[smem:$0x3FA7] =	sst s2  }
0xb: {  	[smem:$0x3FA8] =	sst s3  }
0xc: {  	[smem:$0x3FA9] =	sst s4  }
0xd: {  	[smem:$0x3FAA] =	sst s5  }
0xe: {  	[smem:$0x3FAB] =	sst s6  }
0xf: {  	[smem:$0x3FAC] =	sst s7  }
0x10: {  	[smem:$0x3FAD] =	sst s8  }
0x11: {  	[smem:$0x3FAE] =	sst s9;
	s0 =	simm.s32 @!p0 $0x0  }
0x12: {  	s1 =	sld [smem:$0x3F94];
	s0 =	simm.s32 @p0 $0x1  }
0x13: {  	[smem:$0x3FAF] =	sst s0;
	s0 =	simm.s32 @!p1 $0x0  }
0x14: {  	s2 =	sld [smem:$0x3F93];
	s0 =	simm.s32 @p1 $0x1  }
0x15: {  	[smem:$0x3FB0] =	sst s0;
	s0 =	simm.s32 @!p2 $0x0  }
0x16: {  	s3 =	sld [smem:$0x3FDB];
	s0 =	simm.s32 @p2 $0x1  }
0x17: {  	s4 =	simm.s32 $0x1BF5;
	[smem:$0x3FB2] =	sst s0  }
0x18: {  	s0 =	sld [smem:$0x3F95];
	_ =	swait.ge [sflag:s4], $0x0  }
0x19: {  	s7 =	sld [smem:$0x3F96]  }
0x1a: {  	s8 =	sadd.s32 $0xFFFFE003, lr  }
0x1b: {  	s9 =	sadd.s32 $0xFFFFFEF7, lr;
	s5 =	simm.s32 $0xFFFFFFFF;
	p2 =	slt.u32 s8, $0xFFFFF086  }
0x1c: {  	p1 =	slt.u32 s9, $0xF7A;
	s5 =	simm.s32 @!p2 $0x0  }
0x1d: {  	s5 =	simm.s32 @p1 $0x1;
	p0 =	seq.s32 s7, s2  }
0x1e: {  	s7 =	smul.u32 @!p0 $0xF7A, s2;
	p2 =	seq.s32 @!p0 s5, $0x0  }
0x1f: {  	s9 =	smul.u32 $0xF7A, s1;
	s8 =	simm.s32 @!p0 $0x1BF5;
	p2 =	por !p2, p0  }
0x20: {  	[sflag:s8] =	ssyncset.s32 @!p0 $0xFFFFF086;
	s6 =	sadd.s32 @!p0 s3, s7;
	s7 =	simm.s32 @!p0 $0x108  }
0x21: {  	s3 =	sadd.s32 s3, s9;
	s6 =	sadd.s32 @!p0 $0x88, s6;
	s7 =	simm.s32 @p2 $0x1082  }
0x22: {  	[simem:s7], [sflag:s8] =	dma.local @!p0 [hbm:s6], $0xF7A  }
0x23: {  	s9 =	sor.u32 $0xD0000000, s2;
	s6 =	simm.s32 $0x108;
	_ =	swait.ge @!p0 [sflag:s8], $0x0  }
0x24: {  	s3 =	sadd.s32 $0x88, s3;
	s6 =	simm.s32 @!p1 $0x1082;
	[sflag:s4] =	ssyncset.s32 $0xFFFFF086  }
0x25: {  	[simem:s6], [sflag:s4] =	dma.local [hbm:s3], $0xF7A  }
0x26: {  	[smem:$0x3F96] =	sst s1;
	(tag) =	ssettag s2;
	_ =	strace s9  }
0x27: {  	s1 =	sld [smem:$0x3FA6]  }
0x28: {  	s2 =	sld [smem:$0x3FA7]  }
0x29: {  	s4 =	sld [smem:$0x3FA9]  }
0x2a: {  	p0 =	seq.s32 s5, $0x0;
	s5 =	sld [smem:$0x3FAA]  }
0x2b: {  	s6 =	sld [smem:$0x3FAB]  }
0x2c: {  	s7 =	sld [smem:$0x3FAC]  }
0x2d: {  	s3 =	simm.s32 $0x108;
	s8 =	sld [smem:$0x3FAD]  }
0x2e: {  	s3 =	simm.s32 @!p0 $0x1082;
	s9 =	sld [smem:$0x3FAE]  }
0x2f: {  	lr =	sadd.s32 s0, s3;
	s0 =	sld [smem:$0x3FA5]  }
0x30: {  	s3 =	sld [smem:$0x3FA8]  }
0x31: {  	[smem:$0x3FB1] =	sst s10  }
0x32: {  	s10 =	sld [smem:$0x3FAF];
	_ =	sdelay $0x3  }
0x33: {  	p0 =	seq.s32 s10, $0x1;
	s10 =	sld [smem:$0x3FB1];
	_ =	sdelay $0x3  }
0x34: {  	[smem:$0x3FB1] =	sst s10  }
0x35: {  	s10 =	sld [smem:$0x3FB0];
	_ =	sdelay $0x3  }
0x36: {  	p1 =	seq.s32 s10, $0x1;
	s10 =	sld [smem:$0x3FB1];
	_ =	sdelay $0x3  }
0x37: {  	[smem:$0x3FB1] =	sst s10  }
0x38: {  	s10 =	sld [smem:$0x3FB2]  }
0x39: {  	_ = 	snop;
	(pc) =	sbr.ind lr, $3  }
0x3a: {  	_ = 	snop  }
0x3b: {  	_ = 	snop  }
0x3c: {  	p2 =	seq.s32 s10, $0x1;
	s10 =	sld [smem:$0x3FB1]  }
0x3d: {  	_ =	shalt  }
0x3e: {  	_ =	shalt  }
0x3f: {  	_ =	shalt  }
0x40: {  	_ =	shalt  }
0x41: {  	_ =	shalt  }
0x42: {  	_ =	shalt  }
0x43: {  	_ =	shalt  }
0x44: {  	_ =	shalt  }
0x45: {  	_ =	shalt  }
0x46: {  	_ =	shalt  }
0x47: {  	_ =	shalt  }
0x48: {  	_ =	shalt  }
0x49: {  	_ =	shalt  }
0x4a: {  	_ =	shalt  }
0x4b: {  	_ =	shalt  }
0x4c: {  	_ =	shalt  }
0x4d: {  	_ =	shalt  }
0x4e: {  	_ =	shalt  }
0x4f: {  	_ =	shalt  }
0x50: {  	_ =	shalt  }
0x51: {  	_ =	shalt  }
0x52: {  	_ =	shalt  }
0x53: {  	_ =	shalt  }
0x54: {  	_ =	shalt  }
0x55: {  	_ =	shalt  }
0x56: {  	_ =	shalt  }
0x57: {  	_ =	shalt  }
0x58: {  	_ =	shalt  }
0x59: {  	_ =	shalt  }
0x5a: {  	_ =	shalt  }
0x5b: {  	_ =	shalt  }
0x5c: {  	_ =	shalt  }
0x5d: {  	_ =	shalt  }
0x5e: {  	_ =	shalt  }
0x5f: {  	_ =	shalt  }
0x60: {  	_ =	shalt  }
0x61: {  	_ =	shalt  }
0x62: {  	_ =	shalt  }
0x63: {  	_ =	shalt  }
0x64: {  	_ =	shalt  }
0x65: {  	_ =	shalt  }
0x66: {  	_ =	shalt  }
0x67: {  	_ =	shalt  }
0x68: {  	_ =	shalt  }
0x69: {  	_ =	shalt  }
0x6a: {  	_ =	shalt  }
0x6b: {  	_ =	shalt  }
0x6c: {  	_ =	shalt  }
0x6d: {  	_ =	shalt  }
0x6e: {  	_ =	shalt  }
0x6f: {  	_ =	shalt  }
0x70: {  	_ =	shalt  }
0x71: {  	_ =	shalt  }
0x72: {  	_ =	shalt  }
0x73: {  	_ =	shalt  }
0x74: {  	_ =	shalt  }
0x75: {  	_ =	shalt  }
0x76: {  	_ =	shalt  }
0x77: {  	_ =	shalt  }
0x78: {  	_ =	shalt  }
0x79: {  	_ =	shalt  }
0x7a: {  	_ =	shalt  }
0x7b: {  	_ =	shalt  }
0x7c: {  	_ =	shalt  }
0x7d: {  	_ =	shalt  }
0x7e: {  	_ =	shalt  }
0x7f: {  	_ =	shalt  }
0x80: {  	_ =	shalt  }
0x81: {  	_ =	shalt  }
0x82: {  	_ =	shalt  }
0x83: {  	_ =	shalt  }
0x84: {  	_ =	shalt  }
0x85: {  	_ =	shalt  }
0x86: {  	_ =	shalt  }
0x87: {  	_ =	shalt  }
.Lfunc_end0:
.L_simem_size_0:
called_computation_lowered:
.L_overlay_start_0:
0x88: {  	s2 =	sld [smem:$0x3FD9]  }
0x89: {  	s3 =	sld [smem:$0x3FFE];
	_ =	sdelay $0x1  }
0x8a: {  	s1 =	srdreg.scid  }
0x8b: {  	s0 =	sand.u32 $0x1, s1  }
0x8c: {  	s16 =	sshll.u32 s0, $0xA;
	s2 =	sadd.s32 s3, s2  }
0x8d: {  	s2 =	sadd.s32 s2, s16  }
0x8e: {  	[smem:$0x3FBD] =	sst s2  }
0x8f: {  	_ = 	snop  }
0x90: {  	(tm) =	ssettm $0x1  }
0x91: {  	s17 =	sld [smem:$0x3FFB];
	_ =	sdelay $0x3  }
0x92: {  	_ =	strace s17  }
0x93: {  	s2 =	sld [smem:$0x3FFC];
	_ =	sdelay $0x3  }
0x94: {  	_ =	strace s2  }
0x95: {  	s2 =	sld [smem:$0x3FFD];
	_ =	sdelay $0x3  }
0x96: {  	_ =	strace s2  }
0x97: {  	_ =	strace $0x8FFFFFFF  }
0x98: {  	s18 =	sld [smem:$0x3FDB];
	_ =	sdelay $0x1  }
0x99: {  	s19 =	simm.s32 $_scs_section_size  }
0x9a: {  	s4 =	simm.s32 $_size__tile_overlayer_lowered;
	s5 =	simm.s32 $_tile_overlayer_lowered  }
0x9b: {  	s22 =	simm.s32 $0x1BFF;
	s21 =	sshll.u32 s5, $0x1;
	s2 =	sadd.s32 s19, s18  }
0x9c: {  	s6 =	simm.s32 $0x0;
	s20 =	sshll.u32 s4, $0x1;
	s4 =	sadd.s32 s21, s2  }
0x9d: {  	[timem:s6], [sflag:s22] =	dma.local [hbm:s4], s20  }
0x9e: {  	_ =	swait.ge [sflag:s22], s20  }
0x9f: {  	s3 =	ssub.s32 $0x0, s20;
	[sflag:s22] =	ssyncset.done $0x0  }
0xa0: {  	[sflag:s22] =	ssyncadd.s32 s3;
	_ =	sdelay $0x1  }
0xa1: {  	s23 =	simm.s32 $0x1B8B  }
0xa2: {  	_ =	swait.ge [sflag:s23], $0x1  }
0xa3: {  	[sflag:s23] =	ssyncset.done $0x0  }
0xa4: {  	s25 =	simm.s32 $0x1B8E;
	s24 =	sld [smem:$0x3FFE];
	[sflag:s23] =	ssyncadd.s32 $0xFFFFFFFF  }
0xa5: {  	s26 =	simm.s32 $execute0_lowered;
	[smem:$0x3FD2] =	sst s25  }
0xa6: {  	s4 =	sshll.u32 s26, $0x1;
	_ =	strace $0x80000046;
	[dreg:$0x1] =	wrdreg $0xFFFFFFFF  }
0xa7: {  	s28 =	simm.s32 $_size_execute0_lowered;
	s2 =	sadd.s32 s2, s4;
	[dreg:$0x0] =	wrdreg $0x0  }
0xa8: {  	s4 =	sshll.u32 s28, $0x1;
	[dreg:$0x2] =	wrdreg s2  }
0xa9: {  	[dreg:$0x3] =	wrdreg s4  }
0xaa: {  	[dreg:$0x4] =	wrdreg $0xC0  }
0xab: {  	_ =	task [dreg:s6], $0x5FFFF  }
0xac: {  	[dreg:$0x1] =	wrdreg $0xFFFFFFFF  }
0xad: {  	[dreg:$0x0] =	wrdreg $0x60  }
0xae: {  	[dreg:$0x2] =	wrdreg s24  }
0xaf: {  	[dreg:$0x3] =	wrdreg $0x0  }
0xb0: {  	[dreg:$0x4] =	wrdreg $0x9  }
0xb1: {  	_ =	task.clear_ibuf [dreg:s6], $0x5FFFF;
	_ =	strace $0x90000046  }
0xb2: {  	s29 =	simm.s32 $0x9;
	_ =	strace $0x80000048  }
0xb3: {  	_ =	swait.ge [sflag:s29], $0x1  }
0xb4: {  	[sflag:s29] =	ssyncadd.s32 $0xFFFFFFFF  }
0xb5: {  	_ =	strace $0x90000048  }
0xb6: {  	_ =	sfence  }
0xb7: {  	s30 =	sld [smem:$0x0];
	_ =	sdelay $0x2  }
0xb8: {  	s31 =	sshll.u32 s1, $0xD;
	s1 =	sshrl.u32 s1, $0x2  }
0xb9: {  	s3 =	sand.u32 $0x4000, s31;
	s1 =	sadd.s32 s1, s30  }
0xba: {  	s0 =	sor.u32 s3, s0;
	s1 =	sshll.u32 s1, $0x11  }
0xbb: {  	s0 =	sor.u32 s1, s0  }
0xbc: {  	s0 =	sadd.s32 $0x8F2B, s0  }
0xbd: {  	[sflag:s0] =	ssyncadd.remote.s32 $0x1  }
0xbe: {  	_ =	sfence.sel $0xFFFF  }
0xbf: {  	[dreg:$0x0] =	wrdreg $0xFFFFFFFF;
	(pc) =	sbr.abs _section_cstart, $3  }
0xc0: {  	[dreg:$0x1] =	wrdreg $0xFFFFFFFF  }
0xc1: {  	_ =	task.clear_ibuf [dreg:s6], $0x2FFFF;
	_ =	strace $0x9FFFFFFF  }
0xc2: {  	(tm) =	ssettm $0x7FFFFFFF  }
0xc3: {  	_ =	shalt  }
tec
execute0_lowered:
.L_overlay_start_1:
0x0: {  	(tag) =	ssettag $0x1  }
0x1: {  	s6 =	rddreg [dreg:$0x0]  }
0x2: {  	s0 =	srdreg.scid;
	s1 =	rddreg [dreg:$0x1]  }
0x3: {  	s3 =	simm.s32 $0x0;
	s2 =	stileid.u32;
	s21 =	simm.s32 $0x80  }
0x4: {  	s7 =	sand.u32 $0x1, s0;
	s0 =	rddreg [dreg:$0x2];
	s8 =	smul.u32 $0x50000, s2  }
0x5: {  	s22 =	simm.s32 $0x0;
	[smem:$0x7FF] =	sst s3;
	s11 =	smul.u32 $0x14000, s2  }
0x6: {  	s5 =	sadd.s32 $0xCA00, s6;
	s15 =	sadd.s32 $0xDA00, s6;
	s20 =	smul.u32 $0x4F0, s2  }
0x7: {  	s4 =	smul.u32 $0x4F00, s7;
	_ =	strace $0x80000047;
	s9 =	ssub.s32 $0x2, s7  }
0x8: {  	s14 =	smul.u32 $0x140000, s7;
	s10 =	sshrl.u32 s9, $0x1;
	s8 =	sshrl.u32 s8, $0x2  }
0x9: {  	s12 =	sadd.s32 $0x4000, s11;
	s13 =	sadd.s32 $0x8000, s11;
	s18 =	sadd.s32 $0xC000, s11  }
0xa: {  	s19 =	sadd.s32 $0x10000, s11;
	s17 =	sadd.s32 s4, s6;
	s4 =	sadd.s32 $0xD200, s6  }
0xb: {  	s16 =	ssub.s32 s9, s10;
	s6 =	sadd.s32 s8, s1;
	s7 =	sadd.s32 s12, s1  }
0xc: {  	s8 =	sadd.s32 s13, s1;
	s9 =	sadd.s32 s18, s1;
	s11 =	sadd.s32 s11, s14  }
0xd: {  	s10 =	sadd.s32 s19, s1;
	s12 =	sadd.s32 s14, s12;
	s13 =	sadd.s32 s14, s13  }
0xe: {  	s18 =	sadd.s32 s14, s18;
	s19 =	sadd.s32 s14, s19;
	s11 =	sshrl.u32 s11, $0x3  }
0xf: {  	s12 =	sshrl.u32 s12, $0x3;
	s13 =	sshrl.u32 s13, $0x3;
	s18 =	sshrl.u32 s18, $0x3  }
0x10: {  	s31 =	sshrl.u32 s19, $0x3;
	s16 =	smax.u32 s16, $0x1;
	s17 =	sadd.s32 s20, s17  }
0x11: {  	s19 =	simm.s32 $0x1;
	s20 =	simm.s32 $0x18000;
	s11 =	sadd.s32 s15, s11  }
0x12: {  	s12 =	sadd.s32 s15, s12;
	s13 =	sadd.s32 s15, s13;
	s14 =	sadd.s32 s15, s18  }
0x13: {  	s15 =	sadd.s32 s15, s31;
	s17 =	sadd.s32 $0x2C00, s17;
	s18 =	simm.s32 $0x14000  }
.LBB2_1:
0x14: {  	[tilespmem:s18], [sflag:$0x1] =	stream.linear.gather [hbm4b:s5+s3], $0x4000, $0x38;
	[tilespmem:$0x18080] =	vst v63  }
0x15: {  	_ =	swait.ge [sflag:s19], $0x4000  }
0x16: {  	[sflag:s19] =	ssyncset.done $0x0  }
0x17: {  	[sflag:s19] =	ssyncadd.s32 $0xFFFFC000  }
0x18: {  	[spmem:s6] =	stream.linear.scatter [tilespmem:s18], [sflag:$0x1], $0x4000, $0x38;
	[tilespmem:$0x18080] =	vst v63  }
0x19: {  	_ =	swait.ge [sflag:s19], $0x4000  }
0x1a: {  	[sflag:s19] =	ssyncset.done $0x0  }
0x1b: {  	[sflag:s19] =	ssyncadd.s32 $0xFFFFC000  }
0x1c: {  	[spmem:s7] =	stream.linear.scatter [tilespmem:s18], [sflag:$0x1], $0x4000, $0x38;
	[tilespmem:$0x18080] =	vst v63  }
0x1d: {  	_ =	swait.ge [sflag:s19], $0x4000  }
0x1e: {  	[sflag:s19] =	ssyncset.done $0x0  }
0x1f: {  	[sflag:s19] =	ssyncadd.s32 $0xFFFFC000  }
0x20: {  	[spmem:s8] =	stream.linear.scatter [tilespmem:s18], [sflag:$0x1], $0x4000, $0x38;
	[tilespmem:$0x18080] =	vst v63  }
0x21: {  	_ =	swait.ge [sflag:s19], $0x4000  }
0x22: {  	[sflag:s19] =	ssyncset.done $0x0  }
0x23: {  	[sflag:s19] =	ssyncadd.s32 $0xFFFFC000  }
0x24: {  	[spmem:s9] =	stream.linear.scatter [tilespmem:s18], [sflag:$0x1], $0x4000, $0x38;
	[tilespmem:$0x18080] =	vst v63  }
0x25: {  	_ =	swait.ge [sflag:s19], $0x4000  }
0x26: {  	[sflag:s19] =	ssyncset.done $0x0  }
0x27: {  	[sflag:s19] =	ssyncadd.s32 $0xFFFFC000  }
0x28: {  	[spmem:s10] =	stream.linear.scatter [tilespmem:s18], [sflag:$0x1], $0x4000, $0x38;
	[tilespmem:$0x18080] =	vst v63  }
0x29: {  	_ =	swait.ge [sflag:s19], $0x4000  }
0x2a: {  	[sflag:s19] =	ssyncset.done $0x0  }
0x2b: {  	[sflag:s19] =	ssyncadd.s32 $0xFFFFC000  }
0x2c: {  	[tilespmem:s18], [sflag:$0x1] =	stream.linear.gather [hbm4b:s4+s3], $0x4000, $0x38;
	[tilespmem:$0x18080] =	vst v63  }
0x2d: {  	_ =	swait.ge [sflag:s19], $0x4000  }
0x2e: {  	[sflag:s19] =	ssyncset.done $0x0  }
0x2f: {  	[sflag:s19] =	ssyncadd.s32 $0xFFFFC000  }
0x30: {  	s23 =	sadd.s32 $0x0, s17;
	[bflag:$0x0] =	sbarrier.arrive $0xFFFF  }
0x31: {  	[tilespmem:s20], [sflag:$0x1] =	stream.linear.gather [hbm4b:s23+s3], $0x80, $0x38;
	[tilespmem:$0x18080] =	vst v63  }
0x32: {  	_ =	swait.ge [sflag:s19], $0x80  }
0x33: {  	[sflag:s19] =	ssyncset.done $0x0  }
0x34: {  	[sflag:s19] =	ssyncadd.s32 $0xFFFFFF80  }
0x35: {  	[spmem:s1] =	stream.indirect.scatter.add.f32 [tilespmem:s18], [sflag:$0x1], $0x80, s20, s21, $0xb8;
	[tilespmem:$0x18080] =	vst v63  }
0x36: {  	_ =	swait.ge [sflag:s19], $0x4000  }
0x37: {  	s24 =	simm.s32 $0x20;
	s23 =	simm.s32 $0x10;
	[sflag:s19] =	ssyncset.done $0x0  }
.LBB2_2:
0x38: {  	s25 =	sadd.s32 s23, s17  }
0x39: {  	[sflag:s19] =	ssyncadd.s32 $0xFFFFC000;
	s23 =	smov.u32 s24;
	s26 =	sadd.s32 $0x10, s24  }
0x3a: {  	[tilespmem:s20], [sflag:$0x1] =	stream.linear.gather [hbm4b:s25+s3], $0x80, $0x38;
	[tilespmem:$0x18080] =	vst v63  }
0x3b: {  	p0 =	sne.s32 s24, $0x4E0;
	_ =	swait.ge [sflag:s19], $0x80  }
.Ltmp0:
0x3c: {  	[sflag:s19] =	ssyncset.done $0x0;
	(pc) =	sbr.rel @p0 .LBB2_2-.Ltmp0, $4  }
0x3d: {  	[sflag:s19] =	ssyncadd.s32 $0xFFFFFF80  }
0x3e: {  	[spmem:s1] =	stream.indirect.scatter.add.f32 [tilespmem:s18], [sflag:$0x1], $0x80, s20, s21, $0xb8;
	[tilespmem:$0x18080] =	vst v63  }
0x3f: {  	_ =	swait.ge [sflag:s19], $0x4000  }
0x40: {  	s24 =	smov.u32 s26;
	[sflag:s19] =	ssyncset.done $0x0  }
0x41: {  	s23 =	sadd.s32 s23, s17;
	[sflag:s19] =	ssyncadd.s32 $0xFFFFC000  }
0x42: {  	[tilespmem:s20], [sflag:$0x1] =	stream.linear.gather [hbm4b:s23+s3], $0x80, $0x38;
	[tilespmem:$0x18080] =	vst v63  }
0x43: {  	_ =	swait.ge [sflag:s19], $0x80  }
0x44: {  	[sflag:s19] =	ssyncset.done $0x0  }
0x45: {  	[sflag:s19] =	ssyncadd.s32 $0xFFFFFF80  }
0x46: {  	[spmem:s1] =	stream.indirect.scatter.add.f32 [tilespmem:s18], [sflag:$0x1], $0x80, s20, s21, $0xb8;
	[tilespmem:$0x18080] =	vst v63  }
0x47: {  	_ =	swait.ge [sflag:s19], $0x4000  }
0x48: {  	[sflag:s19] =	ssyncset.done $0x0  }
0x49: {  	[sflag:s19] =	ssyncadd.s32 $0xFFFFC000  }
0x4a: {  	[bflag:$0x0] =	sbarrier.arrive $0xFFFF  }
0x4b: {  	[tilespmem:s18], [sflag:$0x1] =	stream.linear.gather [spmem:s6], $0x4000, $0x38;
	[tilespmem:$0x18080] =	vst v63  }
0x4c: {  	_ =	swait.ge [sflag:s19], $0x4000  }
0x4d: {  	[sflag:s19] =	ssyncset.done $0x0  }
0x4e: {  	[sflag:s19] =	ssyncadd.s32 $0xFFFFC000  }
0x4f: {  	[hbm4b:s11+s3] =	stream.linear.scatter [tilespmem:s18], [sflag:$0x1], $0x4000, $0x38;
	[tilespmem:$0x18080] =	vst v63  }
0x50: {  	_ =	swait.ge [sflag:s19], $0x4000  }
0x51: {  	[sflag:s19] =	ssyncset.done $0x0  }
0x52: {  	[sflag:s19] =	ssyncadd.s32 $0xFFFFC000  }
0x53: {  	[tilespmem:s18], [sflag:$0x1] =	stream.linear.gather [spmem:s7], $0x4000, $0x38;
	[tilespmem:$0x18080] =	vst v63  }
0x54: {  	_ =	swait.ge [sflag:s19], $0x4000  }
0x55: {  	[sflag:s19] =	ssyncset.done $0x0  }
0x56: {  	[sflag:s19] =	ssyncadd.s32 $0xFFFFC000  }
0x57: {  	[hbm4b:s12+s3] =	stream.linear.scatter [tilespmem:s18], [sflag:$0x1], $0x4000, $0x38;
	[tilespmem:$0x18080] =	vst v63  }
0x58: {  	_ =	swait.ge [sflag:s19], $0x4000  }
0x59: {  	[sflag:s19] =	ssyncset.done $0x0  }
0x5a: {  	[sflag:s19] =	ssyncadd.s32 $0xFFFFC000  }
0x5b: {  	[tilespmem:s18], [sflag:$0x1] =	stream.linear.gather [spmem:s8], $0x4000, $0x38;
	[tilespmem:$0x18080] =	vst v63  }
0x5c: {  	_ =	swait.ge [sflag:s19], $0x4000  }
0x5d: {  	[sflag:s19] =	ssyncset.done $0x0  }
0x5e: {  	[sflag:s19] =	ssyncadd.s32 $0xFFFFC000  }
0x5f: {  	[hbm4b:s13+s3] =	stream.linear.scatter [tilespmem:s18], [sflag:$0x1], $0x4000, $0x38;
	[tilespmem:$0x18080] =	vst v63  }
0x60: {  	_ =	swait.ge [sflag:s19], $0x4000  }
0x61: {  	[sflag:s19] =	ssyncset.done $0x0  }
0x62: {  	[sflag:s19] =	ssyncadd.s32 $0xFFFFC000  }
0x63: {  	[tilespmem:s18], [sflag:$0x1] =	stream.linear.gather [spmem:s9], $0x4000, $0x38;
	[tilespmem:$0x18080] =	vst v63  }
0x64: {  	_ =	swait.ge [sflag:s19], $0x4000  }
0x65: {  	[sflag:s19] =	ssyncset.done $0x0  }
0x66: {  	[sflag:s19] =	ssyncadd.s32 $0xFFFFC000  }
0x67: {  	[hbm4b:s14+s3] =	stream.linear.scatter [tilespmem:s18], [sflag:$0x1], $0x4000, $0x38;
	[tilespmem:$0x18080] =	vst v63  }
0x68: {  	_ =	swait.ge [sflag:s19], $0x4000  }
0x69: {  	[sflag:s19] =	ssyncset.done $0x0  }
0x6a: {  	[sflag:s19] =	ssyncadd.s32 $0xFFFFC000  }
0x6b: {  	[tilespmem:s18], [sflag:$0x1] =	stream.linear.gather [spmem:s10], $0x4000, $0x38;
	[tilespmem:$0x18080] =	vst v63  }
0x6c: {  	s22 =	sadd.s32 $0x1, s22;
	_ =	swait.ge [sflag:s19], $0x4000  }
0x6d: {  	p0 =	sne.s32 s22, s16;
	[sflag:s19] =	ssyncset.done $0x0  }
.Ltmp1:
0x6e: {  	[sflag:s19] =	ssyncadd.s32 $0xFFFFC000;
	(pc) =	sbr.rel @p0 .LBB2_1-.Ltmp1, $4  }
0x6f: {  	[hbm4b:s15+s3] =	stream.linear.scatter [tilespmem:s18], [sflag:$0x1], $0x4000, $0x38;
	[tilespmem:$0x18080] =	vst v63  }
0x70: {  	_ =	swait.ge [sflag:s19], $0x4000  }
0x71: {  	[sflag:s19] =	ssyncset.done $0x0  }
0x72: {  	[sflag:s19] =	ssyncadd.s32 $0xFFFFC000  }
0x73: {  	_ =	sfence.sel $0x180000  }
0x74: {  	[bflag:$0x0] =	sbarrier.arrive $0xFFFF  }
0x75: {  	p0 =	sne.s32 s2, $0x0;
	_ =	strace $0x90000047  }
0x76: {  	s0 =	sadd.s32 @!p0 $0x100000, s0;
	[bflag:$0x2] =	sbarrier.arrive $0xFFFF  }
0x77: {  	[sflag:s0] =	ssyncadd.tile.s32 @!p0 $0x1;
	_ =	shalt  }
.Lfunc_end2:
_tile_overlayer_lowered:
.L_overlay_start_2:
0x78: {  	(tag) =	ssettag $0x2  }
0x79: {  	s0 =	rddreg [dreg:$0x0];
	s2 =	stileid.u32  }
0x7a: {  	s1 =	rddreg [dreg:$0x1];
	p0 =	sne.s32 s2, $0x0  }
0x7b: {  	s3 =	rddreg [dreg:$0x2];
	[bflag:$0x3] =	sbarrier.arrive $0xFFFF;
	s2 =	simm.s32 @!p0 $0x1C01  }
0x7c: {  	[timem:s3], [sflag:s2] =	dma.local @!p0 [hbm:s0], s1  }
0x7d: {  	s0 =	simm.s32 @!p0 $0x1  }
0x7e: {  	_ =	swait.ge @!p0 [sflag:s0], s1  }
0x7f: {  	s1 =	ssub.s32 @!p0 $0x0, s1;
	[sflag:s0] =	ssyncset.done @!p0 $0x0  }
0x80: {  	[sflag:s0] =	ssyncadd.s32 @!p0 s1  }
0x81: {  	[bflag:$0x3] =	sbarrier.arrive $0xFFFF  }
0x82: {  	_ =	shalt  }

// kernel: kernel.13.cloned.1.call-start
scs
__scs_entry_jumppad:
0x0: {  	(pc) =	sbr.rel $0x88, $3  }
0x1: {  	(tag) =	ssettag $0x0;
	lr =	simm.s32 $0x1  }
0x2: {  	[smem:$0x3F96] =	sst lr;
	_ =	strace $0xD0000000  }
0x3: {  	_ = 	snop  }
0x4: {  	_ = 	snop  }
0x5: {  	_ = 	snop  }
0x6: {  	_ = 	snop  }
0x7: {  	_ = 	snop  }
__scs_overlays_trampoline_lowered:
0x8: {  	[smem:$0x3FA5] =	sst s0  }
0x9: {  	[smem:$0x3FA6] =	sst s1  }
0xa: {  	[smem:$0x3FA7] =	sst s2  }
0xb: {  	[smem:$0x3FA8] =	sst s3  }
0xc: {  	[smem:$0x3FA9] =	sst s4  }
0xd: {  	[smem:$0x3FAA] =	sst s5  }
0xe: {  	[smem:$0x3FAB] =	sst s6  }
0xf: {  	[smem:$0x3FAC] =	sst s7  }
0x10: {  	[smem:$0x3FAD] =	sst s8  }
0x11: {  	[smem:$0x3FAE] =	sst s9;
	s0 =	simm.s32 @!p0 $0x0  }
0x12: {  	s1 =	sld [smem:$0x3F94];
	s0 =	simm.s32 @p0 $0x1  }
0x13: {  	[smem:$0x3FAF] =	sst s0;
	s0 =	simm.s32 @!p1 $0x0  }
0x14: {  	s2 =	sld [smem:$0x3F93];
	s0 =	simm.s32 @p1 $0x1  }
0x15: {  	[smem:$0x3FB0] =	sst s0;
	s0 =	simm.s32 @!p2 $0x0  }
0x16: {  	s3 =	sld [smem:$0x3FDB];
	s0 =	simm.s32 @p2 $0x1  }
0x17: {  	s4 =	simm.s32 $0x1BF5;
	[smem:$0x3FB2] =	sst s0  }
0x18: {  	s0 =	sld [smem:$0x3F95];
	_ =	swait.ge [sflag:s4], $0x0  }
0x19: {  	s7 =	sld [smem:$0x3F96]  }
0x1a: {  	s8 =	sadd.s32 $0xFFFFE003, lr  }
0x1b: {  	s9 =	sadd.s32 $0xFFFFFEF7, lr;
	s5 =	simm.s32 $0xFFFFFFFF;
	p2 =	slt.u32 s8, $0xFFFFF086  }
0x1c: {  	p1 =	slt.u32 s9, $0xF7A;
	s5 =	simm.s32 @!p2 $0x0  }
0x1d: {  	s5 =	simm.s32 @p1 $0x1;
	p0 =	seq.s32 s7, s2  }
0x1e: {  	s7 =	smul.u32 @!p0 $0xF7A, s2;
	p2 =	seq.s32 @!p0 s5, $0x0  }
0x1f: {  	s9 =	smul.u32 $0xF7A, s1;
	s8 =	simm.s32 @!p0 $0x1BF5;
	p2 =	por !p2, p0  }
0x20: {  	[sflag:s8] =	ssyncset.s32 @!p0 $0xFFFFF086;
	s6 =	sadd.s32 @!p0 s3, s7;
	s7 =	simm.s32 @!p0 $0x108  }
0x21: {  	s3 =	sadd.s32 s3, s9;
	s6 =	sadd.s32 @!p0 $0x88, s6;
	s7 =	simm.s32 @p2 $0x1082  }
0x22: {  	[simem:s7], [sflag:s8] =	dma.local @!p0 [hbm:s6], $0xF7A  }
0x23: {  	s9 =	sor.u32 $0xD0000000, s2;
	s6 =	simm.s32 $0x108;
	_ =	swait.ge @!p0 [sflag:s8], $0x0  }
0x24: {  	s3 =	sadd.s32 $0x88, s3;
	s6 =	simm.s32 @!p1 $0x1082;
	[sflag:s4] =	ssyncset.s32 $0xFFFFF086  }
0x25: {  	[simem:s6], [sflag:s4] =	dma.local [hbm:s3], $0xF7A  }
0x26: {  	[smem:$0x3F96] =	sst s1;
	(tag) =	ssettag s2;
	_ =	strace s9  }
0x27: {  	s1 =	sld [smem:$0x3FA6]  }
0x28: {  	s2 =	sld [smem:$0x3FA7]  }
0x29: {  	s4 =	sld [smem:$0x3FA9]  }
0x2a: {  	p0 =	seq.s32 s5, $0x0;
	s5 =	sld [smem:$0x3FAA]  }
0x2b: {  	s6 =	sld [smem:$0x3FAB]  }
0x2c: {  	s7 =	sld [smem:$0x3FAC]  }
0x2d: {  	s3 =	simm.s32 $0x108;
	s8 =	sld [smem:$0x3FAD]  }
0x2e: {  	s3 =	simm.s32 @!p0 $0x1082;
	s9 =	sld [smem:$0x3FAE]  }
0x2f: {  	lr =	sadd.s32 s0, s3;
	s0 =	sld [smem:$0x3FA5]  }
0x30: {  	s3 =	sld [smem:$0x3FA8]  }
0x31: {  	[smem:$0x3FB1] =	sst s10  }
0x32: {  	s10 =	sld [smem:$0x3FAF];
	_ =	sdelay $0x3  }
0x33: {  	p0 =	seq.s32 s10, $0x1;
	s10 =	sld [smem:$0x3FB1];
	_ =	sdelay $0x3  }
0x34: {  	[smem:$0x3FB1] =	sst s10  }
0x35: {  	s10 =	sld [smem:$0x3FB0];
	_ =	sdelay $0x3  }
0x36: {  	p1 =	seq.s32 s10, $0x1;
	s10 =	sld [smem:$0x3FB1];
	_ =	sdelay $0x3  }
0x37: {  	[smem:$0x3FB1] =	sst s10  }
0x38: {  	s10 =	sld [smem:$0x3FB2]  }
0x39: {  	_ = 	snop;
	(pc) =	sbr.ind lr, $3  }
0x3a: {  	_ = 	snop  }
0x3b: {  	_ = 	snop  }
0x3c: {  	p2 =	seq.s32 s10, $0x1;
	s10 =	sld [smem:$0x3FB1]  }
0x3d: {  	_ =	shalt  }
0x3e: {  	_ =	shalt  }
0x3f: {  	_ =	shalt  }
0x40: {  	_ =	shalt  }
0x41: {  	_ =	shalt  }
0x42: {  	_ =	shalt  }
0x43: {  	_ =	shalt  }
0x44: {  	_ =	shalt  }
0x45: {  	_ =	shalt  }
0x46: {  	_ =	shalt  }
0x47: {  	_ =	shalt  }
0x48: {  	_ =	shalt  }
0x49: {  	_ =	shalt  }
0x4a: {  	_ =	shalt  }
0x4b: {  	_ =	shalt  }
0x4c: {  	_ =	shalt  }
0x4d: {  	_ =	shalt  }
0x4e: {  	_ =	shalt  }
0x4f: {  	_ =	shalt  }
0x50: {  	_ =	shalt  }
0x51: {  	_ =	shalt  }
0x52: {  	_ =	shalt  }
0x53: {  	_ =	shalt  }
0x54: {  	_ =	shalt  }
0x55: {  	_ =	shalt  }
0x56: {  	_ =	shalt  }
0x57: {  	_ =	shalt  }
0x58: {  	_ =	shalt  }
0x59: {  	_ =	shalt  }
0x5a: {  	_ =	shalt  }
0x5b: {  	_ =	shalt  }
0x5c: {  	_ =	shalt  }
0x5d: {  	_ =	shalt  }
0x5e: {  	_ =	shalt  }
0x5f: {  	_ =	shalt  }
0x60: {  	_ =	shalt  }
0x61: {  	_ =	shalt  }
0x62: {  	_ =	shalt  }
0x63: {  	_ =	shalt  }
0x64: {  	_ =	shalt  }
0x65: {  	_ =	shalt  }
0x66: {  	_ =	shalt  }
0x67: {  	_ =	shalt  }
0x68: {  	_ =	shalt  }
0x69: {  	_ =	shalt  }
0x6a: {  	_ =	shalt  }
0x6b: {  	_ =	shalt  }
0x6c: {  	_ =	shalt  }
0x6d: {  	_ =	shalt  }
0x6e: {  	_ =	shalt  }
0x6f: {  	_ =	shalt  }
0x70: {  	_ =	shalt  }
0x71: {  	_ =	shalt  }
0x72: {  	_ =	shalt  }
0x73: {  	_ =	shalt  }
0x74: {  	_ =	shalt  }
0x75: {  	_ =	shalt  }
0x76: {  	_ =	shalt  }
0x77: {  	_ =	shalt  }
0x78: {  	_ =	shalt  }
0x79: {  	_ =	shalt  }
0x7a: {  	_ =	shalt  }
0x7b: {  	_ =	shalt  }
0x7c: {  	_ =	shalt  }
0x7d: {  	_ =	shalt  }
0x7e: {  	_ =	shalt  }
0x7f: {  	_ =	shalt  }
0x80: {  	_ =	shalt  }
0x81: {  	_ =	shalt  }
0x82: {  	_ =	shalt  }
0x83: {  	_ =	shalt  }
0x84: {  	_ =	shalt  }
0x85: {  	_ =	shalt  }
0x86: {  	_ =	shalt  }
0x87: {  	_ =	shalt  }
.Lfunc_end0:
.L_simem_size_0:
called_computation.1_lowered:
.L_overlay_start_0:
0x88: {  	s2 =	sld [smem:$0x3FD9]  }
0x89: {  	s3 =	sld [smem:$0x3FFE];
	_ =	sdelay $0x1  }
0x8a: {  	s1 =	srdreg.scid  }
0x8b: {  	s0 =	sand.u32 $0x1, s1  }
0x8c: {  	s16 =	sshll.u32 s0, $0xA;
	s2 =	sadd.s32 s3, s2  }
0x8d: {  	s2 =	sadd.s32 s2, s16  }
0x8e: {  	[smem:$0x3FBD] =	sst s2  }
0x8f: {  	_ = 	snop  }
0x90: {  	(tm) =	ssettm $0x1  }
0x91: {  	s17 =	sld [smem:$0x3FFB];
	_ =	sdelay $0x3  }
0x92: {  	_ =	strace s17  }
0x93: {  	s2 =	sld [smem:$0x3FFC];
	_ =	sdelay $0x3  }
0x94: {  	_ =	strace s2  }
0x95: {  	s2 =	sld [smem:$0x3FFD];
	_ =	sdelay $0x3  }
0x96: {  	_ =	strace s2  }
0x97: {  	_ =	strace $0x8FFFFFFF  }
0x98: {  	s18 =	sld [smem:$0x3FDB];
	_ =	sdelay $0x1  }
0x99: {  	s19 =	simm.s32 $_scs_section_size  }
0x9a: {  	s4 =	simm.s32 $_size__tile_overlayer_lowered;
	s5 =	simm.s32 $_tile_overlayer_lowered  }
0x9b: {  	s22 =	simm.s32 $0x1BFF;
	s21 =	sshll.u32 s5, $0x1;
	s2 =	sadd.s32 s19, s18  }
0x9c: {  	s6 =	simm.s32 $0x0;
	s20 =	sshll.u32 s4, $0x1;
	s4 =	sadd.s32 s21, s2  }
0x9d: {  	[timem:s6], [sflag:s22] =	dma.local [hbm:s4], s20  }
0x9e: {  	_ =	swait.ge [sflag:s22], s20  }
0x9f: {  	s3 =	ssub.s32 $0x0, s20;
	[sflag:s22] =	ssyncset.done $0x0  }
0xa0: {  	[sflag:s22] =	ssyncadd.s32 s3;
	_ =	sdelay $0x1  }
0xa1: {  	s23 =	simm.s32 $0x1B8B  }
0xa2: {  	_ =	swait.ge [sflag:s23], $0x1  }
0xa3: {  	[sflag:s23] =	ssyncset.done $0x0  }
0xa4: {  	s25 =	simm.s32 $0x1B8E;
	s24 =	sld [smem:$0x3FFE];
	[sflag:s23] =	ssyncadd.s32 $0xFFFFFFFF  }
0xa5: {  	s26 =	simm.s32 $execute0_lowered;
	[smem:$0x3FD2] =	sst s25  }
0xa6: {  	s4 =	sshll.u32 s26, $0x1;
	_ =	strace $0x80000049;
	[dreg:$0x1] =	wrdreg $0xFFFFFFFF  }
0xa7: {  	s28 =	simm.s32 $_size_execute0_lowered;
	s2 =	sadd.s32 s2, s4;
	[dreg:$0x0] =	wrdreg $0x0  }
0xa8: {  	s4 =	sshll.u32 s28, $0x1;
	[dreg:$0x2] =	wrdreg s2  }
0xa9: {  	[dreg:$0x3] =	wrdreg s4  }
0xaa: {  	[dreg:$0x4] =	wrdreg $0xC0  }
0xab: {  	_ =	task [dreg:s6], $0x5FFFF  }
0xac: {  	[dreg:$0x1] =	wrdreg $0xFFFFFFFF  }
0xad: {  	[dreg:$0x0] =	wrdreg $0x60  }
0xae: {  	[dreg:$0x2] =	wrdreg s24  }
0xaf: {  	[dreg:$0x3] =	wrdreg $0x0  }
0xb0: {  	[dreg:$0x4] =	wrdreg $0x9  }
0xb1: {  	_ =	task.clear_ibuf [dreg:s6], $0x5FFFF;
	_ =	strace $0x90000049  }
0xb2: {  	s29 =	simm.s32 $0x9;
	_ =	strace $0x8000004B  }
0xb3: {  	_ =	swait.ge [sflag:s29], $0x1  }
0xb4: {  	[sflag:s29] =	ssyncadd.s32 $0xFFFFFFFF  }
0xb5: {  	_ =	strace $0x9000004B  }
0xb6: {  	_ =	sfence  }
0xb7: {  	s30 =	sld [smem:$0x0];
	_ =	sdelay $0x2  }
0xb8: {  	s31 =	sshll.u32 s1, $0xD;
	s1 =	sshrl.u32 s1, $0x2  }
0xb9: {  	s3 =	sand.u32 $0x4000, s31;
	s1 =	sadd.s32 s1, s30  }
0xba: {  	s0 =	sor.u32 s3, s0;
	s1 =	sshll.u32 s1, $0x11  }
0xbb: {  	s0 =	sor.u32 s1, s0  }
0xbc: {  	s0 =	sadd.s32 $0x8F2B, s0  }
0xbd: {  	[sflag:s0] =	ssyncadd.remote.s32 $0x1  }
0xbe: {  	_ =	sfence.sel $0xFFFF  }
0xbf: {  	[dreg:$0x0] =	wrdreg $0xFFFFFFFF;
	(pc) =	sbr.abs _section_cstart, $3  }
0xc0: {  	[dreg:$0x1] =	wrdreg $0xFFFFFFFF  }
0xc1: {  	_ =	task.clear_ibuf [dreg:s6], $0x2FFFF;
	_ =	strace $0x9FFFFFFF  }
0xc2: {  	(tm) =	ssettm $0x7FFFFFFF  }
0xc3: {  	_ =	shalt  }
tec
execute0_lowered:
.L_overlay_start_1:
0x0: {  	(tag) =	ssettag $0x1  }
0x1: {  	s0 =	rddreg [dreg:$0x0]  }
0x2: {  	s1 =	rddreg [dreg:$0x1];
	s3 =	simm.s32 $0x0;
	s10 =	stileid.u32  }
0x3: {  	s2 =	srdreg.scid;
	s28 =	simm.s32 $0x14080;
	s29 =	simm.s32 $0x18200  }
0x4: {  	s30 =	simm.s32 $0x14100;
	s31 =	simm.s32 $0x1;
	s6 =	smul.u32 $0x9E0, s10  }
0x5: {  	[smem:$0x7FF] =	sst s3;
	s4 =	sadd.s32 $0xD200, s0;
	s8 =	smul.u32 $0x50000, s10  }
0x6: {  	s2 =	sand.u32 $0x1, s2;
	s5 =	sadd.s32 $0x5DA00, s0;
	s13 =	smul.u32 $0x14000, s10  }
0x7: {  	s11 =	sadd.s32 $0xCA00, s0;
	s12 =	smul.u32 $0x4F00, s10;
	_ =	strace $0x8000004A  }
0x8: {  	s7 =	ssub.s32 $0x2, s2;
	[dreg:$0x3] =	wrdreg s11;
	s6 =	sadd.s32 s6, s0  }
0x9: {  	s9 =	sshrl.u32 s7, $0x1;
	s0 =	sadd.s32 $0x71600, s0;
	s16 =	sshrl.u32 s8, $0x2  }
0xa: {  	s15 =	sadd.s32 $0x4000, s13;
	s17 =	sadd.s32 $0x8000, s13;
	s18 =	sadd.s32 $0xC000, s13  }
0xb: {  	s14 =	ssub.s32 s7, s9;
	s7 =	sadd.s32 s16, s1;
	s16 =	smul.u32 $0x4F000, s2  }
0xc: {  	s19 =	sadd.s32 $0x10000, s13;
	s8 =	sadd.s32 s15, s1;
	s2 =	smul.u32 $0x140000, s2  }
0xd: {  	s9 =	sadd.s32 s17, s1;
	s10 =	sadd.s32 s18, s1;
	s11 =	sadd.s32 s19, s1  }
0xe: {  	s25 =	smax.u32 s14, $0x1;
	s14 =	simm.s32 $0x0;
	s12 =	sadd.s32 s12, s16  }
0xf: {  	s13 =	sadd.s32 s13, s2;
	s15 =	sadd.s32 s2, s15;
	s17 =	sadd.s32 s2, s17  }
0x10: {  	s23 =	sadd.s32 s2, s18;
	s2 =	sadd.s32 s2, s19;
	[dreg:$0x9] =	wrdreg s25  }
0x11: {  	s16 =	sadd.s32 $0x2C10, s6;
	s25 =	simm.s32 $0x14000;
	s6 =	simm.s32 $0x2  }
0x12: {  	s13 =	sshrl.u32 s13, $0x3;
	s20 =	sshrl.u32 s15, $0x3;
	s21 =	sshrl.u32 s17, $0x3  }
0x13: {  	s24 =	sshrl.u32 s12, $0x3;
	s2 =	sshrl.u32 s2, $0x3;
	s13 =	sadd.s32 s0, s13  }
0x14: {  	s22 =	sadd.s32 s0, s21;
	s17 =	sadd.s32 s5, s24;
	[dreg:$0x4] =	wrdreg s13  }
0x15: {  	s24 =	simm.s32 $0x5;
	s13 =	sadd.s32 s0, s20;
	[dreg:$0x6] =	wrdreg s22  }
.Ltmp0:
0x16: {  	s26 =	sadd.s32 $0x10, s17;
	[dreg:$0x5] =	wrdreg s13;
	(pc) =	sbr.rel .LBB2_1-.Ltmp0, $4  }
0x17: {  	s22 =	sadd.s32 $0x100, s12;
	s13 =	sshrl.u32 s23, $0x3;
	[dreg:$0xa] =	wrdreg s26  }
0x18: {  	s23 =	simm.s32 $0x14200;
	s26 =	simm.s32 $0x80;
	s13 =	sadd.s32 s0, s13  }
0x19: {  	s0 =	sadd.s32 s0, s2;
	s2 =	simm.s32 $0x14180;
	[dreg:$0x7] =	wrdreg s13  }
0x1a: {  	[dreg:$0x8] =	wrdreg s0;
	s0 =	simm.s32 $0x3;
	s13 =	simm.s32 $0x4  }
.LBB2_4:
0x1b: {  	[bflag:$0x0] =	sbarrier.arrive $0xFFFF  }
0x1c: {  	[tilespmem:s23], [sflag:$0x5] =	stream.linear.gather [spmem:s7], $0x4000, $0x38;
	[tilespmem:$0x1C200] =	vst v63  }
0x1d: {  	_ =	swait.ge [sflag:s24], $0x4000  }
0x1e: {  	[sflag:s24] =	ssyncset.done $0x0  }
0x1f: {  	s15 =	rddreg [dreg:$0x4];
	[sflag:s24] =	ssyncadd.s32 $0xFFFFC000  }
0x20: {  	[hbm4b:s15+s3] =	stream.linear.scatter [tilespmem:s23], [sflag:$0x5], $0x4000, $0x38;
	[tilespmem:$0x1C200] =	vst v63  }
0x21: {  	_ =	swait.ge [sflag:s24], $0x4000  }
0x22: {  	[sflag:s24] =	ssyncset.done $0x0  }
0x23: {  	[sflag:s24] =	ssyncadd.s32 $0xFFFFC000  }
0x24: {  	[tilespmem:s23], [sflag:$0x5] =	stream.linear.gather [spmem:s8], $0x4000, $0x38;
	[tilespmem:$0x1C200] =	vst v63  }
0x25: {  	_ =	swait.ge [sflag:s24], $0x4000  }
0x26: {  	[sflag:s24] =	ssyncset.done $0x0  }
0x27: {  	s21 =	rddreg [dreg:$0x5];
	[sflag:s24] =	ssyncadd.s32 $0xFFFFC000  }
0x28: {  	[hbm4b:s21+s3] =	stream.linear.scatter [tilespmem:s23], [sflag:$0x5], $0x4000, $0x38;
	[tilespmem:$0x1C200] =	vst v63  }
0x29: {  	_ =	swait.ge [sflag:s24], $0x4000  }
0x2a: {  	[sflag:s24] =	ssyncset.done $0x0  }
0x2b: {  	[sflag:s24] =	ssyncadd.s32 $0xFFFFC000  }
0x2c: {  	[tilespmem:s23], [sflag:$0x5] =	stream.linear.gather [spmem:s9], $0x4000, $0x38;
	[tilespmem:$0x1C200] =	vst v63  }
0x2d: {  	_ =	swait.ge [sflag:s24], $0x4000  }
0x2e: {  	[sflag:s24] =	ssyncset.done $0x0  }
0x2f: {  	s18 =	rddreg [dreg:$0x6];
	[sflag:s24] =	ssyncadd.s32 $0xFFFFC000  }
0x30: {  	[hbm4b:s18+s3] =	stream.linear.scatter [tilespmem:s23], [sflag:$0x5], $0x4000, $0x38;
	[tilespmem:$0x1C200] =	vst v63  }
0x31: {  	_ =	swait.ge [sflag:s24], $0x4000  }
0x32: {  	[sflag:s24] =	ssyncset.done $0x0  }
0x33: {  	[sflag:s24] =	ssyncadd.s32 $0xFFFFC000  }
0x34: {  	[tilespmem:s23], [sflag:$0x5] =	stream.linear.gather [spmem:s10], $0x4000, $0x38;
	[tilespmem:$0x1C200] =	vst v63  }
0x35: {  	_ =	swait.ge [sflag:s24], $0x4000  }
0x36: {  	[sflag:s24] =	ssyncset.done $0x0  }
0x37: {  	s19 =	rddreg [dreg:$0x7];
	[sflag:s24] =	ssyncadd.s32 $0xFFFFC000  }
0x38: {  	[hbm4b:s19+s3] =	stream.linear.scatter [tilespmem:s23], [sflag:$0x5], $0x4000, $0x38;
	[tilespmem:$0x1C200] =	vst v63  }
0x39: {  	_ =	swait.ge [sflag:s24], $0x4000  }
0x3a: {  	[sflag:s24] =	ssyncset.done $0x0  }
0x3b: {  	[sflag:s24] =	ssyncadd.s32 $0xFFFFC000  }
0x3c: {  	[tilespmem:s23], [sflag:$0x5] =	stream.linear.gather [spmem:s11], $0x4000, $0x38;
	[tilespmem:$0x1C200] =	vst v63  }
0x3d: {  	_ =	swait.ge [sflag:s24], $0x4000  }
0x3e: {  	[sflag:s24] =	ssyncset.done $0x0  }
0x3f: {  	s20 =	rddreg [dreg:$0x8];
	[sflag:s24] =	ssyncadd.s32 $0xFFFFC000  }
0x40: {  	[hbm4b:s20+s3] =	stream.linear.scatter [tilespmem:s23], [sflag:$0x5], $0x4000, $0x38;
	[tilespmem:$0x1C200] =	vst v63  }
0x41: {  	_ =	swait.ge [sflag:s24], $0x4000  }
0x42: {  	s14 =	sadd.s32 $0x1, s14;
	s21 =	rddreg [dreg:$0x9]  }
0x43: {  	p0 =	sne.s32 s14, s21  }
.Ltmp1:
0x44: {  	_ = 	snop;
	(pc) =	sbr.rel @!p0 .LBB2_5-.Ltmp1, $3  }
0x45: {  	_ =	sdelay $0x1  }
0x46: {  	[sflag:s24] =	ssyncset.done $0x0  }
0x47: {  	[sflag:s24] =	ssyncadd.s32 $0xFFFFC000  }
.LBB2_1:
0x48: {  	s15 =	rddreg [dreg:$0x3]  }
0x49: {  	[tilespmem:s23], [sflag:$0x5] =	stream.linear.gather [hbm4b:s15+s3], $0x4000, $0x38;
	[tilespmem:$0x1C200] =	vst v63  }
0x4a: {  	_ =	swait.ge [sflag:s24], $0x4000  }
0x4b: {  	[sflag:s24] =	ssyncset.done $0x0  }
0x4c: {  	[sflag:s24] =	ssyncadd.s32 $0xFFFFC000  }
0x4d: {  	[spmem:s7] =	stream.linear.scatter [tilespmem:s23], [sflag:$0x5], $0x4000, $0x38;
	[tilespmem:$0x1C200] =	vst v63  }
0x4e: {  	_ =	swait.ge [sflag:s24], $0x4000  }
0x4f: {  	[sflag:s24] =	ssyncset.done $0x0  }
0x50: {  	[sflag:s24] =	ssyncadd.s32 $0xFFFFC000  }
0x51: {  	[spmem:s8] =	stream.linear.scatter [tilespmem:s23], [sflag:$0x5], $0x4000, $0x38;
	[tilespmem:$0x1C200] =	vst v63  }
0x52: {  	_ =	swait.ge [sflag:s24], $0x4000  }
0x53: {  	[sflag:s24] =	ssyncset.done $0x0  }
0x54: {  	[sflag:s24] =	ssyncadd.s32 $0xFFFFC000  }
0x55: {  	[spmem:s9] =	stream.linear.scatter [tilespmem:s23], [sflag:$0x5], $0x4000, $0x38;
	[tilespmem:$0x1C200] =	vst v63  }
0x56: {  	_ =	swait.ge [sflag:s24], $0x4000  }
0x57: {  	[sflag:s24] =	ssyncset.done $0x0  }
0x58: {  	[sflag:s24] =	ssyncadd.s32 $0xFFFFC000  }
0x59: {  	[spmem:s10] =	stream.linear.scatter [tilespmem:s23], [sflag:$0x5], $0x4000, $0x38;
	[tilespmem:$0x1C200] =	vst v63  }
0x5a: {  	_ =	swait.ge [sflag:s24], $0x4000  }
0x5b: {  	[sflag:s24] =	ssyncset.done $0x0  }
0x5c: {  	[sflag:s24] =	ssyncadd.s32 $0xFFFFC000  }
0x5d: {  	[spmem:s11] =	stream.linear.scatter [tilespmem:s23], [sflag:$0x5], $0x4000, $0x38;
	[tilespmem:$0x1C200] =	vst v63  }
0x5e: {  	_ =	swait.ge [sflag:s24], $0x4000  }
0x5f: {  	[sflag:s24] =	ssyncset.done $0x0  }
0x60: {  	[sflag:s24] =	ssyncadd.s32 $0xFFFFC000  }
0x61: {  	[bflag:$0x0] =	sbarrier.arrive $0xFFFF  }
0x62: {  	[tilespmem:s25], [sflag:$0x5] =	stream.linear.gather [hbm4b:s17+s3], $0x80, $0x38;
	[tilespmem:$0x1C200] =	vst v63  }
0x63: {  	_ =	swait.ge [sflag:s24], $0x80  }
0x64: {  	[sflag:s24] =	ssyncset.done $0x0  }
0x65: {  	[sflag:s24] =	ssyncadd.s32 $0xFFFFFF80  }
0x66: {  	[tilespmem:s23], [sflag:$0x1] =	stream.indirect.gather [hbm4b:s4+s26], $0x80, s25, s26, $0xb8;
	[tilespmem:$0x1C200] =	vst v63  }
0x67: {  	s21 =	rddreg [dreg:$0xa]  }
0x68: {  	[tilespmem:s28], [sflag:$0x5] =	stream.linear.gather [hbm4b:s21+s3], $0x80, $0x38;
	[tilespmem:$0x1C200] =	vst v63  }
0x69: {  	_ =	swait.ge [sflag:s24], $0x80  }
0x6a: {  	[sflag:s24] =	ssyncset.done $0x0  }
0x6b: {  	s15 =	simm.s32 $0x180;
	s21 =	smov.u32 s16;
	[sflag:s24] =	ssyncadd.s32 $0xFFFFFF80  }
0x6c: {  	[tilespmem:s29], [sflag:$0x2] =	stream.indirect.gather [hbm4b:s4+s26], $0x80, s28, s26, $0xb8;
	[tilespmem:$0x1C200] =	vst v63  }
.LBB2_2:
0x6d: {  	s18 =	sadd.s32 $0xFFFFFFF0, s21  }
0x6e: {  	[tilespmem:s30], [sflag:$0x5] =	stream.linear.gather [hbm4b:s18+s3], $0x80, $0x38;
	[tilespmem:$0x1C200] =	vst v63  }
0x6f: {  	_ =	swait.ge [sflag:s24], $0x80  }
0x70: {  	[sflag:s24] =	ssyncset.done $0x0  }
0x71: {  	[sflag:s24] =	ssyncadd.s32 $0xFFFFFF80  }
0x72: {  	_ =	swait.ge [sflag:s31], $0x4000  }
0x73: {  	p0 =	seq.s32 s15, $0x4F80;
	[sflag:s31] =	ssyncset.done $0x0  }
0x74: {  	s18 =	sadd.s32 @!p0 s15, s22;
	[sflag:s31] =	ssyncadd.s32 $0xFFFFC000  }
0x75: {  	[spmem:s1] =	stream.indirect.scatter.add.f32 [tilespmem:s23], [sflag:$0x3], $0x80, s30, s26, $0xb8;
	[tilespmem:$0x1C200] =	vst v63  }
0x76: {  	s18 =	sadd.s32 @!p0 $0xFFFFFE80, s18;
	_ =	swait.ge [sflag:s0], $0x4000  }
0x77: {  	s19 =	simm.s32 @!p0 $0x0;
	s18 =	sshrl.u32 @!p0 s18, $0x3;
	[sflag:s0] =	ssyncset.done $0x0  }
0x78: {  	s20 =	simm.s32 @!p0 $0x14000;
	s18 =	sadd.s32 @!p0 s5, s18;
	[sflag:s0] =	ssyncadd.s32 $0xFFFFC000  }
0x79: {  	[tilespmem:s20], [sflag:$0x5] =	stream.linear.gather @!p0 [hbm4b:s18+s19], $0x80, $0x38;
	[tilespmem:$0x1C200] =	vst v63  }
0x7a: {  	s18 =	simm.s32 @!p0 $0x5  }
0x7b: {  	_ =	swait.ge @!p0 [sflag:s18], $0x80  }
0x7c: {  	[sflag:s18] =	ssyncset.done @!p0 $0x0  }
0x7d: {  	s19 =	simm.s32 @!p0 $0x14200;
	[sflag:s18] =	ssyncadd.s32 @!p0 $0xFFFFFF80;
	s18 =	simm.s32 @!p0 $0x80  }
0x7e: {  	[tilespmem:s19], [sflag:$0x1] =	stream.indirect.gather @!p0 [hbm4b:s4+s18], $0x80, s20, s18, $0xb8;
	[tilespmem:$0x1C200] =	vst v63  }
0x7f: {  	_ = 	snop  }
0x80: {  	[tilespmem:s2], [sflag:$0x5] =	stream.linear.gather [hbm4b:s21+s3], $0x80, $0x38;
	[tilespmem:$0x1C200] =	vst v63  }
0x81: {  	_ =	swait.ge [sflag:s24], $0x80  }
0x82: {  	[sflag:s24] =	ssyncset.done $0x0  }
0x83: {  	[sflag:s24] =	ssyncadd.s32 $0xFFFFFF80  }
0x84: {  	_ =	swait.ge [sflag:s6], $0x4000  }
0x85: {  	[sflag:s6] =	ssyncset.done $0x0  }
.Ltmp2:
0x86: {  	[sflag:s6] =	ssyncadd.s32 $0xFFFFC000;
	(pc) =	sbr.rel @p0 .LBB2_4-.Ltmp2, $4  }
0x87: {  	[spmem:s1] =	stream.indirect.scatter.add.f32 [tilespmem:s29], [sflag:$0x4], $0x80, s2, s26, $0xb8;
	[tilespmem:$0x1C200] =	vst v63  }
0x88: {  	_ =	swait.ge [sflag:s13], $0x4000  }
0x89: {  	[sflag:s13] =	ssyncset.done $0x0  }
0x8a: {  	[sflag:s13] =	ssyncadd.s32 $0xFFFFC000  }
0x8b: {  	s18 =	smov.u32 s15  }
0x8c: {  	s18 =	simm.s32 @p0 $0x4F80  }
0x8d: {  	s18 =	sadd.s32 s18, s12  }
0x8e: {  	s18 =	sshrl.u32 s18, $0x3  }
0x8f: {  	s18 =	sadd.s32 s5, s18  }
0x90: {  	[tilespmem:s28], [sflag:$0x5] =	stream.linear.gather [hbm4b:s18+s3], $0x80, $0x38;
	[tilespmem:$0x1C200] =	vst v63  }
.Ltmp3:
0x91: {  	_ = 	snop;
	(pc) =	sbr.rel .LBB2_2-.Ltmp3, $4  }
0x92: {  	_ =	swait.ge [sflag:s24], $0x80  }
0x93: {  	[sflag:s24] =	ssyncset.done $0x0  }
0x94: {  	s15 =	sadd.s32 $0x100, s15;
	s21 =	sadd.s32 $0x20, s21;
	[sflag:s24] =	ssyncadd.s32 $0xFFFFFF80  }
0x95: {  	[tilespmem:s29], [sflag:$0x2] =	stream.indirect.gather [hbm4b:s4+s26], $0x80, s28, s26, $0xb8;
	[tilespmem:$0x1C200] =	vst v63  }
.LBB2_5:
0x96: {  	_ =	sfence.sel $0x180000  }
0x97: {  	[bflag:$0x0] =	sbarrier.arrive $0xFFFF  }
0x98: {  	_ =	strace $0x9000004A  }
0x99: {  	s0 =	stileid.u32;
	[bflag:$0x2] =	sbarrier.arrive $0xFFFF  }
0x9a: {  	p0 =	sne.s32 s0, $0x0;
	s0 =	rddreg [dreg:$0x2]  }
0x9b: {  	s0 =	sadd.s32 @!p0 $0x100000, s0  }
0x9c: {  	[sflag:s0] =	ssyncadd.tile.s32 @!p0 $0x1;
	_ =	shalt  }
.Lfunc_end2:
_tile_overlayer_lowered:
.L_overlay_start_2:
0x9d: {  	(tag) =	ssettag $0x2  }
0x9e: {  	s0 =	rddreg [dreg:$0x0];
	s2 =	stileid.u32  }
0x9f: {  	s1 =	rddreg [dreg:$0x1];
	p0 =	sne.s32 s2, $0x0  }
0xa0: {  	s3 =	rddreg [dreg:$0x2];
	[bflag:$0x3] =	sbarrier.arrive $0xFFFF;
	s2 =	simm.s32 @!p0 $0x1C05  }
0xa1: {  	[timem:s3], [sflag:s2] =	dma.local @!p0 [hbm:s0], s1  }
0xa2: {  	s0 =	simm.s32 @!p0 $0x5  }
0xa3: {  	_ =	swait.ge @!p0 [sflag:s0], s1  }
0xa4: {  	s1 =	ssub.s32 @!p0 $0x0, s1;
	[sflag:s0] =	ssyncset.done @!p0 $0x0  }
0xa5: {  	[sflag:s0] =	ssyncadd.s32 @!p0 s1  }
0xa6: {  	[bflag:$0x3] =	sbarrier.arrive $0xFFFF  }
0xa7: {  	_ =	shalt  }

// kernel: kernel.16.cloned.1.call-start
scs
__scs_entry_jumppad:
0x0: {  	(pc) =	sbr.rel $0x88, $3  }
0x1: {  	(tag) =	ssettag $0x0;
	lr =	simm.s32 $0x1  }
0x2: {  	[smem:$0x3F96] =	sst lr;
	_ =	strace $0xD0000000  }
0x3: {  	_ = 	snop  }
0x4: {  	_ = 	snop  }
0x5: {  	_ = 	snop  }
0x6: {  	_ = 	snop  }
0x7: {  	_ = 	snop  }
__scs_overlays_trampoline_lowered:
0x8: {  	[smem:$0x3FA5] =	sst s0  }
0x9: {  	[smem:$0x3FA6] =	sst s1  }
0xa: {  	[smem:$0x3FA7] =	sst s2  }
0xb: {  	[smem:$0x3FA8] =	sst s3  }
0xc: {  	[smem:$0x3FA9] =	sst s4  }
0xd: {  	[smem:$0x3FAA] =	sst s5  }
0xe: {  	[smem:$0x3FAB] =	sst s6  }
0xf: {  	[smem:$0x3FAC] =	sst s7  }
0x10: {  	[smem:$0x3FAD] =	sst s8  }
0x11: {  	[smem:$0x3FAE] =	sst s9;
	s0 =	simm.s32 @!p0 $0x0  }
0x12: {  	s1 =	sld [smem:$0x3F94];
	s0 =	simm.s32 @p0 $0x1  }
0x13: {  	[smem:$0x3FAF] =	sst s0;
	s0 =	simm.s32 @!p1 $0x0  }
0x14: {  	s2 =	sld [smem:$0x3F93];
	s0 =	simm.s32 @p1 $0x1  }
0x15: {  	[smem:$0x3FB0] =	sst s0;
	s0 =	simm.s32 @!p2 $0x0  }
0x16: {  	s3 =	sld [smem:$0x3FDB];
	s0 =	simm.s32 @p2 $0x1  }
0x17: {  	s4 =	simm.s32 $0x1BF5;
	[smem:$0x3FB2] =	sst s0  }
0x18: {  	s0 =	sld [smem:$0x3F95];
	_ =	swait.ge [sflag:s4], $0x0  }
0x19: {  	s7 =	sld [smem:$0x3F96]  }
0x1a: {  	s8 =	sadd.s32 $0xFFFFE003, lr  }
0x1b: {  	s9 =	sadd.s32 $0xFFFFFEF7, lr;
	s5 =	simm.s32 $0xFFFFFFFF;
	p2 =	slt.u32 s8, $0xFFFFF086  }
0x1c: {  	p1 =	slt.u32 s9, $0xF7A;
	s5 =	simm.s32 @!p2 $0x0  }
0x1d: {  	s5 =	simm.s32 @p1 $0x1;
	p0 =	seq.s32 s7, s2  }
0x1e: {  	s7 =	smul.u32 @!p0 $0xF7A, s2;
	p2 =	seq.s32 @!p0 s5, $0x0  }
0x1f: {  	s9 =	smul.u32 $0xF7A, s1;
	s8 =	simm.s32 @!p0 $0x1BF5;
	p2 =	por !p2, p0  }
0x20: {  	[sflag:s8] =	ssyncset.s32 @!p0 $0xFFFFF086;
	s6 =	sadd.s32 @!p0 s3, s7;
	s7 =	simm.s32 @!p0 $0x108  }
0x21: {  	s3 =	sadd.s32 s3, s9;
	s6 =	sadd.s32 @!p0 $0x88, s6;
	s7 =	simm.s32 @p2 $0x1082  }
0x22: {  	[simem:s7], [sflag:s8] =	dma.local @!p0 [hbm:s6], $0xF7A  }
0x23: {  	s9 =	sor.u32 $0xD0000000, s2;
	s6 =	simm.s32 $0x108;
	_ =	swait.ge @!p0 [sflag:s8], $0x0  }
0x24: {  	s3 =	sadd.s32 $0x88, s3;
	s6 =	simm.s32 @!p1 $0x1082;
	[sflag:s4] =	ssyncset.s32 $0xFFFFF086  }
0x25: {  	[simem:s6], [sflag:s4] =	dma.local [hbm:s3], $0xF7A  }
0x26: {  	[smem:$0x3F96] =	sst s1;
	(tag) =	ssettag s2;
	_ =	strace s9  }
0x27: {  	s1 =	sld [smem:$0x3FA6]  }
0x28: {  	s2 =	sld [smem:$0x3FA7]  }
0x29: {  	s4 =	sld [smem:$0x3FA9]  }
0x2a: {  	p0 =	seq.s32 s5, $0x0;
	s5 =	sld [smem:$0x3FAA]  }
0x2b: {  	s6 =	sld [smem:$0x3FAB]  }
0x2c: {  	s7 =	sld [smem:$0x3FAC]  }
0x2d: {  	s3 =	simm.s32 $0x108;
	s8 =	sld [smem:$0x3FAD]  }
0x2e: {  	s3 =	simm.s32 @!p0 $0x1082;
	s9 =	sld [smem:$0x3FAE]  }
0x2f: {  	lr =	sadd.s32 s0, s3;
	s0 =	sld [smem:$0x3FA5]  }
0x30: {  	s3 =	sld [smem:$0x3FA8]  }
0x31: {  	[smem:$0x3FB1] =	sst s10  }
0x32: {  	s10 =	sld [smem:$0x3FAF];
	_ =	sdelay $0x3  }
0x33: {  	p0 =	seq.s32 s10, $0x1;
	s10 =	sld [smem:$0x3FB1];
	_ =	sdelay $0x3  }
0x34: {  	[smem:$0x3FB1] =	sst s10  }
0x35: {  	s10 =	sld [smem:$0x3FB0];
	_ =	sdelay $0x3  }
0x36: {  	p1 =	seq.s32 s10, $0x1;
	s10 =	sld [smem:$0x3FB1];
	_ =	sdelay $0x3  }
0x37: {  	[smem:$0x3FB1] =	sst s10  }
0x38: {  	s10 =	sld [smem:$0x3FB2]  }
0x39: {  	_ = 	snop;
	(pc) =	sbr.ind lr, $3  }
0x3a: {  	_ = 	snop  }
0x3b: {  	_ = 	snop  }
0x3c: {  	p2 =	seq.s32 s10, $0x1;
	s10 =	sld [smem:$0x3FB1]  }
0x3d: {  	_ =	shalt  }
0x3e: {  	_ =	shalt  }
0x3f: {  	_ =	shalt  }
0x40: {  	_ =	shalt  }
0x41: {  	_ =	shalt  }
0x42: {  	_ =	shalt  }
0x43: {  	_ =	shalt  }
0x44: {  	_ =	shalt  }
0x45: {  	_ =	shalt  }
0x46: {  	_ =	shalt  }
0x47: {  	_ =	shalt  }
0x48: {  	_ =	shalt  }
0x49: {  	_ =	shalt  }
0x4a: {  	_ =	shalt  }
0x4b: {  	_ =	shalt  }
0x4c: {  	_ =	shalt  }
0x4d: {  	_ =	shalt  }
0x4e: {  	_ =	shalt  }
0x4f: {  	_ =	shalt  }
0x50: {  	_ =	shalt  }
0x51: {  	_ =	shalt  }
0x52: {  	_ =	shalt  }
0x53: {  	_ =	shalt  }
0x54: {  	_ =	shalt  }
0x55: {  	_ =	shalt  }
0x56: {  	_ =	shalt  }
0x57: {  	_ =	shalt  }
0x58: {  	_ =	shalt  }
0x59: {  	_ =	shalt  }
0x5a: {  	_ =	shalt  }
0x5b: {  	_ =	shalt  }
0x5c: {  	_ =	shalt  }
0x5d: {  	_ =	shalt  }
0x5e: {  	_ =	shalt  }
0x5f: {  	_ =	shalt  }
0x60: {  	_ =	shalt  }
0x61: {  	_ =	shalt  }
0x62: {  	_ =	shalt  }
0x63: {  	_ =	shalt  }
0x64: {  	_ =	shalt  }
0x65: {  	_ =	shalt  }
0x66: {  	_ =	shalt  }
0x67: {  	_ =	shalt  }
0x68: {  	_ =	shalt  }
0x69: {  	_ =	shalt  }
0x6a: {  	_ =	shalt  }
0x6b: {  	_ =	shalt  }
0x6c: {  	_ =	shalt  }
0x6d: {  	_ =	shalt  }
0x6e: {  	_ =	shalt  }
0x6f: {  	_ =	shalt  }
0x70: {  	_ =	shalt  }
0x71: {  	_ =	shalt  }
0x72: {  	_ =	shalt  }
0x73: {  	_ =	shalt  }
0x74: {  	_ =	shalt  }
0x75: {  	_ =	shalt  }
0x76: {  	_ =	shalt  }
0x77: {  	_ =	shalt  }
0x78: {  	_ =	shalt  }
0x79: {  	_ =	shalt  }
0x7a: {  	_ =	shalt  }
0x7b: {  	_ =	shalt  }
0x7c: {  	_ =	shalt  }
0x7d: {  	_ =	shalt  }
0x7e: {  	_ =	shalt  }
0x7f: {  	_ =	shalt  }
0x80: {  	_ =	shalt  }
0x81: {  	_ =	shalt  }
0x82: {  	_ =	shalt  }
0x83: {  	_ =	shalt  }
0x84: {  	_ =	shalt  }
0x85: {  	_ =	shalt  }
0x86: {  	_ =	shalt  }
0x87: {  	_ =	shalt  }
.Lfunc_end0:
.L_simem_size_0:
called_computation.2_lowered:
.L_overlay_start_0:
0x88: {  	s2 =	sld [smem:$0x3FD9]  }
0x89: {  	s3 =	sld [smem:$0x3FFE];
	_ =	sdelay $0x1  }
0x8a: {  	s1 =	srdreg.scid  }
0x8b: {  	s0 =	sand.u32 $0x1, s1  }
0x8c: {  	s16 =	sshll.u32 s0, $0xA;
	s2 =	sadd.s32 s3, s2  }
0x8d: {  	s2 =	sadd.s32 s2, s16  }
0x8e: {  	[smem:$0x3FBD] =	sst s2  }
0x8f: {  	_ = 	snop  }
0x90: {  	(tm) =	ssettm $0x1  }
0x91: {  	s17 =	sld [smem:$0x3FFB];
	_ =	sdelay $0x3  }
0x92: {  	_ =	strace s17  }
0x93: {  	s2 =	sld [smem:$0x3FFC];
	_ =	sdelay $0x3  }
0x94: {  	_ =	strace s2  }
0x95: {  	s2 =	sld [smem:$0x3FFD];
	_ =	sdelay $0x3  }
0x96: {  	_ =	strace s2  }
0x97: {  	_ =	strace $0x8FFFFFFF  }
0x98: {  	s18 =	sld [smem:$0x3FDB];
	_ =	sdelay $0x1  }
0x99: {  	s19 =	simm.s32 $_scs_section_size  }
0x9a: {  	s4 =	simm.s32 $_size__tile_overlayer_lowered;
	s5 =	simm.s32 $_tile_overlayer_lowered  }
0x9b: {  	s22 =	simm.s32 $0x1BFF;
	s21 =	sshll.u32 s5, $0x1;
	s2 =	sadd.s32 s19, s18  }
0x9c: {  	s6 =	simm.s32 $0x0;
	s20 =	sshll.u32 s4, $0x1;
	s4 =	sadd.s32 s21, s2  }
0x9d: {  	[timem:s6], [sflag:s22] =	dma.local [hbm:s4], s20  }
0x9e: {  	_ =	swait.ge [sflag:s22], s20  }
0x9f: {  	s3 =	ssub.s32 $0x0, s20;
	[sflag:s22] =	ssyncset.done $0x0  }
0xa0: {  	[sflag:s22] =	ssyncadd.s32 s3;
	_ =	sdelay $0x1  }
0xa1: {  	s23 =	simm.s32 $0x1B8B  }
0xa2: {  	_ =	swait.ge [sflag:s23], $0x1  }
0xa3: {  	[sflag:s23] =	ssyncset.done $0x0  }
0xa4: {  	s25 =	simm.s32 $0x1B8E;
	s24 =	sld [smem:$0x3FFE];
	[sflag:s23] =	ssyncadd.s32 $0xFFFFFFFF  }
0xa5: {  	s26 =	simm.s32 $execute0_lowered;
	[smem:$0x3FD2] =	sst s25  }
0xa6: {  	s4 =	sshll.u32 s26, $0x1;
	_ =	strace $0x8000004C;
	[dreg:$0x1] =	wrdreg $0xFFFFFFFF  }
0xa7: {  	s28 =	simm.s32 $_size_execute0_lowered;
	s2 =	sadd.s32 s2, s4;
	[dreg:$0x0] =	wrdreg $0x0  }
0xa8: {  	s4 =	sshll.u32 s28, $0x1;
	[dreg:$0x2] =	wrdreg s2  }
0xa9: {  	[dreg:$0x3] =	wrdreg s4  }
0xaa: {  	[dreg:$0x4] =	wrdreg $0xC0  }
0xab: {  	_ =	task [dreg:s6], $0x5FFFF  }
0xac: {  	[dreg:$0x1] =	wrdreg $0xFFFFFFFF  }
0xad: {  	[dreg:$0x0] =	wrdreg $0x60  }
0xae: {  	[dreg:$0x2] =	wrdreg s24  }
0xaf: {  	[dreg:$0x3] =	wrdreg $0x0  }
0xb0: {  	[dreg:$0x4] =	wrdreg $0x9  }
0xb1: {  	_ =	task.clear_ibuf [dreg:s6], $0x5FFFF;
	_ =	strace $0x9000004C  }
0xb2: {  	s29 =	simm.s32 $0x9;
	_ =	strace $0x8000004E  }
0xb3: {  	_ =	swait.ge [sflag:s29], $0x1  }
0xb4: {  	[sflag:s29] =	ssyncadd.s32 $0xFFFFFFFF  }
0xb5: {  	_ =	strace $0x9000004E  }
0xb6: {  	_ =	sfence  }
0xb7: {  	s30 =	sld [smem:$0x0];
	_ =	sdelay $0x2  }
0xb8: {  	s31 =	sshll.u32 s1, $0xD;
	s1 =	sshrl.u32 s1, $0x2  }
0xb9: {  	s3 =	sand.u32 $0x4000, s31;
	s1 =	sadd.s32 s1, s30  }
0xba: {  	s0 =	sor.u32 s3, s0;
	s1 =	sshll.u32 s1, $0x11  }
0xbb: {  	s0 =	sor.u32 s1, s0  }
0xbc: {  	s0 =	sadd.s32 $0x8F2B, s0  }
0xbd: {  	[sflag:s0] =	ssyncadd.remote.s32 $0x1  }
0xbe: {  	_ =	sfence.sel $0xFFFF  }
0xbf: {  	[dreg:$0x0] =	wrdreg $0xFFFFFFFF;
	(pc) =	sbr.abs _section_cstart, $3  }
0xc0: {  	[dreg:$0x1] =	wrdreg $0xFFFFFFFF  }
0xc1: {  	_ =	task.clear_ibuf [dreg:s6], $0x2FFFF;
	_ =	strace $0x9FFFFFFF  }
0xc2: {  	(tm) =	ssettm $0x7FFFFFFF  }
0xc3: {  	_ =	shalt  }
tec
execute0_lowered:
.L_overlay_start_1:
0x0: {  	(tag) =	ssettag $0x1  }
0x1: {  	s0 =	rddreg [dreg:$0x0]  }
0x2: {  	s1 =	rddreg [dreg:$0x1];
	s3 =	simm.s32 $0x0;
	s10 =	stileid.u32  }
0x3: {  	s2 =	srdreg.scid;
	s28 =	simm.s32 $0x14080;
	s29 =	simm.s32 $0x18200  }
0x4: {  	s30 =	simm.s32 $0x14100;
	s31 =	simm.s32 $0x1;
	s6 =	smul.u32 $0x9E0, s10  }
0x5: {  	[smem:$0x7FF] =	sst s3;
	s4 =	sadd.s32 $0xD200, s0;
	s8 =	smul.u32 $0x50000, s10  }
0x6: {  	s2 =	sand.u32 $0x1, s2;
	s5 =	sadd.s32 $0x5DA00, s0;
	s13 =	smul.u32 $0x14000, s10  }
0x7: {  	s11 =	sadd.s32 $0xCA00, s0;
	s12 =	smul.u32 $0x4F00, s10;
	_ =	strace $0x8000004D  }
0x8: {  	s7 =	ssub.s32 $0x2, s2;
	[dreg:$0x3] =	wrdreg s11;
	s6 =	sadd.s32 s6, s0  }
0x9: {  	s9 =	sshrl.u32 s7, $0x1;
	s0 =	sadd.s32 $0x71600, s0;
	s16 =	sshrl.u32 s8, $0x2  }
0xa: {  	s15 =	sadd.s32 $0x4000, s13;
	s17 =	sadd.s32 $0x8000, s13;
	s18 =	sadd.s32 $0xC000, s13  }
0xb: {  	s14 =	ssub.s32 s7, s9;
	s7 =	sadd.s32 s16, s1;
	s16 =	smul.u32 $0x4F000, s2  }
0xc: {  	s19 =	sadd.s32 $0x10000, s13;
	s8 =	sadd.s32 s15, s1;
	s2 =	smul.u32 $0x140000, s2  }
0xd: {  	s9 =	sadd.s32 s17, s1;
	s10 =	sadd.s32 s18, s1;
	s11 =	sadd.s32 s19, s1  }
0xe: {  	s25 =	smax.u32 s14, $0x1;
	s14 =	simm.s32 $0x0;
	s12 =	sadd.s32 s12, s16  }
0xf: {  	s13 =	sadd.s32 s13, s2;
	s15 =	sadd.s32 s2, s15;
	s17 =	sadd.s32 s2, s17  }
0x10: {  	s23 =	sadd.s32 s2, s18;
	s2 =	sadd.s32 s2, s19;
	[dreg:$0x9] =	wrdreg s25  }
0x11: {  	s16 =	sadd.s32 $0x2C10, s6;
	s25 =	simm.s32 $0x14000;
	s6 =	simm.s32 $0x2  }
0x12: {  	s13 =	sshrl.u32 s13, $0x3;
	s20 =	sshrl.u32 s15, $0x3;
	s21 =	sshrl.u32 s17, $0x3  }
0x13: {  	s24 =	sshrl.u32 s12, $0x3;
	s2 =	sshrl.u32 s2, $0x3;
	s13 =	sadd.s32 s0, s13  }
0x14: {  	s22 =	sadd.s32 s0, s21;
	s17 =	sadd.s32 s5, s24;
	[dreg:$0x4] =	wrdreg s13  }
0x15: {  	s24 =	simm.s32 $0x5;
	s13 =	sadd.s32 s0, s20;
	[dreg:$0x6] =	wrdreg s22  }
.Ltmp0:
0x16: {  	s26 =	sadd.s32 $0x10, s17;
	[dreg:$0x5] =	wrdreg s13;
	(pc) =	sbr.rel .LBB2_1-.Ltmp0, $4  }
0x17: {  	s22 =	sadd.s32 $0x100, s12;
	s13 =	sshrl.u32 s23, $0x3;
	[dreg:$0xa] =	wrdreg s26  }
0x18: {  	s23 =	simm.s32 $0x14200;
	s26 =	simm.s32 $0x80;
	s13 =	sadd.s32 s0, s13  }
0x19: {  	s0 =	sadd.s32 s0, s2;
	s2 =	simm.s32 $0x14180;
	[dreg:$0x7] =	wrdreg s13  }
0x1a: {  	[dreg:$0x8] =	wrdreg s0;
	s0 =	simm.s32 $0x3;
	s13 =	simm.s32 $0x4  }
.LBB2_4:
0x1b: {  	[bflag:$0x0] =	sbarrier.arrive $0xFFFF  }
0x1c: {  	[tilespmem:s23], [sflag:$0x5] =	stream.linear.gather [spmem:s7], $0x4000, $0x38;
	[tilespmem:$0x1C200] =	vst v63  }
0x1d: {  	_ =	swait.ge [sflag:s24], $0x4000  }
0x1e: {  	[sflag:s24] =	ssyncset.done $0x0  }
0x1f: {  	s15 =	rddreg [dreg:$0x4];
	[sflag:s24] =	ssyncadd.s32 $0xFFFFC000  }
0x20: {  	[hbm4b:s15+s3] =	stream.linear.scatter [tilespmem:s23], [sflag:$0x5], $0x4000, $0x38;
	[tilespmem:$0x1C200] =	vst v63  }
0x21: {  	_ =	swait.ge [sflag:s24], $0x4000  }
0x22: {  	[sflag:s24] =	ssyncset.done $0x0  }
0x23: {  	[sflag:s24] =	ssyncadd.s32 $0xFFFFC000  }
0x24: {  	[tilespmem:s23], [sflag:$0x5] =	stream.linear.gather [spmem:s8], $0x4000, $0x38;
	[tilespmem:$0x1C200] =	vst v63  }
0x25: {  	_ =	swait.ge [sflag:s24], $0x4000  }
0x26: {  	[sflag:s24] =	ssyncset.done $0x0  }
0x27: {  	s21 =	rddreg [dreg:$0x5];
	[sflag:s24] =	ssyncadd.s32 $0xFFFFC000  }
0x28: {  	[hbm4b:s21+s3] =	stream.linear.scatter [tilespmem:s23], [sflag:$0x5], $0x4000, $0x38;
	[tilespmem:$0x1C200] =	vst v63  }
0x29: {  	_ =	swait.ge [sflag:s24], $0x4000  }
0x2a: {  	[sflag:s24] =	ssyncset.done $0x0  }
0x2b: {  	[sflag:s24] =	ssyncadd.s32 $0xFFFFC000  }
0x2c: {  	[tilespmem:s23], [sflag:$0x5] =	stream.linear.gather [spmem:s9], $0x4000, $0x38;
	[tilespmem:$0x1C200] =	vst v63  }
0x2d: {  	_ =	swait.ge [sflag:s24], $0x4000  }
0x2e: {  	[sflag:s24] =	ssyncset.done $0x0  }
0x2f: {  	s18 =	rddreg [dreg:$0x6];
	[sflag:s24] =	ssyncadd.s32 $0xFFFFC000  }
0x30: {  	[hbm4b:s18+s3] =	stream.linear.scatter [tilespmem:s23], [sflag:$0x5], $0x4000, $0x38;
	[tilespmem:$0x1C200] =	vst v63  }
0x31: {  	_ =	swait.ge [sflag:s24], $0x4000  }
0x32: {  	[sflag:s24] =	ssyncset.done $0x0  }
0x33: {  	[sflag:s24] =	ssyncadd.s32 $0xFFFFC000  }
0x34: {  	[tilespmem:s23], [sflag:$0x5] =	stream.linear.gather [spmem:s10], $0x4000, $0x38;
	[tilespmem:$0x1C200] =	vst v63  }
0x35: {  	_ =	swait.ge [sflag:s24], $0x4000  }
0x36: {  	[sflag:s24] =	ssyncset.done $0x0  }
0x37: {  	s19 =	rddreg [dreg:$0x7];
	[sflag:s24] =	ssyncadd.s32 $0xFFFFC000  }
0x38: {  	[hbm4b:s19+s3] =	stream.linear.scatter [tilespmem:s23], [sflag:$0x5], $0x4000, $0x38;
	[tilespmem:$0x1C200] =	vst v63  }
0x39: {  	_ =	swait.ge [sflag:s24], $0x4000  }
0x3a: {  	[sflag:s24] =	ssyncset.done $0x0  }
0x3b: {  	[sflag:s24] =	ssyncadd.s32 $0xFFFFC000  }
0x3c: {  	[tilespmem:s23], [sflag:$0x5] =	stream.linear.gather [spmem:s11], $0x4000, $0x38;
	[tilespmem:$0x1C200] =	vst v63  }
0x3d: {  	_ =	swait.ge [sflag:s24], $0x4000  }
0x3e: {  	[sflag:s24] =	ssyncset.done $0x0  }
0x3f: {  	s20 =	rddreg [dreg:$0x8];
	[sflag:s24] =	ssyncadd.s32 $0xFFFFC000  }
0x40: {  	[hbm4b:s20+s3] =	stream.linear.scatter [tilespmem:s23], [sflag:$0x5], $0x4000, $0x38;
	[tilespmem:$0x1C200] =	vst v63  }
0x41: {  	_ =	swait.ge [sflag:s24], $0x4000  }
0x42: {  	s14 =	sadd.s32 $0x1, s14;
	s21 =	rddreg [dreg:$0x9]  }
0x43: {  	p0 =	sne.s32 s14, s21  }
.Ltmp1:
0x44: {  	_ = 	snop;
	(pc) =	sbr.rel @!p0 .LBB2_5-.Ltmp1, $3  }
0x45: {  	_ =	sdelay $0x1  }
0x46: {  	[sflag:s24] =	ssyncset.done $0x0  }
0x47: {  	[sflag:s24] =	ssyncadd.s32 $0xFFFFC000  }
.LBB2_1:
0x48: {  	s15 =	rddreg [dreg:$0x3]  }
0x49: {  	[tilespmem:s23], [sflag:$0x5] =	stream.linear.gather [hbm4b:s15+s3], $0x4000, $0x38;
	[tilespmem:$0x1C200] =	vst v63  }
0x4a: {  	_ =	swait.ge [sflag:s24], $0x4000  }
0x4b: {  	[sflag:s24] =	ssyncset.done $0x0  }
0x4c: {  	[sflag:s24] =	ssyncadd.s32 $0xFFFFC000  }
0x4d: {  	[spmem:s7] =	stream.linear.scatter [tilespmem:s23], [sflag:$0x5], $0x4000, $0x38;
	[tilespmem:$0x1C200] =	vst v63  }
0x4e: {  	_ =	swait.ge [sflag:s24], $0x4000  }
0x4f: {  	[sflag:s24] =	ssyncset.done $0x0  }
0x50: {  	[sflag:s24] =	ssyncadd.s32 $0xFFFFC000  }
0x51: {  	[spmem:s8] =	stream.linear.scatter [tilespmem:s23], [sflag:$0x5], $0x4000, $0x38;
	[tilespmem:$0x1C200] =	vst v63  }
0x52: {  	_ =	swait.ge [sflag:s24], $0x4000  }
0x53: {  	[sflag:s24] =	ssyncset.done $0x0  }
0x54: {  	[sflag:s24] =	ssyncadd.s32 $0xFFFFC000  }
0x55: {  	[spmem:s9] =	stream.linear.scatter [tilespmem:s23], [sflag:$0x5], $0x4000, $0x38;
	[tilespmem:$0x1C200] =	vst v63  }
0x56: {  	_ =	swait.ge [sflag:s24], $0x4000  }
0x57: {  	[sflag:s24] =	ssyncset.done $0x0  }
0x58: {  	[sflag:s24] =	ssyncadd.s32 $0xFFFFC000  }
0x59: {  	[spmem:s10] =	stream.linear.scatter [tilespmem:s23], [sflag:$0x5], $0x4000, $0x38;
	[tilespmem:$0x1C200] =	vst v63  }
0x5a: {  	_ =	swait.ge [sflag:s24], $0x4000  }
0x5b: {  	[sflag:s24] =	ssyncset.done $0x0  }
0x5c: {  	[sflag:s24] =	ssyncadd.s32 $0xFFFFC000  }
0x5d: {  	[spmem:s11] =	stream.linear.scatter [tilespmem:s23], [sflag:$0x5], $0x4000, $0x38;
	[tilespmem:$0x1C200] =	vst v63  }
0x5e: {  	_ =	swait.ge [sflag:s24], $0x4000  }
0x5f: {  	[sflag:s24] =	ssyncset.done $0x0  }
0x60: {  	[sflag:s24] =	ssyncadd.s32 $0xFFFFC000  }
0x61: {  	[bflag:$0x0] =	sbarrier.arrive $0xFFFF  }
0x62: {  	[tilespmem:s25], [sflag:$0x5] =	stream.linear.gather [hbm4b:s17+s3], $0x80, $0x38;
	[tilespmem:$0x1C200] =	vst v63  }
0x63: {  	_ =	swait.ge [sflag:s24], $0x80  }
0x64: {  	[sflag:s24] =	ssyncset.done $0x0  }
0x65: {  	[sflag:s24] =	ssyncadd.s32 $0xFFFFFF80  }
0x66: {  	[tilespmem:s23], [sflag:$0x1] =	stream.indirect.gather [hbm4b:s4+s26], $0x80, s25, s26, $0xb8;
	[tilespmem:$0x1C200] =	vst v63  }
0x67: {  	s21 =	rddreg [dreg:$0xa]  }
0x68: {  	[tilespmem:s28], [sflag:$0x5] =	stream.linear.gather [hbm4b:s21+s3], $0x80, $0x38;
	[tilespmem:$0x1C200] =	vst v63  }
0x69: {  	_ =	swait.ge [sflag:s24], $0x80  }
0x6a: {  	[sflag:s24] =	ssyncset.done $0x0  }
0x6b: {  	s15 =	simm.s32 $0x180;
	s21 =	smov.u32 s16;
	[sflag:s24] =	ssyncadd.s32 $0xFFFFFF80  }
0x6c: {  	[tilespmem:s29], [sflag:$0x2] =	stream.indirect.gather [hbm4b:s4+s26], $0x80, s28, s26, $0xb8;
	[tilespmem:$0x1C200] =	vst v63  }
.LBB2_2:
0x6d: {  	s18 =	sadd.s32 $0xFFFFFFF0, s21  }
0x6e: {  	[tilespmem:s30], [sflag:$0x5] =	stream.linear.gather [hbm4b:s18+s3], $0x80, $0x38;
	[tilespmem:$0x1C200] =	vst v63  }
0x6f: {  	_ =	swait.ge [sflag:s24], $0x80  }
0x70: {  	[sflag:s24] =	ssyncset.done $0x0  }
0x71: {  	[sflag:s24] =	ssyncadd.s32 $0xFFFFFF80  }
0x72: {  	_ =	swait.ge [sflag:s31], $0x4000  }
0x73: {  	p0 =	seq.s32 s15, $0x4F80;
	[sflag:s31] =	ssyncset.done $0x0  }
0x74: {  	s18 =	sadd.s32 @!p0 s15, s22;
	[sflag:s31] =	ssyncadd.s32 $0xFFFFC000  }
0x75: {  	[spmem:s1] =	stream.indirect.scatter.add.f32 [tilespmem:s23], [sflag:$0x3], $0x80, s30, s26, $0xb8;
	[tilespmem:$0x1C200] =	vst v63  }
0x76: {  	s18 =	sadd.s32 @!p0 $0xFFFFFE80, s18;
	_ =	swait.ge [sflag:s0], $0x4000  }
0x77: {  	s19 =	simm.s32 @!p0 $0x0;
	s18 =	sshrl.u32 @!p0 s18, $0x3;
	[sflag:s0] =	ssyncset.done $0x0  }
0x78: {  	s20 =	simm.s32 @!p0 $0x14000;
	s18 =	sadd.s32 @!p0 s5, s18;
	[sflag:s0] =	ssyncadd.s32 $0xFFFFC000  }
0x79: {  	[tilespmem:s20], [sflag:$0x5] =	stream.linear.gather @!p0 [hbm4b:s18+s19], $0x80, $0x38;
	[tilespmem:$0x1C200] =	vst v63  }
0x7a: {  	s18 =	simm.s32 @!p0 $0x5  }
0x7b: {  	_ =	swait.ge @!p0 [sflag:s18], $0x80  }
0x7c: {  	[sflag:s18] =	ssyncset.done @!p0 $0x0  }
0x7d: {  	s19 =	simm.s32 @!p0 $0x14200;
	[sflag:s18] =	ssyncadd.s32 @!p0 $0xFFFFFF80;
	s18 =	simm.s32 @!p0 $0x80  }
0x7e: {  	[tilespmem:s19], [sflag:$0x1] =	stream.indirect.gather @!p0 [hbm4b:s4+s18], $0x80, s20, s18, $0xb8;
	[tilespmem:$0x1C200] =	vst v63  }
0x7f: {  	_ = 	snop  }
0x80: {  	[tilespmem:s2], [sflag:$0x5] =	stream.linear.gather [hbm4b:s21+s3], $0x80, $0x38;
	[tilespmem:$0x1C200] =	vst v63  }
0x81: {  	_ =	swait.ge [sflag:s24], $0x80  }
0x82: {  	[sflag:s24] =	ssyncset.done $0x0  }
0x83: {  	[sflag:s24] =	ssyncadd.s32 $0xFFFFFF80  }
0x84: {  	_ =	swait.ge [sflag:s6], $0x4000  }
0x85: {  	[sflag:s6] =	ssyncset.done $0x0  }
.Ltmp2:
0x86: {  	[sflag:s6] =	ssyncadd.s32 $0xFFFFC000;
	(pc) =	sbr.rel @p0 .LBB2_4-.Ltmp2, $4  }
0x87: {  	[spmem:s1] =	stream.indirect.scatter.add.f32 [tilespmem:s29], [sflag:$0x4], $0x80, s2, s26, $0xb8;
	[tilespmem:$0x1C200] =	vst v63  }
0x88: {  	_ =	swait.ge [sflag:s13], $0x4000  }
0x89: {  	[sflag:s13] =	ssyncset.done $0x0  }
0x8a: {  	[sflag:s13] =	ssyncadd.s32 $0xFFFFC000  }
0x8b: {  	s18 =	smov.u32 s15  }
0x8c: {  	s18 =	simm.s32 @p0 $0x4F80  }
0x8d: {  	s18 =	sadd.s32 s18, s12  }
0x8e: {  	s18 =	sshrl.u32 s18, $0x3  }
0x8f: {  	s18 =	sadd.s32 s5, s18  }
0x90: {  	[tilespmem:s28], [sflag:$0x5] =	stream.linear.gather [hbm4b:s18+s3], $0x80, $0x38;
	[tilespmem:$0x1C200] =	vst v63  }
.Ltmp3:
0x91: {  	_ = 	snop;
	(pc) =	sbr.rel .LBB2_2-.Ltmp3, $4  }
0x92: {  	_ =	swait.ge [sflag:s24], $0x80  }
0x93: {  	[sflag:s24] =	ssyncset.done $0x0  }
0x94: {  	s15 =	sadd.s32 $0x100, s15;
	s21 =	sadd.s32 $0x20, s21;
	[sflag:s24] =	ssyncadd.s32 $0xFFFFFF80  }
0x95: {  	[tilespmem:s29], [sflag:$0x2] =	stream.indirect.gather [hbm4b:s4+s26], $0x80, s28, s26, $0xb8;
	[tilespmem:$0x1C200] =	vst v63  }
.LBB2_5:
0x96: {  	_ =	sfence.sel $0x180000  }
0x97: {  	[bflag:$0x0] =	sbarrier.arrive $0xFFFF  }
0x98: {  	_ =	strace $0x9000004D  }
0x99: {  	s0 =	stileid.u32;
	[bflag:$0x2] =	sbarrier.arrive $0xFFFF  }
0x9a: {  	p0 =	sne.s32 s0, $0x0;
	s0 =	rddreg [dreg:$0x2]  }
0x9b: {  	s0 =	sadd.s32 @!p0 $0x100000, s0  }
0x9c: {  	[sflag:s0] =	ssyncadd.tile.s32 @!p0 $0x1;
	_ =	shalt  }
.Lfunc_end2:
_tile_overlayer_lowered:
.L_overlay_start_2:
0x9d: {  	(tag) =	ssettag $0x2  }
0x9e: {  	s0 =	rddreg [dreg:$0x0];
	s2 =	stileid.u32  }
0x9f: {  	s1 =	rddreg [dreg:$0x1];
	p0 =	sne.s32 s2, $0x0  }
0xa0: {  	s3 =	rddreg [dreg:$0x2];
	[bflag:$0x3] =	sbarrier.arrive $0xFFFF;
	s2 =	simm.s32 @!p0 $0x1C05  }
0xa1: {  	[timem:s3], [sflag:s2] =	dma.local @!p0 [hbm:s0], s1  }
0xa2: {  	s0 =	simm.s32 @!p0 $0x5  }
0xa3: {  	_ =	swait.ge @!p0 [sflag:s0], s1  }
0xa4: {  	s1 =	ssub.s32 @!p0 $0x0, s1;
	[sflag:s0] =	ssyncset.done @!p0 $0x0  }
0xa5: {  	[sflag:s0] =	ssyncadd.s32 @!p0 s1  }
0xa6: {  	[bflag:$0x3] =	sbarrier.arrive $0xFFFF  }
0xa7: {  	_ =	shalt  }

// kernel: kernel.19.cloned.1.call-start
scs
__scs_entry_jumppad:
0x0: {  	(pc) =	sbr.rel $0x88, $3  }
0x1: {  	(tag) =	ssettag $0x0;
	lr =	simm.s32 $0x1  }
0x2: {  	[smem:$0x3F96] =	sst lr;
	_ =	strace $0xD0000000  }
0x3: {  	_ = 	snop  }
0x4: {  	_ = 	snop  }
0x5: {  	_ = 	snop  }
0x6: {  	_ = 	snop  }
0x7: {  	_ = 	snop  }
__scs_overlays_trampoline_lowered:
0x8: {  	[smem:$0x3FA5] =	sst s0  }
0x9: {  	[smem:$0x3FA6] =	sst s1  }
0xa: {  	[smem:$0x3FA7] =	sst s2  }
0xb: {  	[smem:$0x3FA8] =	sst s3  }
0xc: {  	[smem:$0x3FA9] =	sst s4  }
0xd: {  	[smem:$0x3FAA] =	sst s5  }
0xe: {  	[smem:$0x3FAB] =	sst s6  }
0xf: {  	[smem:$0x3FAC] =	sst s7  }
0x10: {  	[smem:$0x3FAD] =	sst s8  }
0x11: {  	[smem:$0x3FAE] =	sst s9;
	s0 =	simm.s32 @!p0 $0x0  }
0x12: {  	s1 =	sld [smem:$0x3F94];
	s0 =	simm.s32 @p0 $0x1  }
0x13: {  	[smem:$0x3FAF] =	sst s0;
	s0 =	simm.s32 @!p1 $0x0  }
0x14: {  	s2 =	sld [smem:$0x3F93];
	s0 =	simm.s32 @p1 $0x1  }
0x15: {  	[smem:$0x3FB0] =	sst s0;
	s0 =	simm.s32 @!p2 $0x0  }
0x16: {  	s3 =	sld [smem:$0x3FDB];
	s0 =	simm.s32 @p2 $0x1  }
0x17: {  	s4 =	simm.s32 $0x1BF5;
	[smem:$0x3FB2] =	sst s0  }
0x18: {  	s0 =	sld [smem:$0x3F95];
	_ =	swait.ge [sflag:s4], $0x0  }
0x19: {  	s7 =	sld [smem:$0x3F96]  }
0x1a: {  	s8 =	sadd.s32 $0xFFFFE003, lr  }
0x1b: {  	s9 =	sadd.s32 $0xFFFFFEF7, lr;
	s5 =	simm.s32 $0xFFFFFFFF;
	p2 =	slt.u32 s8, $0xFFFFF086  }
0x1c: {  	p1 =	slt.u32 s9, $0xF7A;
	s5 =	simm.s32 @!p2 $0x0  }
0x1d: {  	s5 =	simm.s32 @p1 $0x1;
	p0 =	seq.s32 s7, s2  }
0x1e: {  	s7 =	smul.u32 @!p0 $0xF7A, s2;
	p2 =	seq.s32 @!p0 s5, $0x0  }
0x1f: {  	s9 =	smul.u32 $0xF7A, s1;
	s8 =	simm.s32 @!p0 $0x1BF5;
	p2 =	por !p2, p0  }
0x20: {  	[sflag:s8] =	ssyncset.s32 @!p0 $0xFFFFF086;
	s6 =	sadd.s32 @!p0 s3, s7;
	s7 =	simm.s32 @!p0 $0x108  }
0x21: {  	s3 =	sadd.s32 s3, s9;
	s6 =	sadd.s32 @!p0 $0x88, s6;
	s7 =	simm.s32 @p2 $0x1082  }
0x22: {  	[simem:s7], [sflag:s8] =	dma.local @!p0 [hbm:s6], $0xF7A  }
0x23: {  	s9 =	sor.u32 $0xD0000000, s2;
	s6 =	simm.s32 $0x108;
	_ =	swait.ge @!p0 [sflag:s8], $0x0  }
0x24: {  	s3 =	sadd.s32 $0x88, s3;
	s6 =	simm.s32 @!p1 $0x1082;
	[sflag:s4] =	ssyncset.s32 $0xFFFFF086  }
0x25: {  	[simem:s6], [sflag:s4] =	dma.local [hbm:s3], $0xF7A  }
0x26: {  	[smem:$0x3F96] =	sst s1;
	(tag) =	ssettag s2;
	_ =	strace s9  }
0x27: {  	s1 =	sld [smem:$0x3FA6]  }
0x28: {  	s2 =	sld [smem:$0x3FA7]  }
0x29: {  	s4 =	sld [smem:$0x3FA9]  }
0x2a: {  	p0 =	seq.s32 s5, $0x0;
	s5 =	sld [smem:$0x3FAA]  }
0x2b: {  	s6 =	sld [smem:$0x3FAB]  }
0x2c: {  	s7 =	sld [smem:$0x3FAC]  }
0x2d: {  	s3 =	simm.s32 $0x108;
	s8 =	sld [smem:$0x3FAD]  }
0x2e: {  	s3 =	simm.s32 @!p0 $0x1082;
	s9 =	sld [smem:$0x3FAE]  }
0x2f: {  	lr =	sadd.s32 s0, s3;
	s0 =	sld [smem:$0x3FA5]  }
0x30: {  	s3 =	sld [smem:$0x3FA8]  }
0x31: {  	[smem:$0x3FB1] =	sst s10  }
0x32: {  	s10 =	sld [smem:$0x3FAF];
	_ =	sdelay $0x3  }
0x33: {  	p0 =	seq.s32 s10, $0x1;
	s10 =	sld [smem:$0x3FB1];
	_ =	sdelay $0x3  }
0x34: {  	[smem:$0x3FB1] =	sst s10  }
0x35: {  	s10 =	sld [smem:$0x3FB0];
	_ =	sdelay $0x3  }
0x36: {  	p1 =	seq.s32 s10, $0x1;
	s10 =	sld [smem:$0x3FB1];
	_ =	sdelay $0x3  }
0x37: {  	[smem:$0x3FB1] =	sst s10  }
0x38: {  	s10 =	sld [smem:$0x3FB2]  }
0x39: {  	_ = 	snop;
	(pc) =	sbr.ind lr, $3  }
0x3a: {  	_ = 	snop  }
0x3b: {  	_ = 	snop  }
0x3c: {  	p2 =	seq.s32 s10, $0x1;
	s10 =	sld [smem:$0x3FB1]  }
0x3d: {  	_ =	shalt  }
0x3e: {  	_ =	shalt  }
0x3f: {  	_ =	shalt  }
0x40: {  	_ =	shalt  }
0x41: {  	_ =	shalt  }
0x42: {  	_ =	shalt  }
0x43: {  	_ =	shalt  }
0x44: {  	_ =	shalt  }
0x45: {  	_ =	shalt  }
0x46: {  	_ =	shalt  }
0x47: {  	_ =	shalt  }
0x48: {  	_ =	shalt  }
0x49: {  	_ =	shalt  }
0x4a: {  	_ =	shalt  }
0x4b: {  	_ =	shalt  }
0x4c: {  	_ =	shalt  }
0x4d: {  	_ =	shalt  }
0x4e: {  	_ =	shalt  }
0x4f: {  	_ =	shalt  }
0x50: {  	_ =	shalt  }
0x51: {  	_ =	shalt  }
0x52: {  	_ =	shalt  }
0x53: {  	_ =	shalt  }
0x54: {  	_ =	shalt  }
0x55: {  	_ =	shalt  }
0x56: {  	_ =	shalt  }
0x57: {  	_ =	shalt  }
0x58: {  	_ =	shalt  }
0x59: {  	_ =	shalt  }
0x5a: {  	_ =	shalt  }
0x5b: {  	_ =	shalt  }
0x5c: {  	_ =	shalt  }
0x5d: {  	_ =	shalt  }
0x5e: {  	_ =	shalt  }
0x5f: {  	_ =	shalt  }
0x60: {  	_ =	shalt  }
0x61: {  	_ =	shalt  }
0x62: {  	_ =	shalt  }
0x63: {  	_ =	shalt  }
0x64: {  	_ =	shalt  }
0x65: {  	_ =	shalt  }
0x66: {  	_ =	shalt  }
0x67: {  	_ =	shalt  }
0x68: {  	_ =	shalt  }
0x69: {  	_ =	shalt  }
0x6a: {  	_ =	shalt  }
0x6b: {  	_ =	shalt  }
0x6c: {  	_ =	shalt  }
0x6d: {  	_ =	shalt  }
0x6e: {  	_ =	shalt  }
0x6f: {  	_ =	shalt  }
0x70: {  	_ =	shalt  }
0x71: {  	_ =	shalt  }
0x72: {  	_ =	shalt  }
0x73: {  	_ =	shalt  }
0x74: {  	_ =	shalt  }
0x75: {  	_ =	shalt  }
0x76: {  	_ =	shalt  }
0x77: {  	_ =	shalt  }
0x78: {  	_ =	shalt  }
0x79: {  	_ =	shalt  }
0x7a: {  	_ =	shalt  }
0x7b: {  	_ =	shalt  }
0x7c: {  	_ =	shalt  }
0x7d: {  	_ =	shalt  }
0x7e: {  	_ =	shalt  }
0x7f: {  	_ =	shalt  }
0x80: {  	_ =	shalt  }
0x81: {  	_ =	shalt  }
0x82: {  	_ =	shalt  }
0x83: {  	_ =	shalt  }
0x84: {  	_ =	shalt  }
0x85: {  	_ =	shalt  }
0x86: {  	_ =	shalt  }
0x87: {  	_ =	shalt  }
.Lfunc_end0:
.L_simem_size_0:
called_computation.3_lowered:
.L_overlay_start_0:
0x88: {  	s2 =	sld [smem:$0x3FD9]  }
0x89: {  	s3 =	sld [smem:$0x3FFE];
	_ =	sdelay $0x1  }
0x8a: {  	s1 =	srdreg.scid  }
0x8b: {  	s0 =	sand.u32 $0x1, s1  }
0x8c: {  	s16 =	sshll.u32 s0, $0xA;
	s2 =	sadd.s32 s3, s2  }
0x8d: {  	s2 =	sadd.s32 s2, s16  }
0x8e: {  	[smem:$0x3FBD] =	sst s2  }
0x8f: {  	_ = 	snop  }
0x90: {  	(tm) =	ssettm $0x1  }
0x91: {  	s17 =	sld [smem:$0x3FFB];
	_ =	sdelay $0x3  }
0x92: {  	_ =	strace s17  }
0x93: {  	s2 =	sld [smem:$0x3FFC];
	_ =	sdelay $0x3  }
0x94: {  	_ =	strace s2  }
0x95: {  	s2 =	sld [smem:$0x3FFD];
	_ =	sdelay $0x3  }
0x96: {  	_ =	strace s2  }
0x97: {  	_ =	strace $0x8FFFFFFF  }
0x98: {  	s18 =	sld [smem:$0x3FDB];
	_ =	sdelay $0x1  }
0x99: {  	s19 =	simm.s32 $_scs_section_size  }
0x9a: {  	s4 =	simm.s32 $_size__tile_overlayer_lowered;
	s5 =	simm.s32 $_tile_overlayer_lowered  }
0x9b: {  	s22 =	simm.s32 $0x1BFF;
	s21 =	sshll.u32 s5, $0x1;
	s2 =	sadd.s32 s19, s18  }
0x9c: {  	s6 =	simm.s32 $0x0;
	s20 =	sshll.u32 s4, $0x1;
	s4 =	sadd.s32 s21, s2  }
0x9d: {  	[timem:s6], [sflag:s22] =	dma.local [hbm:s4], s20  }
0x9e: {  	_ =	swait.ge [sflag:s22], s20  }
0x9f: {  	s3 =	ssub.s32 $0x0, s20;
	[sflag:s22] =	ssyncset.done $0x0  }
0xa0: {  	[sflag:s22] =	ssyncadd.s32 s3;
	_ =	sdelay $0x1  }
0xa1: {  	s23 =	simm.s32 $0x1B8B  }
0xa2: {  	_ =	swait.ge [sflag:s23], $0x1  }
0xa3: {  	[sflag:s23] =	ssyncset.done $0x0  }
0xa4: {  	s25 =	simm.s32 $0x1B8E;
	s24 =	sld [smem:$0x3FFE];
	[sflag:s23] =	ssyncadd.s32 $0xFFFFFFFF  }
0xa5: {  	s26 =	simm.s32 $execute0_lowered;
	[smem:$0x3FD2] =	sst s25  }
0xa6: {  	s4 =	sshll.u32 s26, $0x1;
	_ =	strace $0x8000004F;
	[dreg:$0x1] =	wrdreg $0xFFFFFFFF  }
0xa7: {  	s28 =	simm.s32 $_size_execute0_lowered;
	s2 =	sadd.s32 s2, s4;
	[dreg:$0x0] =	wrdreg $0x0  }
0xa8: {  	s4 =	sshll.u32 s28, $0x1;
	[dreg:$0x2] =	wrdreg s2  }
0xa9: {  	[dreg:$0x3] =	wrdreg s4  }
0xaa: {  	[dreg:$0x4] =	wrdreg $0xC0  }
0xab: {  	_ =	task [dreg:s6], $0x5FFFF  }
0xac: {  	[dreg:$0x1] =	wrdreg $0xFFFFFFFF  }
0xad: {  	[dreg:$0x0] =	wrdreg $0x60  }
0xae: {  	[dreg:$0x2] =	wrdreg s24  }
0xaf: {  	[dreg:$0x3] =	wrdreg $0x0  }
0xb0: {  	[dreg:$0x4] =	wrdreg $0x9  }
0xb1: {  	_ =	task.clear_ibuf [dreg:s6], $0x5FFFF;
	_ =	strace $0x9000004F  }
0xb2: {  	s29 =	simm.s32 $0x9;
	_ =	strace $0x80000051  }
0xb3: {  	_ =	swait.ge [sflag:s29], $0x1  }
0xb4: {  	[sflag:s29] =	ssyncadd.s32 $0xFFFFFFFF  }
0xb5: {  	_ =	strace $0x90000051  }
0xb6: {  	_ =	sfence  }
0xb7: {  	s30 =	sld [smem:$0x0];
	_ =	sdelay $0x2  }
0xb8: {  	s31 =	sshll.u32 s1, $0xD;
	s1 =	sshrl.u32 s1, $0x2  }
0xb9: {  	s3 =	sand.u32 $0x4000, s31;
	s1 =	sadd.s32 s1, s30  }
0xba: {  	s0 =	sor.u32 s3, s0;
	s1 =	sshll.u32 s1, $0x11  }
0xbb: {  	s0 =	sor.u32 s1, s0  }
0xbc: {  	s0 =	sadd.s32 $0x8F2B, s0  }
0xbd: {  	[sflag:s0] =	ssyncadd.remote.s32 $0x1  }
0xbe: {  	_ =	sfence.sel $0xFFFF  }
0xbf: {  	[dreg:$0x0] =	wrdreg $0xFFFFFFFF;
	(pc) =	sbr.abs _section_cstart, $3  }
0xc0: {  	[dreg:$0x1] =	wrdreg $0xFFFFFFFF  }
0xc1: {  	_ =	task.clear_ibuf [dreg:s6], $0x2FFFF;
	_ =	strace $0x9FFFFFFF  }
0xc2: {  	(tm) =	ssettm $0x7FFFFFFF  }
0xc3: {  	_ =	shalt  }
tec
execute0_lowered:
.L_overlay_start_1:
0x0: {  	(tag) =	ssettag $0x1  }
0x1: {  	s0 =	rddreg [dreg:$0x0]  }
0x2: {  	s1 =	rddreg [dreg:$0x1];
	s3 =	simm.s32 $0x0;
	s10 =	stileid.u32  }
0x3: {  	s2 =	srdreg.scid;
	s28 =	simm.s32 $0x14080;
	s29 =	simm.s32 $0x18200  }
0x4: {  	s30 =	simm.s32 $0x14100;
	s31 =	simm.s32 $0x1;
	s6 =	smul.u32 $0x9E0, s10  }
0x5: {  	[smem:$0x7FF] =	sst s3;
	s4 =	sadd.s32 $0xD200, s0;
	s8 =	smul.u32 $0x50000, s10  }
0x6: {  	s2 =	sand.u32 $0x1, s2;
	s5 =	sadd.s32 $0x5DA00, s0;
	s13 =	smul.u32 $0x14000, s10  }
0x7: {  	s11 =	sadd.s32 $0xCA00, s0;
	s12 =	smul.u32 $0x4F00, s10;
	_ =	strace $0x80000050  }
0x8: {  	s7 =	ssub.s32 $0x2, s2;
	[dreg:$0x3] =	wrdreg s11;
	s6 =	sadd.s32 s6, s0  }
0x9: {  	s9 =	sshrl.u32 s7, $0x1;
	s0 =	sadd.s32 $0x71600, s0;
	s16 =	sshrl.u32 s8, $0x2  }
0xa: {  	s15 =	sadd.s32 $0x4000, s13;
	s17 =	sadd.s32 $0x8000, s13;
	s18 =	sadd.s32 $0xC000, s13  }
0xb: {  	s14 =	ssub.s32 s7, s9;
	s7 =	sadd.s32 s16, s1;
	s16 =	smul.u32 $0x4F000, s2  }
0xc: {  	s19 =	sadd.s32 $0x10000, s13;
	s8 =	sadd.s32 s15, s1;
	s2 =	smul.u32 $0x140000, s2  }
0xd: {  	s9 =	sadd.s32 s17, s1;
	s10 =	sadd.s32 s18, s1;
	s11 =	sadd.s32 s19, s1  }
0xe: {  	s25 =	smax.u32 s14, $0x1;
	s14 =	simm.s32 $0x0;
	s12 =	sadd.s32 s12, s16  }
0xf: {  	s13 =	sadd.s32 s13, s2;
	s15 =	sadd.s32 s2, s15;
	s17 =	sadd.s32 s2, s17  }
0x10: {  	s23 =	sadd.s32 s2, s18;
	s2 =	sadd.s32 s2, s19;
	[dreg:$0x9] =	wrdreg s25  }
0x11: {  	s16 =	sadd.s32 $0x2C10, s6;
	s25 =	simm.s32 $0x14000;
	s6 =	simm.s32 $0x2  }
0x12: {  	s13 =	sshrl.u32 s13, $0x3;
	s20 =	sshrl.u32 s15, $0x3;
	s21 =	sshrl.u32 s17, $0x3  }
0x13: {  	s24 =	sshrl.u32 s12, $0x3;
	s2 =	sshrl.u32 s2, $0x3;
	s13 =	sadd.s32 s0, s13  }
0x14: {  	s22 =	sadd.s32 s0, s21;
	s17 =	sadd.s32 s5, s24;
	[dreg:$0x4] =	wrdreg s13  }
0x15: {  	s24 =	simm.s32 $0x5;
	s13 =	sadd.s32 s0, s20;
	[dreg:$0x6] =	wrdreg s22  }
.Ltmp0:
0x16: {  	s26 =	sadd.s32 $0x10, s17;
	[dreg:$0x5] =	wrdreg s13;
	(pc) =	sbr.rel .LBB2_1-.Ltmp0, $4  }
0x17: {  	s22 =	sadd.s32 $0x100, s12;
	s13 =	sshrl.u32 s23, $0x3;
	[dreg:$0xa] =	wrdreg s26  }
0x18: {  	s23 =	simm.s32 $0x14200;
	s26 =	simm.s32 $0x80;
	s13 =	sadd.s32 s0, s13  }
0x19: {  	s0 =	sadd.s32 s0, s2;
	s2 =	simm.s32 $0x14180;
	[dreg:$0x7] =	wrdreg s13  }
0x1a: {  	[dreg:$0x8] =	wrdreg s0;
	s0 =	simm.s32 $0x3;
	s13 =	simm.s32 $0x4  }
.LBB2_4:
0x1b: {  	[bflag:$0x0] =	sbarrier.arrive $0xFFFF  }
0x1c: {  	[tilespmem:s23], [sflag:$0x5] =	stream.linear.gather [spmem:s7], $0x4000, $0x38;
	[tilespmem:$0x1C200] =	vst v63  }
0x1d: {  	_ =	swait.ge [sflag:s24], $0x4000  }
0x1e: {  	[sflag:s24] =	ssyncset.done $0x0  }
0x1f: {  	s15 =	rddreg [dreg:$0x4];
	[sflag:s24] =	ssyncadd.s32 $0xFFFFC000  }
0x20: {  	[hbm4b:s15+s3] =	stream.linear.scatter [tilespmem:s23], [sflag:$0x5], $0x4000, $0x38;
	[tilespmem:$0x1C200] =	vst v63  }
0x21: {  	_ =	swait.ge [sflag:s24], $0x4000  }
0x22: {  	[sflag:s24] =	ssyncset.done $0x0  }
0x23: {  	[sflag:s24] =	ssyncadd.s32 $0xFFFFC000  }
0x24: {  	[tilespmem:s23], [sflag:$0x5] =	stream.linear.gather [spmem:s8], $0x4000, $0x38;
	[tilespmem:$0x1C200] =	vst v63  }
0x25: {  	_ =	swait.ge [sflag:s24], $0x4000  }
0x26: {  	[sflag:s24] =	ssyncset.done $0x0  }
0x27: {  	s21 =	rddreg [dreg:$0x5];
	[sflag:s24] =	ssyncadd.s32 $0xFFFFC000  }
0x28: {  	[hbm4b:s21+s3] =	stream.linear.scatter [tilespmem:s23], [sflag:$0x5], $0x4000, $0x38;
	[tilespmem:$0x1C200] =	vst v63  }
0x29: {  	_ =	swait.ge [sflag:s24], $0x4000  }
0x2a: {  	[sflag:s24] =	ssyncset.done $0x0  }
0x2b: {  	[sflag:s24] =	ssyncadd.s32 $0xFFFFC000  }
0x2c: {  	[tilespmem:s23], [sflag:$0x5] =	stream.linear.gather [spmem:s9], $0x4000, $0x38;
	[tilespmem:$0x1C200] =	vst v63  }
0x2d: {  	_ =	swait.ge [sflag:s24], $0x4000  }
0x2e: {  	[sflag:s24] =	ssyncset.done $0x0  }
0x2f: {  	s18 =	rddreg [dreg:$0x6];
	[sflag:s24] =	ssyncadd.s32 $0xFFFFC000  }
0x30: {  	[hbm4b:s18+s3] =	stream.linear.scatter [tilespmem:s23], [sflag:$0x5], $0x4000, $0x38;
	[tilespmem:$0x1C200] =	vst v63  }
0x31: {  	_ =	swait.ge [sflag:s24], $0x4000  }
0x32: {  	[sflag:s24] =	ssyncset.done $0x0  }
0x33: {  	[sflag:s24] =	ssyncadd.s32 $0xFFFFC000  }
0x34: {  	[tilespmem:s23], [sflag:$0x5] =	stream.linear.gather [spmem:s10], $0x4000, $0x38;
	[tilespmem:$0x1C200] =	vst v63  }
0x35: {  	_ =	swait.ge [sflag:s24], $0x4000  }
0x36: {  	[sflag:s24] =	ssyncset.done $0x0  }
0x37: {  	s19 =	rddreg [dreg:$0x7];
	[sflag:s24] =	ssyncadd.s32 $0xFFFFC000  }
0x38: {  	[hbm4b:s19+s3] =	stream.linear.scatter [tilespmem:s23], [sflag:$0x5], $0x4000, $0x38;
	[tilespmem:$0x1C200] =	vst v63  }
0x39: {  	_ =	swait.ge [sflag:s24], $0x4000  }
0x3a: {  	[sflag:s24] =	ssyncset.done $0x0  }
0x3b: {  	[sflag:s24] =	ssyncadd.s32 $0xFFFFC000  }
0x3c: {  	[tilespmem:s23], [sflag:$0x5] =	stream.linear.gather [spmem:s11], $0x4000, $0x38;
	[tilespmem:$0x1C200] =	vst v63  }
0x3d: {  	_ =	swait.ge [sflag:s24], $0x4000  }
0x3e: {  	[sflag:s24] =	ssyncset.done $0x0  }
0x3f: {  	s20 =	rddreg [dreg:$0x8];
	[sflag:s24] =	ssyncadd.s32 $0xFFFFC000  }
0x40: {  	[hbm4b:s20+s3] =	stream.linear.scatter [tilespmem:s23], [sflag:$0x5], $0x4000, $0x38;
	[tilespmem:$0x1C200] =	vst v63  }
0x41: {  	_ =	swait.ge [sflag:s24], $0x4000  }
0x42: {  	s14 =	sadd.s32 $0x1, s14;
	s21 =	rddreg [dreg:$0x9]  }
0x43: {  	p0 =	sne.s32 s14, s21  }
.Ltmp1:
0x44: {  	_ = 	snop;
	(pc) =	sbr.rel @!p0 .LBB2_5-.Ltmp1, $3  }
0x45: {  	_ =	sdelay $0x1  }
0x46: {  	[sflag:s24] =	ssyncset.done $0x0  }
0x47: {  	[sflag:s24] =	ssyncadd.s32 $0xFFFFC000  }
.LBB2_1:
0x48: {  	s15 =	rddreg [dreg:$0x3]  }
0x49: {  	[tilespmem:s23], [sflag:$0x5] =	stream.linear.gather [hbm4b:s15+s3], $0x4000, $0x38;
	[tilespmem:$0x1C200] =	vst v63  }
0x4a: {  	_ =	swait.ge [sflag:s24], $0x4000  }
0x4b: {  	[sflag:s24] =	ssyncset.done $0x0  }
0x4c: {  	[sflag:s24] =	ssyncadd.s32 $0xFFFFC000  }
0x4d: {  	[spmem:s7] =	stream.linear.scatter [tilespmem:s23], [sflag:$0x5], $0x4000, $0x38;
	[tilespmem:$0x1C200] =	vst v63  }
0x4e: {  	_ =	swait.ge [sflag:s24], $0x4000  }
0x4f: {  	[sflag:s24] =	ssyncset.done $0x0  }
0x50: {  	[sflag:s24] =	ssyncadd.s32 $0xFFFFC000  }
0x51: {  	[spmem:s8] =	stream.linear.scatter [tilespmem:s23], [sflag:$0x5], $0x4000, $0x38;
	[tilespmem:$0x1C200] =	vst v63  }
0x52: {  	_ =	swait.ge [sflag:s24], $0x4000  }
0x53: {  	[sflag:s24] =	ssyncset.done $0x0  }
0x54: {  	[sflag:s24] =	ssyncadd.s32 $0xFFFFC000  }
0x55: {  	[spmem:s9] =	stream.linear.scatter [tilespmem:s23], [sflag:$0x5], $0x4000, $0x38;
	[tilespmem:$0x1C200] =	vst v63  }
0x56: {  	_ =	swait.ge [sflag:s24], $0x4000  }
0x57: {  	[sflag:s24] =	ssyncset.done $0x0  }
0x58: {  	[sflag:s24] =	ssyncadd.s32 $0xFFFFC000  }
0x59: {  	[spmem:s10] =	stream.linear.scatter [tilespmem:s23], [sflag:$0x5], $0x4000, $0x38;
	[tilespmem:$0x1C200] =	vst v63  }
0x5a: {  	_ =	swait.ge [sflag:s24], $0x4000  }
0x5b: {  	[sflag:s24] =	ssyncset.done $0x0  }
0x5c: {  	[sflag:s24] =	ssyncadd.s32 $0xFFFFC000  }
0x5d: {  	[spmem:s11] =	stream.linear.scatter [tilespmem:s23], [sflag:$0x5], $0x4000, $0x38;
	[tilespmem:$0x1C200] =	vst v63  }
0x5e: {  	_ =	swait.ge [sflag:s24], $0x4000  }
0x5f: {  	[sflag:s24] =	ssyncset.done $0x0  }
0x60: {  	[sflag:s24] =	ssyncadd.s32 $0xFFFFC000  }
0x61: {  	[bflag:$0x0] =	sbarrier.arrive $0xFFFF  }
0x62: {  	[tilespmem:s25], [sflag:$0x5] =	stream.linear.gather [hbm4b:s17+s3], $0x80, $0x38;
	[tilespmem:$0x1C200] =	vst v63  }
0x63: {  	_ =	swait.ge [sflag:s24], $0x80  }
0x64: {  	[sflag:s24] =	ssyncset.done $0x0  }
0x65: {  	[sflag:s24] =	ssyncadd.s32 $0xFFFFFF80  }
0x66: {  	[tilespmem:s23], [sflag:$0x1] =	stream.indirect.gather [hbm4b:s4+s26], $0x80, s25, s26, $0xb8;
	[tilespmem:$0x1C200] =	vst v63  }
0x67: {  	s21 =	rddreg [dreg:$0xa]  }
0x68: {  	[tilespmem:s28], [sflag:$0x5] =	stream.linear.gather [hbm4b:s21+s3], $0x80, $0x38;
	[tilespmem:$0x1C200] =	vst v63  }
0x69: {  	_ =	swait.ge [sflag:s24], $0x80  }
0x6a: {  	[sflag:s24] =	ssyncset.done $0x0  }
0x6b: {  	s15 =	simm.s32 $0x180;
	s21 =	smov.u32 s16;
	[sflag:s24] =	ssyncadd.s32 $0xFFFFFF80  }
0x6c: {  	[tilespmem:s29], [sflag:$0x2] =	stream.indirect.gather [hbm4b:s4+s26], $0x80, s28, s26, $0xb8;
	[tilespmem:$0x1C200] =	vst v63  }
.LBB2_2:
0x6d: {  	s18 =	sadd.s32 $0xFFFFFFF0, s21  }
0x6e: {  	[tilespmem:s30], [sflag:$0x5] =	stream.linear.gather [hbm4b:s18+s3], $0x80, $0x38;
	[tilespmem:$0x1C200] =	vst v63  }
0x6f: {  	_ =	swait.ge [sflag:s24], $0x80  }
0x70: {  	[sflag:s24] =	ssyncset.done $0x0  }
0x71: {  	[sflag:s24] =	ssyncadd.s32 $0xFFFFFF80  }
0x72: {  	_ =	swait.ge [sflag:s31], $0x4000  }
0x73: {  	p0 =	seq.s32 s15, $0x4F80;
	[sflag:s31] =	ssyncset.done $0x0  }
0x74: {  	s18 =	sadd.s32 @!p0 s15, s22;
	[sflag:s31] =	ssyncadd.s32 $0xFFFFC000  }
0x75: {  	[spmem:s1] =	stream.indirect.scatter.add.f32 [tilespmem:s23], [sflag:$0x3], $0x80, s30, s26, $0xb8;
	[tilespmem:$0x1C200] =	vst v63  }
0x76: {  	s18 =	sadd.s32 @!p0 $0xFFFFFE80, s18;
	_ =	swait.ge [sflag:s0], $0x4000  }
0x77: {  	s19 =	simm.s32 @!p0 $0x0;
	s18 =	sshrl.u32 @!p0 s18, $0x3;
	[sflag:s0] =	ssyncset.done $0x0  }
0x78: {  	s20 =	simm.s32 @!p0 $0x14000;
	s18 =	sadd.s32 @!p0 s5, s18;
	[sflag:s0] =	ssyncadd.s32 $0xFFFFC000  }
0x79: {  	[tilespmem:s20], [sflag:$0x5] =	stream.linear.gather @!p0 [hbm4b:s18+s19], $0x80, $0x38;
	[tilespmem:$0x1C200] =	vst v63  }
0x7a: {  	s18 =	simm.s32 @!p0 $0x5  }
0x7b: {  	_ =	swait.ge @!p0 [sflag:s18], $0x80  }
0x7c: {  	[sflag:s18] =	ssyncset.done @!p0 $0x0  }
0x7d: {  	s19 =	simm.s32 @!p0 $0x14200;
	[sflag:s18] =	ssyncadd.s32 @!p0 $0xFFFFFF80;
	s18 =	simm.s32 @!p0 $0x80  }
0x7e: {  	[tilespmem:s19], [sflag:$0x1] =	stream.indirect.gather @!p0 [hbm4b:s4+s18], $0x80, s20, s18, $0xb8;
	[tilespmem:$0x1C200] =	vst v63  }
0x7f: {  	_ = 	snop  }
0x80: {  	[tilespmem:s2], [sflag:$0x5] =	stream.linear.gather [hbm4b:s21+s3], $0x80, $0x38;
	[tilespmem:$0x1C200] =	vst v63  }
0x81: {  	_ =	swait.ge [sflag:s24], $0x80  }
0x82: {  	[sflag:s24] =	ssyncset.done $0x0  }
0x83: {  	[sflag:s24] =	ssyncadd.s32 $0xFFFFFF80  }
0x84: {  	_ =	swait.ge [sflag:s6], $0x4000  }
0x85: {  	[sflag:s6] =	ssyncset.done $0x0  }
.Ltmp2:
0x86: {  	[sflag:s6] =	ssyncadd.s32 $0xFFFFC000;
	(pc) =	sbr.rel @p0 .LBB2_4-.Ltmp2, $4  }
0x87: {  	[spmem:s1] =	stream.indirect.scatter.add.f32 [tilespmem:s29], [sflag:$0x4], $0x80, s2, s26, $0xb8;
	[tilespmem:$0x1C200] =	vst v63  }
0x88: {  	_ =	swait.ge [sflag:s13], $0x4000  }
0x89: {  	[sflag:s13] =	ssyncset.done $0x0  }
0x8a: {  	[sflag:s13] =	ssyncadd.s32 $0xFFFFC000  }
0x8b: {  	s18 =	smov.u32 s15  }
0x8c: {  	s18 =	simm.s32 @p0 $0x4F80  }
0x8d: {  	s18 =	sadd.s32 s18, s12  }
0x8e: {  	s18 =	sshrl.u32 s18, $0x3  }
0x8f: {  	s18 =	sadd.s32 s5, s18  }
0x90: {  	[tilespmem:s28], [sflag:$0x5] =	stream.linear.gather [hbm4b:s18+s3], $0x80, $0x38;
	[tilespmem:$0x1C200] =	vst v63  }
.Ltmp3:
0x91: {  	_ = 	snop;
	(pc) =	sbr.rel .LBB2_2-.Ltmp3, $4  }
0x92: {  	_ =	swait.ge [sflag:s24], $0x80  }
0x93: {  	[sflag:s24] =	ssyncset.done $0x0  }
0x94: {  	s15 =	sadd.s32 $0x100, s15;
	s21 =	sadd.s32 $0x20, s21;
	[sflag:s24] =	ssyncadd.s32 $0xFFFFFF80  }
0x95: {  	[tilespmem:s29], [sflag:$0x2] =	stream.indirect.gather [hbm4b:s4+s26], $0x80, s28, s26, $0xb8;
	[tilespmem:$0x1C200] =	vst v63  }
.LBB2_5:
0x96: {  	_ =	sfence.sel $0x180000  }
0x97: {  	[bflag:$0x0] =	sbarrier.arrive $0xFFFF  }
0x98: {  	_ =	strace $0x90000050  }
0x99: {  	s0 =	stileid.u32;
	[bflag:$0x2] =	sbarrier.arrive $0xFFFF  }
0x9a: {  	p0 =	sne.s32 s0, $0x0;
	s0 =	rddreg [dreg:$0x2]  }
0x9b: {  	s0 =	sadd.s32 @!p0 $0x100000, s0  }
0x9c: {  	[sflag:s0] =	ssyncadd.tile.s32 @!p0 $0x1;
	_ =	shalt  }
.Lfunc_end2:
_tile_overlayer_lowered:
.L_overlay_start_2:
0x9d: {  	(tag) =	ssettag $0x2  }
0x9e: {  	s0 =	rddreg [dreg:$0x0];
	s2 =	stileid.u32  }
0x9f: {  	s1 =	rddreg [dreg:$0x1];
	p0 =	sne.s32 s2, $0x0  }
0xa0: {  	s3 =	rddreg [dreg:$0x2];
	[bflag:$0x3] =	sbarrier.arrive $0xFFFF;
	s2 =	simm.s32 @!p0 $0x1C05  }
0xa1: {  	[timem:s3], [sflag:s2] =	dma.local @!p0 [hbm:s0], s1  }
0xa2: {  	s0 =	simm.s32 @!p0 $0x5  }
0xa3: {  	_ =	swait.ge @!p0 [sflag:s0], s1  }
0xa4: {  	s1 =	ssub.s32 @!p0 $0x0, s1;
	[sflag:s0] =	ssyncset.done @!p0 $0x0  }
0xa5: {  	[sflag:s0] =	ssyncadd.s32 @!p0 s1  }
0xa6: {  	[bflag:$0x3] =	sbarrier.arrive $0xFFFF  }
0xa7: {  	_ =	shalt  }

</sc_bundles>
